<compile_context>
chip_gen: v7x
topology: tpu7x:2x2x1
jax: 0.10.2.dev20260603
libtpu: 0.0.44.dev20260713+nightly
codegen_flags: <defaults>
</compile_context>

<pallas_src>
import functools

import jax
import jax.numpy as jnp
from jax import lax
from jax.experimental import pallas as pl
from jax.experimental.pallas import tpu as pltpu
from jax.experimental.pallas import tpu_sc as plsc

V = 1000
D = 1000
NT = 7
TAIL = D - NT * 128
BT = 1024 * 200
NC, NS = 2, 16
NW = NC * NS
B_PER_W = BT // NW
CHUNK = 40
N_CHUNKS = B_PER_W // CHUNK
TAIL_COPIES = tuple(
    (128 - TAIL + k * 16, NT * 128 + k * 16) for k in range(TAIL // 16)
)


def _sc_gather(idx_flat, table, table_tail):
    mesh = plsc.VectorSubcoreMesh(core_axis_name="c", subcore_axis_name="s")

    @functools.partial(
        pl.kernel,
        mesh=mesh,
        out_type=jax.ShapeDtypeStruct((BT, D), jnp.float32),
        scratch_types=[
            pltpu.VMEM((B_PER_W,), jnp.int32),
            pltpu.VMEM((CHUNK, D), jnp.float32),
            pltpu.VMEM((CHUNK, D), jnp.float32),
            pltpu.VMEM((CHUNK, 128), jnp.float32),
            pltpu.VMEM((CHUNK, 128), jnp.float32),
            pltpu.SemaphoreType.DMA,
            pltpu.SemaphoreType.DMA,
        ],
        compiler_params=pltpu.CompilerParams(needs_layout_passes=False),
    )
    def k(idx_hbm, table_hbm, tail_hbm, out_hbm,
          idx_v, rows_a, rows_b, last_a, last_b, sem_g, sem_w):
        wid = lax.axis_index("s") * NC + lax.axis_index("c")
        base = wid * B_PER_W
        pltpu.sync_copy(idx_hbm.at[pl.ds(base, B_PER_W)], idx_v)

        def gathers(g, rows, last):
            s = idx_v.at[pl.ds(g * CHUNK, CHUNK)]
            for j in range(NT):
                pltpu.async_copy(
                    table_hbm.at[s, pl.ds(j * 128, 128)],
                    rows.at[:, pl.ds(j * 128, 128)],
                    sem_g,
                )
            pltpu.async_copy(tail_hbm.at[s], last, sem_g)

        def wait_gathers():
            for _ in range(NT + 1):
                pltpu.make_async_copy(
                    tail_hbm.at[idx_v.at[pl.ds(0, CHUNK)]], last_a, sem_g
                ).wait()

        def tailpass(rows, last):
            col_ids = lax.iota(jnp.int32, 16) + (D - 16)

            def rbody(r, carry):
                for src, dst in TAIL_COPIES:
                    rows[r, pl.ds(dst, 16)] = last[r, pl.ds(src, 16)]
                x = last[r, pl.ds(112, 16)]
                row_ids = jnp.full((16,), r, dtype=jnp.int32)
                plsc.store_scatter(rows, [row_ids, col_ids], x)
                return carry

            lax.fori_loop(0, CHUNK, rbody, 0)

        def wr(g, rows):
            pltpu.async_copy(
                rows, out_hbm.at[pl.ds(base + g * CHUNK, CHUNK)], sem_w
            )

        def wait_write():
            pltpu.make_async_copy(
                rows_a, out_hbm.at[pl.ds(base, CHUNK)], sem_w
            ).wait()

        gathers(0, rows_a, last_a)
        wait_gathers()
        tailpass(rows_a, last_a)
        wr(0, rows_a)
        gathers(1, rows_b, last_b)

        def body(h, carry):
            g = 2 * h + 1
            wait_gathers()
            wait_write()
            gathers(g + 1, rows_a, last_a)
            tailpass(rows_b, last_b)
            wr(g, rows_b)
            wait_gathers()
            wait_write()
            gathers(g + 2, rows_b, last_b)
            tailpass(rows_a, last_a)
            wr(g + 1, rows_a)
            return carry

        lax.fori_loop(0, (N_CHUNKS - 2) // 2, body, 0)
        wait_gathers()
        wait_write()
        tailpass(rows_b, last_b)
        wr(N_CHUNKS - 1, rows_b)
        wait_write()

    return k(idx_flat, table, table_tail)


def kernel(idx, token_embedding_table):
    idx_flat = idx.reshape(-1).astype(jnp.int32)
    table_tail = token_embedding_table[:, D - 128:]
    out = _sc_gather(idx_flat, token_embedding_table, table_tail)
    return out.reshape(idx.shape[0], idx.shape[1], D)

# --- scband reference (transcript-rebuilt; emitter-appended) ---
"""Pipeline reference for scband-bigram-language-model-27736898798218 (READ-ONLY COPY).

The authoritative reference and input builder live on the scoring server;
editing this copy changes nothing except your own understanding.
"""

import jax, jax.numpy as jnp
import numpy as np

VOCAB_SIZE = 1000
B, T = 1024, 200

def setup_inputs(seed: int = 0) -> dict:
    key = jax.random.key(seed)
    k_idx, k_tab = jax.random.split(key)
    idx = jax.random.randint(k_idx, (B, T), 0, VOCAB_SIZE, dtype=jnp.int64 if jax.config.jax_enable_x64 else jnp.int32)
    # nn.Embedding default init: N(0, 1)
    token_embedding_table = jax.random.normal(k_tab, (VOCAB_SIZE, VOCAB_SIZE), dtype=jnp.float32)
    return {"idx": idx, "token_embedding_table": token_embedding_table}

def reference(idx, token_embedding_table):
    # BigramLanguageModel.forward with targets=None:
    #   logits = self.token_embedding_table(idx)  -> (B, T, C)
    #   loss = None
    logits = jnp.take(token_embedding_table, idx, axis=0)
    return logits

if __name__ == "__main__":
    import jax
    _d = setup_inputs()
    print(jax.jit(kernel)(*tuple(_d.values())))

</pallas_src>

<mosaic_0001>
#map = affine_map<(d0, d1) -> (0)>
#map1 = affine_map<(d0, d1) -> (0, 0)>
module attributes {stable_mosaic.version = 14 : i64} {
  func.func @k(%arg0: i32, %arg1: i32, %arg2: memref<204800xi32, #tpu.memory_space<hbm>>, %arg3: memref<1000x1000xf32, #tpu.memory_space<hbm>>, %arg4: memref<1000x128xf32, #tpu.memory_space<hbm>>, %arg5: memref<204800x1000xf32, #tpu.memory_space<hbm>>, %arg6: memref<6400xi32, #tpu.memory_space<vmem>>, %arg7: memref<40x1000xf32, #tpu.memory_space<vmem>>, %arg8: memref<40x1000xf32, #tpu.memory_space<vmem>>, %arg9: memref<40x128xf32, #tpu.memory_space<vmem>>, %arg10: memref<40x128xf32, #tpu.memory_space<vmem>>, %arg11: memref<!tpu.dma_semaphore, #tpu.memory_space<semaphore_mem>>, %arg12: memref<!tpu.dma_semaphore, #tpu.memory_space<semaphore_mem>>) attributes {dimension_semantics = [#tpu.dimension_semantics<core_parallel>, #tpu.dimension_semantics<subcore_parallel>], iteration_bounds = array<i64: 2, 16>, scalar_prefetch = 0 : i64, scratch_operands = 7 : i64, tpu.core_type = #tpu.core_type<sc_vector_subcore>, window_params = [{transform_indices = #map}, {transform_indices = #map1}, {transform_indices = #map1}, {transform_indices = #map1}]} {
    %mul3A = arith.constant 2 : i32
    %mul3A_0 = arith.muli %arg1, %mul3A : i32
    %add3A = arith.addi %mul3A_0, %arg0 : i32
    %mul3A_1 = arith.constant 6400 : i32
    %mul3A_2 = arith.muli %add3A, %mul3A_1 : i32
    "tpu.region"() ({
      %run_scoped3A = tpu.sem_alloc : memref<!tpu.dma_semaphore, #tpu.memory_space<semaphore_mem>>
      %dma_start3A_247 = tpu.memref_slice %arg2[%mul3A_2] : memref<204800xi32, #tpu.memory_space<hbm>> -> memref<6400xi32, #tpu.memory_space<hbm>>
      %dma_start3A_248 = tpu.memref_slice %arg2[%mul3A_2] : memref<204800xi32, #tpu.memory_space<hbm>> -> memref<6400xi32, #tpu.memory_space<hbm>>
      tpu.enqueue_dma source(%dma_start3A_248 : memref<6400xi32, #tpu.memory_space<hbm>>) target(%arg6 : memref<6400xi32, #tpu.memory_space<vmem>>) target_semaphore(%run_scoped3A : memref<!tpu.dma_semaphore, #tpu.memory_space<semaphore_mem>>)
      %dma_wait3A_249 = tpu.memref_slice %arg2[%mul3A_2] : memref<204800xi32, #tpu.memory_space<hbm>> -> memref<6400xi32, #tpu.memory_space<hbm>>
      %dma_wait3A_250 = tpu.memref_slice %arg2[%mul3A_2] : memref<204800xi32, #tpu.memory_space<hbm>> -> memref<6400xi32, #tpu.memory_space<hbm>>
      tpu.wait_dma2 semaphore(%run_scoped3A : memref<!tpu.dma_semaphore, #tpu.memory_space<semaphore_mem>>) src(%dma_wait3A_250 : memref<6400xi32, #tpu.memory_space<hbm>>) dst(%arg6 : memref<6400xi32, #tpu.memory_space<vmem>>)
      tpu.yield
    }) : () -> ()
    %dma_start3A = arith.constant 0 : i32
    %dma_start3A_3 = arith.constant 0 : i32
    %dma_start3A_4 = tpu.memref_slice %arg7[%dma_start3A, %dma_start3A_3] : memref<40x1000xf32, #tpu.memory_space<vmem>> -> memref<40x128xf32, #tpu.memory_space<vmem>>
    %dma_start3A_5 = arith.constant 0 : i32
    %dma_start3A_6 = tpu.memref_slice %arg6[%dma_start3A_5] : memref<6400xi32, #tpu.memory_space<vmem>> -> memref<40xi32, #tpu.memory_space<vmem>>
    %dma_start3A_7 = arith.constant 0 : i32
    %dma_start3A_8 = arith.constant 0 : i32
    %dma_start3A_9 = tpu.memref_slice %arg3[%dma_start3A_7, %dma_start3A_8] : memref<1000x1000xf32, #tpu.memory_space<hbm>> -> memref<1000x128xf32, #tpu.memory_space<hbm>>
    tpu.enqueue_indirect_dma source(%dma_start3A_9 : memref<1000x128xf32, #tpu.memory_space<hbm>>) target(%dma_start3A_4 : memref<40x128xf32, #tpu.memory_space<vmem>>) offsets(%dma_start3A_6 : memref<40xi32, #tpu.memory_space<vmem>>) semaphore(%arg11 : memref<!tpu.dma_semaphore, #tpu.memory_space<semaphore_mem>>)
    %dma_start3A_10 = arith.constant 0 : i32
    %dma_start3A_11 = arith.constant 128 : i32
    %dma_start3A_12 = tpu.memref_slice %arg7[%dma_start3A_10, %dma_start3A_11] : memref<40x1000xf32, #tpu.memory_space<vmem>> -> memref<40x128xf32, #tpu.memory_space<vmem>>
    %dma_start3A_13 = arith.constant 0 : i32
    %dma_start3A_14 = tpu.memref_slice %arg6[%dma_start3A_13] : memref<6400xi32, #tpu.memory_space<vmem>> -> memref<40xi32, #tpu.memory_space<vmem>>
    %dma_start3A_15 = arith.constant 0 : i32
    %dma_start3A_16 = arith.constant 128 : i32
    %dma_start3A_17 = tpu.memref_slice %arg3[%dma_start3A_15, %dma_start3A_16] : memref<1000x1000xf32, #tpu.memory_space<hbm>> -> memref<1000x128xf32, #tpu.memory_space<hbm>>
    tpu.enqueue_indirect_dma source(%dma_start3A_17 : memref<1000x128xf32, #tpu.memory_space<hbm>>) target(%dma_start3A_12 : memref<40x128xf32, #tpu.memory_space<vmem>>) offsets(%dma_start3A_14 : memref<40xi32, #tpu.memory_space<vmem>>) semaphore(%arg11 : memref<!tpu.dma_semaphore, #tpu.memory_space<semaphore_mem>>)
    %dma_start3A_18 = arith.constant 0 : i32
    %dma_start3A_19 = arith.constant 256 : i32
    %dma_start3A_20 = tpu.memref_slice %arg7[%dma_start3A_18, %dma_start3A_19] : memref<40x1000xf32, #tpu.memory_space<vmem>> -> memref<40x128xf32, #tpu.memory_space<vmem>>
    %dma_start3A_21 = arith.constant 0 : i32
    %dma_start3A_22 = tpu.memref_slice %arg6[%dma_start3A_21] : memref<6400xi32, #tpu.memory_space<vmem>> -> memref<40xi32, #tpu.memory_space<vmem>>
    %dma_start3A_23 = arith.constant 0 : i32
    %dma_start3A_24 = arith.constant 256 : i32
    %dma_start3A_25 = tpu.memref_slice %arg3[%dma_start3A_23, %dma_start3A_24] : memref<1000x1000xf32, #tpu.memory_space<hbm>> -> memref<1000x128xf32, #tpu.memory_space<hbm>>
    tpu.enqueue_indirect_dma source(%dma_start3A_25 : memref<1000x128xf32, #tpu.memory_space<hbm>>) target(%dma_start3A_20 : memref<40x128xf32, #tpu.memory_space<vmem>>) offsets(%dma_start3A_22 : memref<40xi32, #tpu.memory_space<vmem>>) semaphore(%arg11 : memref<!tpu.dma_semaphore, #tpu.memory_space<semaphore_mem>>)
    %dma_start3A_26 = arith.constant 0 : i32
    %dma_start3A_27 = arith.constant 384 : i32
    %dma_start3A_28 = tpu.memref_slice %arg7[%dma_start3A_26, %dma_start3A_27] : memref<40x1000xf32, #tpu.memory_space<vmem>> -> memref<40x128xf32, #tpu.memory_space<vmem>>
    %dma_start3A_29 = arith.constant 0 : i32
    %dma_start3A_30 = tpu.memref_slice %arg6[%dma_start3A_29] : memref<6400xi32, #tpu.memory_space<vmem>> -> memref<40xi32, #tpu.memory_space<vmem>>
    %dma_start3A_31 = arith.constant 0 : i32
    %dma_start3A_32 = arith.constant 384 : i32
    %dma_start3A_33 = tpu.memref_slice %arg3[%dma_start3A_31, %dma_start3A_32] : memref<1000x1000xf32, #tpu.memory_space<hbm>> -> memref<1000x128xf32, #tpu.memory_space<hbm>>
    tpu.enqueue_indirect_dma source(%dma_start3A_33 : memref<1000x128xf32, #tpu.memory_space<hbm>>) target(%dma_start3A_28 : memref<40x128xf32, #tpu.memory_space<vmem>>) offsets(%dma_start3A_30 : memref<40xi32, #tpu.memory_space<vmem>>) semaphore(%arg11 : memref<!tpu.dma_semaphore, #tpu.memory_space<semaphore_mem>>)
    %dma_start3A_34 = arith.constant 0 : i32
    %dma_start3A_35 = arith.constant 512 : i32
    %dma_start3A_36 = tpu.memref_slice %arg7[%dma_start3A_34, %dma_start3A_35] : memref<40x1000xf32, #tpu.memory_space<vmem>> -> memref<40x128xf32, #tpu.memory_space<vmem>>
    %dma_start3A_37 = arith.constant 0 : i32
    %dma_start3A_38 = tpu.memref_slice %arg6[%dma_start3A_37] : memref<6400xi32, #tpu.memory_space<vmem>> -> memref<40xi32, #tpu.memory_space<vmem>>
    %dma_start3A_39 = arith.constant 0 : i32
    %dma_start3A_40 = arith.constant 512 : i32
    %dma_start3A_41 = tpu.memref_slice %arg3[%dma_start3A_39, %dma_start3A_40] : memref<1000x1000xf32, #tpu.memory_space<hbm>> -> memref<1000x128xf32, #tpu.memory_space<hbm>>
    tpu.enqueue_indirect_dma source(%dma_start3A_41 : memref<1000x128xf32, #tpu.memory_space<hbm>>) target(%dma_start3A_36 : memref<40x128xf32, #tpu.memory_space<vmem>>) offsets(%dma_start3A_38 : memref<40xi32, #tpu.memory_space<vmem>>) semaphore(%arg11 : memref<!tpu.dma_semaphore, #tpu.memory_space<semaphore_mem>>)
    %dma_start3A_42 = arith.constant 0 : i32
    %dma_start3A_43 = arith.constant 640 : i32
    %dma_start3A_44 = tpu.memref_slice %arg7[%dma_start3A_42, %dma_start3A_43] : memref<40x1000xf32, #tpu.memory_space<vmem>> -> memref<40x128xf32, #tpu.memory_space<vmem>>
    %dma_start3A_45 = arith.constant 0 : i32
    %dma_start3A_46 = tpu.memref_slice %arg6[%dma_start3A_45] : memref<6400xi32, #tpu.memory_space<vmem>> -> memref<40xi32, #tpu.memory_space<vmem>>
    %dma_start3A_47 = arith.constant 0 : i32
    %dma_start3A_48 = arith.constant 640 : i32
    %dma_start3A_49 = tpu.memref_slice %arg3[%dma_start3A_47, %dma_start3A_48] : memref<1000x1000xf32, #tpu.memory_space<hbm>> -> memref<1000x128xf32, #tpu.memory_space<hbm>>
    tpu.enqueue_indirect_dma source(%dma_start3A_49 : memref<1000x128xf32, #tpu.memory_space<hbm>>) target(%dma_start3A_44 : memref<40x128xf32, #tpu.memory_space<vmem>>) offsets(%dma_start3A_46 : memref<40xi32, #tpu.memory_space<vmem>>) semaphore(%arg11 : memref<!tpu.dma_semaphore, #tpu.memory_space<semaphore_mem>>)
    %dma_start3A_50 = arith.constant 0 : i32
    %dma_start3A_51 = arith.constant 768 : i32
    %dma_start3A_52 = tpu.memref_slice %arg7[%dma_start3A_50, %dma_start3A_51] : memref<40x1000xf32, #tpu.memory_space<vmem>> -> memref<40x128xf32, #tpu.memory_space<vmem>>
    %dma_start3A_53 = arith.constant 0 : i32
    %dma_start3A_54 = tpu.memref_slice %arg6[%dma_start3A_53] : memref<6400xi32, #tpu.memory_space<vmem>> -> memref<40xi32, #tpu.memory_space<vmem>>
    %dma_start3A_55 = arith.constant 0 : i32
    %dma_start3A_56 = arith.constant 768 : i32
    %dma_start3A_57 = tpu.memref_slice %arg3[%dma_start3A_55, %dma_start3A_56] : memref<1000x1000xf32, #tpu.memory_space<hbm>> -> memref<1000x128xf32, #tpu.memory_space<hbm>>
    tpu.enqueue_indirect_dma source(%dma_start3A_57 : memref<1000x128xf32, #tpu.memory_space<hbm>>) target(%dma_start3A_52 : memref<40x128xf32, #tpu.memory_space<vmem>>) offsets(%dma_start3A_54 : memref<40xi32, #tpu.memory_space<vmem>>) semaphore(%arg11 : memref<!tpu.dma_semaphore, #tpu.memory_space<semaphore_mem>>)
    %dma_start3A_58 = arith.constant 0 : i32
    %dma_start3A_59 = tpu.memref_slice %arg6[%dma_start3A_58] : memref<6400xi32, #tpu.memory_space<vmem>> -> memref<40xi32, #tpu.memory_space<vmem>>
    %dma_start3A_60 = arith.constant 0 : i32
    %dma_start3A_61 = arith.constant 0 : i32
    %dma_start3A_62 = tpu.memref_slice %arg4[%dma_start3A_60, %dma_start3A_61] : memref<1000x128xf32, #tpu.memory_space<hbm>> -> memref<1000x128xf32, #tpu.memory_space<hbm>>
    tpu.enqueue_indirect_dma source(%dma_start3A_62 : memref<1000x128xf32, #tpu.memory_space<hbm>>) target(%arg9 : memref<40x128xf32, #tpu.memory_space<vmem>>) offsets(%dma_start3A_59 : memref<40xi32, #tpu.memory_space<vmem>>) semaphore(%arg11 : memref<!tpu.dma_semaphore, #tpu.memory_space<semaphore_mem>>)
    %dma_wait3A = arith.constant 0 : i32
    %dma_wait3A_63 = tpu.memref_slice %arg6[%dma_wait3A] : memref<6400xi32, #tpu.memory_space<vmem>> -> memref<40xi32, #tpu.memory_space<vmem>>
    %dma_wait3A_64 = arith.constant 0 : i32
    %dma_wait3A_65 = arith.constant 0 : i32
    %dma_wait3A_66 = tpu.memref_slice %arg4[%dma_wait3A_64, %dma_wait3A_65] : memref<1000x128xf32, #tpu.memory_space<hbm>> -> memref<1000x128xf32, #tpu.memory_space<hbm>>
    tpu.wait_indirect_dma semaphore(%arg11 : memref<!tpu.dma_semaphore, #tpu.memory_space<semaphore_mem>>) src(%dma_wait3A_66 : memref<1000x128xf32, #tpu.memory_space<hbm>>) dst(%arg9 : memref<40x128xf32, #tpu.memory_space<vmem>>)
    %dma_wait3A_67 = arith.constant 0 : i32
    %dma_wait3A_68 = tpu.memref_slice %arg6[%dma_wait3A_67] : memref<6400xi32, #tpu.memory_space<vmem>> -> memref<40xi32, #tpu.memory_space<vmem>>
    %dma_wait3A_69 = arith.constant 0 : i32
    %dma_wait3A_70 = arith.constant 0 : i32
    %dma_wait3A_71 = tpu.memref_slice %arg4[%dma_wait3A_69, %dma_wait3A_70] : memref<1000x128xf32, #tpu.memory_space<hbm>> -> memref<1000x128xf32, #tpu.memory_space<hbm>>
    tpu.wait_indirect_dma semaphore(%arg11 : memref<!tpu.dma_semaphore, #tpu.memory_space<semaphore_mem>>) src(%dma_wait3A_71 : memref<1000x128xf32, #tpu.memory_space<hbm>>) dst(%arg9 : memref<40x128xf32, #tpu.memory_space<vmem>>)
    %dma_wait3A_72 = arith.constant 0 : i32
    %dma_wait3A_73 = tpu.memref_slice %arg6[%dma_wait3A_72] : memref<6400xi32, #tpu.memory_space<vmem>> -> memref<40xi32, #tpu.memory_space<vmem>>
    %dma_wait3A_74 = arith.constant 0 : i32
    %dma_wait3A_75 = arith.constant 0 : i32
    %dma_wait3A_76 = tpu.memref_slice %arg4[%dma_wait3A_74, %dma_wait3A_75] : memref<1000x128xf32, #tpu.memory_space<hbm>> -> memref<1000x128xf32, #tpu.memory_space<hbm>>
    tpu.wait_indirect_dma semaphore(%arg11 : memref<!tpu.dma_semaphore, #tpu.memory_space<semaphore_mem>>) src(%dma_wait3A_76 : memref<1000x128xf32, #tpu.memory_space<hbm>>) dst(%arg9 : memref<40x128xf32, #tpu.memory_space<vmem>>)
    %dma_wait3A_77 = arith.constant 0 : i32
    %dma_wait3A_78 = tpu.memref_slice %arg6[%dma_wait3A_77] : memref<6400xi32, #tpu.memory_space<vmem>> -> memref<40xi32, #tpu.memory_space<vmem>>
    %dma_wait3A_79 = arith.constant 0 : i32
    %dma_wait3A_80 = arith.constant 0 : i32
    %dma_wait3A_81 = tpu.memref_slice %arg4[%dma_wait3A_79, %dma_wait3A_80] : memref<1000x128xf32, #tpu.memory_space<hbm>> -> memref<1000x128xf32, #tpu.memory_space<hbm>>
    tpu.wait_indirect_dma semaphore(%arg11 : memref<!tpu.dma_semaphore, #tpu.memory_space<semaphore_mem>>) src(%dma_wait3A_81 : memref<1000x128xf32, #tpu.memory_space<hbm>>) dst(%arg9 : memref<40x128xf32, #tpu.memory_space<vmem>>)
    %dma_wait3A_82 = arith.constant 0 : i32
    %dma_wait3A_83 = tpu.memref_slice %arg6[%dma_wait3A_82] : memref<6400xi32, #tpu.memory_space<vmem>> -> memref<40xi32, #tpu.memory_space<vmem>>
    %dma_wait3A_84 = arith.constant 0 : i32
    %dma_wait3A_85 = arith.constant 0 : i32
    %dma_wait3A_86 = tpu.memref_slice %arg4[%dma_wait3A_84, %dma_wait3A_85] : memref<1000x128xf32, #tpu.memory_space<hbm>> -> memref<1000x128xf32, #tpu.memory_space<hbm>>
    tpu.wait_indirect_dma semaphore(%arg11 : memref<!tpu.dma_semaphore, #tpu.memory_space<semaphore_mem>>) src(%dma_wait3A_86 : memref<1000x128xf32, #tpu.memory_space<hbm>>) dst(%arg9 : memref<40x128xf32, #tpu.memory_space<vmem>>)
    %dma_wait3A_87 = arith.constant 0 : i32
    %dma_wait3A_88 = tpu.memref_slice %arg6[%dma_wait3A_87] : memref<6400xi32, #tpu.memory_space<vmem>> -> memref<40xi32, #tpu.memory_space<vmem>>
    %dma_wait3A_89 = arith.constant 0 : i32
    %dma_wait3A_90 = arith.constant 0 : i32
    %dma_wait3A_91 = tpu.memref_slice %arg4[%dma_wait3A_89, %dma_wait3A_90] : memref<1000x128xf32, #tpu.memory_space<hbm>> -> memref<1000x128xf32, #tpu.memory_space<hbm>>
    tpu.wait_indirect_dma semaphore(%arg11 : memref<!tpu.dma_semaphore, #tpu.memory_space<semaphore_mem>>) src(%dma_wait3A_91 : memref<1000x128xf32, #tpu.memory_space<hbm>>) dst(%arg9 : memref<40x128xf32, #tpu.memory_space<vmem>>)
    %dma_wait3A_92 = arith.constant 0 : i32
    %dma_wait3A_93 = tpu.memref_slice %arg6[%dma_wait3A_92] : memref<6400xi32, #tpu.memory_space<vmem>> -> memref<40xi32, #tpu.memory_space<vmem>>
    %dma_wait3A_94 = arith.constant 0 : i32
    %dma_wait3A_95 = arith.constant 0 : i32
    %dma_wait3A_96 = tpu.memref_slice %arg4[%dma_wait3A_94, %dma_wait3A_95] : memref<1000x128xf32, #tpu.memory_space<hbm>> -> memref<1000x128xf32, #tpu.memory_space<hbm>>
    tpu.wait_indirect_dma semaphore(%arg11 : memref<!tpu.dma_semaphore, #tpu.memory_space<semaphore_mem>>) src(%dma_wait3A_96 : memref<1000x128xf32, #tpu.memory_space<hbm>>) dst(%arg9 : memref<40x128xf32, #tpu.memory_space<vmem>>)
    %dma_wait3A_97 = arith.constant 0 : i32
    %dma_wait3A_98 = tpu.memref_slice %arg6[%dma_wait3A_97] : memref<6400xi32, #tpu.memory_space<vmem>> -> memref<40xi32, #tpu.memory_space<vmem>>
    %dma_wait3A_99 = arith.constant 0 : i32
    %dma_wait3A_100 = arith.constant 0 : i32
    %dma_wait3A_101 = tpu.memref_slice %arg4[%dma_wait3A_99, %dma_wait3A_100] : memref<1000x128xf32, #tpu.memory_space<hbm>> -> memref<1000x128xf32, #tpu.memory_space<hbm>>
    tpu.wait_indirect_dma semaphore(%arg11 : memref<!tpu.dma_semaphore, #tpu.memory_space<semaphore_mem>>) src(%dma_wait3A_101 : memref<1000x128xf32, #tpu.memory_space<hbm>>) dst(%arg9 : memref<40x128xf32, #tpu.memory_space<vmem>>)
    %iota3A = tpu.iota {dimensions = array<i32: 0>} : vector<16xi32>
    %add3A_102 = arith.constant 984 : i32
    %add3A_103 = vector.broadcast %add3A_102 : i32 to vector<16xi32>
    %add3A_104 = arith.addi %iota3A, %add3A_103 : vector<16xi32>
    %scan3A = arith.constant 0 : i32
    %scan3A_105 = arith.constant 0 : i32
    %scan3A_106 = arith.constant 40 : i32
    %scan3A_107 = arith.addi %scan3A_105, %scan3A_106 : i32
    %scan3A_108 = arith.constant 1 : i32
    scf.for %scan3A_247 = %scan3A_105 to %scan3A_107 step %scan3A_108  : i32 {
      %get3A = arith.index_cast %scan3A_247 : i32 to index
      %get3A_248 = arith.constant 24 : index
      %get3A_249 = tpu.vector_load %arg9[%get3A, %get3A_248] {strides = array<i32>} : memref<40x128xf32, #tpu.memory_space<vmem>>, vector<16xf32>,
      %swap3A = arith.index_cast %scan3A_247 : i32 to index
      %swap3A_250 = arith.constant 896 : index
      %swap3A_251 = tpu.vector_load %arg7[%swap3A, %swap3A_250] {strides = array<i32>} : memref<40x1000xf32, #tpu.memory_space<vmem>>, vector<16xf32>,
      tpu.vector_store %arg7[%swap3A, %swap3A_250], %get3A_249 {strides = array<i32>} : memref<40x1000xf32, #tpu.memory_space<vmem>>, vector<16xf32>,
      %get3A_252 = arith.index_cast %scan3A_247 : i32 to index
      %get3A_253 = arith.constant 40 : index
      %get3A_254 = tpu.vector_load %arg9[%get3A_252, %get3A_253] {strides = array<i32>} : memref<40x128xf32, #tpu.memory_space<vmem>>, vector<16xf32>,
      %swap3A_255 = arith.index_cast %scan3A_247 : i32 to index
      %swap3A_256 = arith.constant 912 : index
      %swap3A_257 = tpu.vector_load %arg7[%swap3A_255, %swap3A_256] {strides = array<i32>} : memref<40x1000xf32, #tpu.memory_space<vmem>>, vector<16xf32>,
      tpu.vector_store %arg7[%swap3A_255, %swap3A_256], %get3A_254 {strides = array<i32>} : memref<40x1000xf32, #tpu.memory_space<vmem>>, vector<16xf32>,
      %get3A_258 = arith.index_cast %scan3A_247 : i32 to index
      %get3A_259 = arith.constant 56 : index
      %get3A_260 = tpu.vector_load %arg9[%get3A_258, %get3A_259] {strides = array<i32>} : memref<40x128xf32, #tpu.memory_space<vmem>>, vector<16xf32>,
      %swap3A_261 = arith.index_cast %scan3A_247 : i32 to index
      %swap3A_262 = arith.constant 928 : index
      %swap3A_263 = tpu.vector_load %arg7[%swap3A_261, %swap3A_262] {strides = array<i32>} : memref<40x1000xf32, #tpu.memory_space<vmem>>, vector<16xf32>,
      tpu.vector_store %arg7[%swap3A_261, %swap3A_262], %get3A_260 {strides = array<i32>} : memref<40x1000xf32, #tpu.memory_space<vmem>>, vector<16xf32>,
      %get3A_264 = arith.index_cast %scan3A_247 : i32 to index
      %get3A_265 = arith.constant 72 : index
      %get3A_266 = tpu.vector_load %arg9[%get3A_264, %get3A_265] {strides = array<i32>} : memref<40x128xf32, #tpu.memory_space<vmem>>, vector<16xf32>,
      %swap3A_267 = arith.index_cast %scan3A_247 : i32 to index
      %swap3A_268 = arith.constant 944 : index
      %swap3A_269 = tpu.vector_load %arg7[%swap3A_267, %swap3A_268] {strides = array<i32>} : memref<40x1000xf32, #tpu.memory_space<vmem>>, vector<16xf32>,
      tpu.vector_store %arg7[%swap3A_267, %swap3A_268], %get3A_266 {strides = array<i32>} : memref<40x1000xf32, #tpu.memory_space<vmem>>, vector<16xf32>,
      %get3A_270 = arith.index_cast %scan3A_247 : i32 to index
      %get3A_271 = arith.constant 88 : index
      %get3A_272 = tpu.vector_load %arg9[%get3A_270, %get3A_271] {strides = array<i32>} : memref<40x128xf32, #tpu.memory_space<vmem>>, vector<16xf32>,
      %swap3A_273 = arith.index_cast %scan3A_247 : i32 to index
      %swap3A_274 = arith.constant 960 : index
      %swap3A_275 = tpu.vector_load %arg7[%swap3A_273, %swap3A_274] {strides = array<i32>} : memref<40x1000xf32, #tpu.memory_space<vmem>>, vector<16xf32>,
      tpu.vector_store %arg7[%swap3A_273, %swap3A_274], %get3A_272 {strides = array<i32>} : memref<40x1000xf32, #tpu.memory_space<vmem>>, vector<16xf32>,
      %get3A_276 = arith.index_cast %scan3A_247 : i32 to index
      %get3A_277 = arith.constant 104 : index
      %get3A_278 = tpu.vector_load %arg9[%get3A_276, %get3A_277] {strides = array<i32>} : memref<40x128xf32, #tpu.memory_space<vmem>>, vector<16xf32>,
      %swap3A_279 = arith.index_cast %scan3A_247 : i32 to index
      %swap3A_280 = arith.constant 976 : index
      %swap3A_281 = tpu.vector_load %arg7[%swap3A_279, %swap3A_280] {strides = array<i32>} : memref<40x1000xf32, #tpu.memory_space<vmem>>, vector<16xf32>,
      tpu.vector_store %arg7[%swap3A_279, %swap3A_280], %get3A_278 {strides = array<i32>} : memref<40x1000xf32, #tpu.memory_space<vmem>>, vector<16xf32>,
      %get3A_282 = arith.index_cast %scan3A_247 : i32 to index
      %get3A_283 = arith.constant 112 : index
      %get3A_284 = tpu.vector_load %arg9[%get3A_282, %get3A_283] {strides = array<i32>} : memref<40x128xf32, #tpu.memory_space<vmem>>, vector<16xf32>,
      %broadcast_in_dim3A = vector.broadcast %scan3A_247 : i32 to vector<16xi32>
      tpu.vector_store_idx %arg7[%broadcast_in_dim3A, %add3A_104], %get3A_284 : memref<40x1000xf32, #tpu.memory_space<vmem>>[vector<16xi32>, vector<16xi32>], vector<16xf32>,
    }
    %scan3A_109 = arith.constant 40 : i32
    %add3A_110 = arith.constant 0 : i32
    %add3A_111 = arith.addi %mul3A_2, %add3A_110 : i32
    %dma_start3A_112 = arith.constant 0 : i32
    %dma_start3A_113 = tpu.memref_slice %arg5[%add3A_111, %dma_start3A_112] : memref<204800x1000xf32, #tpu.memory_space<hbm>> -> memref<40x1000xf32, #tpu.memory_space<hbm>>
    %dma_start3A_114 = arith.constant 0 : i32
    %dma_start3A_115 = tpu.memref_slice %arg5[%add3A_111, %dma_start3A_114] : memref<204800x1000xf32, #tpu.memory_space<hbm>> -> memref<40x1000xf32, #tpu.memory_space<hbm>>
    tpu.enqueue_dma source(%arg7 : memref<40x1000xf32, #tpu.memory_space<vmem>>) target(%dma_start3A_115 : memref<40x1000xf32, #tpu.memory_space<hbm>>) target_semaphore(%arg12 : memref<!tpu.dma_semaphore, #tpu.memory_space<semaphore_mem>>)
    %dma_start3A_116 = arith.constant 0 : i32
    %dma_start3A_117 = arith.constant 0 : i32
    %dma_start3A_118 = tpu.memref_slice %arg8[%dma_start3A_116, %dma_start3A_117] : memref<40x1000xf32, #tpu.memory_space<vmem>> -> memref<40x128xf32, #tpu.memory_space<vmem>>
    %dma_start3A_119 = arith.constant 40 : i32
    %dma_start3A_120 = tpu.memref_slice %arg6[%dma_start3A_119] : memref<6400xi32, #tpu.memory_space<vmem>> -> memref<40xi32, #tpu.memory_space<vmem>>
    %dma_start3A_121 = arith.constant 0 : i32
    %dma_start3A_122 = arith.constant 0 : i32
    %dma_start3A_123 = tpu.memref_slice %arg3[%dma_start3A_121, %dma_start3A_122] : memref<1000x1000xf32, #tpu.memory_space<hbm>> -> memref<1000x128xf32, #tpu.memory_space<hbm>>
    tpu.enqueue_indirect_dma source(%dma_start3A_123 : memref<1000x128xf32, #tpu.memory_space<hbm>>) target(%dma_start3A_118 : memref<40x128xf32, #tpu.memory_space<vmem>>) offsets(%dma_start3A_120 : memref<40xi32, #tpu.memory_space<vmem>>) semaphore(%arg11 : memref<!tpu.dma_semaphore, #tpu.memory_space<semaphore_mem>>)
    %dma_start3A_124 = arith.constant 0 : i32
    %dma_start3A_125 = arith.constant 128 : i32
    %dma_start3A_126 = tpu.memref_slice %arg8[%dma_start3A_124, %dma_start3A_125] : memref<40x1000xf32, #tpu.memory_space<vmem>> -> memref<40x128xf32, #tpu.memory_space<vmem>>
    %dma_start3A_127 = arith.constant 40 : i32
    %dma_start3A_128 = tpu.memref_slice %arg6[%dma_start3A_127] : memref<6400xi32, #tpu.memory_space<vmem>> -> memref<40xi32, #tpu.memory_space<vmem>>
    %dma_start3A_129 = arith.constant 0 : i32
    %dma_start3A_130 = arith.constant 128 : i32
    %dma_start3A_131 = tpu.memref_slice %arg3[%dma_start3A_129, %dma_start3A_130] : memref<1000x1000xf32, #tpu.memory_space<hbm>> -> memref<1000x128xf32, #tpu.memory_space<hbm>>
    tpu.enqueue_indirect_dma source(%dma_start3A_131 : memref<1000x128xf32, #tpu.memory_space<hbm>>) target(%dma_start3A_126 : memref<40x128xf32, #tpu.memory_space<vmem>>) offsets(%dma_start3A_128 : memref<40xi32, #tpu.memory_space<vmem>>) semaphore(%arg11 : memref<!tpu.dma_semaphore, #tpu.memory_space<semaphore_mem>>)
    %dma_start3A_132 = arith.constant 0 : i32
    %dma_start3A_133 = arith.constant 256 : i32
    %dma_start3A_134 = tpu.memref_slice %arg8[%dma_start3A_132, %dma_start3A_133] : memref<40x1000xf32, #tpu.memory_space<vmem>> -> memref<40x128xf32, #tpu.memory_space<vmem>>
    %dma_start3A_135 = arith.constant 40 : i32
    %dma_start3A_136 = tpu.memref_slice %arg6[%dma_start3A_135] : memref<6400xi32, #tpu.memory_space<vmem>> -> memref<40xi32, #tpu.memory_space<vmem>>
    %dma_start3A_137 = arith.constant 0 : i32
    %dma_start3A_138 = arith.constant 256 : i32
    %dma_start3A_139 = tpu.memref_slice %arg3[%dma_start3A_137, %dma_start3A_138] : memref<1000x1000xf32, #tpu.memory_space<hbm>> -> memref<1000x128xf32, #tpu.memory_space<hbm>>
    tpu.enqueue_indirect_dma source(%dma_start3A_139 : memref<1000x128xf32, #tpu.memory_space<hbm>>) target(%dma_start3A_134 : memref<40x128xf32, #tpu.memory_space<vmem>>) offsets(%dma_start3A_136 : memref<40xi32, #tpu.memory_space<vmem>>) semaphore(%arg11 : memref<!tpu.dma_semaphore, #tpu.memory_space<semaphore_mem>>)
    %dma_start3A_140 = arith.constant 0 : i32
    %dma_start3A_141 = arith.constant 384 : i32
    %dma_start3A_142 = tpu.memref_slice %arg8[%dma_start3A_140, %dma_start3A_141] : memref<40x1000xf32, #tpu.memory_space<vmem>> -> memref<40x128xf32, #tpu.memory_space<vmem>>
    %dma_start3A_143 = arith.constant 40 : i32
    %dma_start3A_144 = tpu.memref_slice %arg6[%dma_start3A_143] : memref<6400xi32, #tpu.memory_space<vmem>> -> memref<40xi32, #tpu.memory_space<vmem>>
    %dma_start3A_145 = arith.constant 0 : i32
    %dma_start3A_146 = arith.constant 384 : i32
    %dma_start3A_147 = tpu.memref_slice %arg3[%dma_start3A_145, %dma_start3A_146] : memref<1000x1000xf32, #tpu.memory_space<hbm>> -> memref<1000x128xf32, #tpu.memory_space<hbm>>
    tpu.enqueue_indirect_dma source(%dma_start3A_147 : memref<1000x128xf32, #tpu.memory_space<hbm>>) target(%dma_start3A_142 : memref<40x128xf32, #tpu.memory_space<vmem>>) offsets(%dma_start3A_144 : memref<40xi32, #tpu.memory_space<vmem>>) semaphore(%arg11 : memref<!tpu.dma_semaphore, #tpu.memory_space<semaphore_mem>>)
    %dma_start3A_148 = arith.constant 0 : i32
    %dma_start3A_149 = arith.constant 512 : i32
    %dma_start3A_150 = tpu.memref_slice %arg8[%dma_start3A_148, %dma_start3A_149] : memref<40x1000xf32, #tpu.memory_space<vmem>> -> memref<40x128xf32, #tpu.memory_space<vmem>>
    %dma_start3A_151 = arith.constant 40 : i32
    %dma_start3A_152 = tpu.memref_slice %arg6[%dma_start3A_151] : memref<6400xi32, #tpu.memory_space<vmem>> -> memref<40xi32, #tpu.memory_space<vmem>>
    %dma_start3A_153 = arith.constant 0 : i32
    %dma_start3A_154 = arith.constant 512 : i32
    %dma_start3A_155 = tpu.memref_slice %arg3[%dma_start3A_153, %dma_start3A_154] : memref<1000x1000xf32, #tpu.memory_space<hbm>> -> memref<1000x128xf32, #tpu.memory_space<hbm>>
    tpu.enqueue_indirect_dma source(%dma_start3A_155 : memref<1000x128xf32, #tpu.memory_space<hbm>>) target(%dma_start3A_150 : memref<40x128xf32, #tpu.memory_space<vmem>>) offsets(%dma_start3A_152 : memref<40xi32, #tpu.memory_space<vmem>>) semaphore(%arg11 : memref<!tpu.dma_semaphore, #tpu.memory_space<semaphore_mem>>)
    %dma_start3A_156 = arith.constant 0 : i32
    %dma_start3A_157 = arith.constant 640 : i32
    %dma_start3A_158 = tpu.memref_slice %arg8[%dma_start3A_156, %dma_start3A_157] : memref<40x1000xf32, #tpu.memory_space<vmem>> -> memref<40x128xf32, #tpu.memory_space<vmem>>
    %dma_start3A_159 = arith.constant 40 : i32
    %dma_start3A_160 = tpu.memref_slice %arg6[%dma_start3A_159] : memref<6400xi32, #tpu.memory_space<vmem>> -> memref<40xi32, #tpu.memory_space<vmem>>
    %dma_start3A_161 = arith.constant 0 : i32
    %dma_start3A_162 = arith.constant 640 : i32
    %dma_start3A_163 = tpu.memref_slice %arg3[%dma_start3A_161, %dma_start3A_162] : memref<1000x1000xf32, #tpu.memory_space<hbm>> -> memref<1000x128xf32, #tpu.memory_space<hbm>>
    tpu.enqueue_indirect_dma source(%dma_start3A_163 : memref<1000x128xf32, #tpu.memory_space<hbm>>) target(%dma_start3A_158 : memref<40x128xf32, #tpu.memory_space<vmem>>) offsets(%dma_start3A_160 : memref<40xi32, #tpu.memory_space<vmem>>) semaphore(%arg11 : memref<!tpu.dma_semaphore, #tpu.memory_space<semaphore_mem>>)
    %dma_start3A_164 = arith.constant 0 : i32
    %dma_start3A_165 = arith.constant 768 : i32
    %dma_start3A_166 = tpu.memref_slice %arg8[%dma_start3A_164, %dma_start3A_165] : memref<40x1000xf32, #tpu.memory_space<vmem>> -> memref<40x128xf32, #tpu.memory_space<vmem>>
    %dma_start3A_167 = arith.constant 40 : i32
    %dma_start3A_168 = tpu.memref_slice %arg6[%dma_start3A_167] : memref<6400xi32, #tpu.memory_space<vmem>> -> memref<40xi32, #tpu.memory_space<vmem>>
    %dma_start3A_169 = arith.constant 0 : i32
    %dma_start3A_170 = arith.constant 768 : i32
    %dma_start3A_171 = tpu.memref_slice %arg3[%dma_start3A_169, %dma_start3A_170] : memref<1000x1000xf32, #tpu.memory_space<hbm>> -> memref<1000x128xf32, #tpu.memory_space<hbm>>
    tpu.enqueue_indirect_dma source(%dma_start3A_171 : memref<1000x128xf32, #tpu.memory_space<hbm>>) target(%dma_start3A_166 : memref<40x128xf32, #tpu.memory_space<vmem>>) offsets(%dma_start3A_168 : memref<40xi32, #tpu.memory_space<vmem>>) semaphore(%arg11 : memref<!tpu.dma_semaphore, #tpu.memory_space<semaphore_mem>>)
    %dma_start3A_172 = arith.constant 40 : i32
    %dma_start3A_173 = tpu.memref_slice %arg6[%dma_start3A_172] : memref<6400xi32, #tpu.memory_space<vmem>> -> memref<40xi32, #tpu.memory_space<vmem>>
    %dma_start3A_174 = arith.constant 0 : i32
    %dma_start3A_175 = arith.constant 0 : i32
    %dma_start3A_176 = tpu.memref_slice %arg4[%dma_start3A_174, %dma_start3A_175] : memref<1000x128xf32, #tpu.memory_space<hbm>> -> memref<1000x128xf32, #tpu.memory_space<hbm>>
    tpu.enqueue_indirect_dma source(%dma_start3A_176 : memref<1000x128xf32, #tpu.memory_space<hbm>>) target(%arg10 : memref<40x128xf32, #tpu.memory_space<vmem>>) offsets(%dma_start3A_173 : memref<40xi32, #tpu.memory_space<vmem>>) semaphore(%arg11 : memref<!tpu.dma_semaphore, #tpu.memory_space<semaphore_mem>>)
    %scan3A_177 = arith.constant 0 : i32
    %scan3A_178 = arith.constant 0 : i32
    %scan3A_179 = arith.constant 79 : i32
    %scan3A_180 = arith.addi %scan3A_178, %scan3A_179 : i32
    %scan3A_181 = arith.constant 1 : i32
    scf.for %scan3A_247 = %scan3A_178 to %scan3A_180 step %scan3A_181  : i32 {
      %mul3A_248 = arith.constant 2 : i32
      %mul3A_249 = arith.muli %mul3A_248, %scan3A_247 : i32
      %add3A_250 = arith.constant 1 : i32
      %add3A_251 = arith.addi %mul3A_249, %add3A_250 : i32
      %dma_wait3A_252 = arith.constant 0 : i32
      %dma_wait3A_253 = tpu.memref_slice %arg6[%dma_wait3A_252] : memref<6400xi32, #tpu.memory_space<vmem>> -> memref<40xi32, #tpu.memory_space<vmem>>
      %dma_wait3A_254 = arith.constant 0 : i32
      %dma_wait3A_255 = arith.constant 0 : i32
      %dma_wait3A_256 = tpu.memref_slice %arg4[%dma_wait3A_254, %dma_wait3A_255] : memref<1000x128xf32, #tpu.memory_space<hbm>> -> memref<1000x128xf32, #tpu.memory_space<hbm>>
      tpu.wait_indirect_dma semaphore(%arg11 : memref<!tpu.dma_semaphore, #tpu.memory_space<semaphore_mem>>) src(%dma_wait3A_256 : memref<1000x128xf32, #tpu.memory_space<hbm>>) dst(%arg9 : memref<40x128xf32, #tpu.memory_space<vmem>>)
      %dma_wait3A_257 = arith.constant 0 : i32
      %dma_wait3A_258 = tpu.memref_slice %arg6[%dma_wait3A_257] : memref<6400xi32, #tpu.memory_space<vmem>> -> memref<40xi32, #tpu.memory_space<vmem>>
      %dma_wait3A_259 = arith.constant 0 : i32
      %dma_wait3A_260 = arith.constant 0 : i32
      %dma_wait3A_261 = tpu.memref_slice %arg4[%dma_wait3A_259, %dma_wait3A_260] : memref<1000x128xf32, #tpu.memory_space<hbm>> -> memref<1000x128xf32, #tpu.memory_space<hbm>>
      tpu.wait_indirect_dma semaphore(%arg11 : memref<!tpu.dma_semaphore, #tpu.memory_space<semaphore_mem>>) src(%dma_wait3A_261 : memref<1000x128xf32, #tpu.memory_space<hbm>>) dst(%arg9 : memref<40x128xf32, #tpu.memory_space<vmem>>)
      %dma_wait3A_262 = arith.constant 0 : i32
      %dma_wait3A_263 = tpu.memref_slice %arg6[%dma_wait3A_262] : memref<6400xi32, #tpu.memory_space<vmem>> -> memref<40xi32, #tpu.memory_space<vmem>>
      %dma_wait3A_264 = arith.constant 0 : i32
      %dma_wait3A_265 = arith.constant 0 : i32
      %dma_wait3A_266 = tpu.memref_slice %arg4[%dma_wait3A_264, %dma_wait3A_265] : memref<1000x128xf32, #tpu.memory_space<hbm>> -> memref<1000x128xf32, #tpu.memory_space<hbm>>
      tpu.wait_indirect_dma semaphore(%arg11 : memref<!tpu.dma_semaphore, #tpu.memory_space<semaphore_mem>>) src(%dma_wait3A_266 : memref<1000x128xf32, #tpu.memory_space<hbm>>) dst(%arg9 : memref<40x128xf32, #tpu.memory_space<vmem>>)
      %dma_wait3A_267 = arith.constant 0 : i32
      %dma_wait3A_268 = tpu.memref_slice %arg6[%dma_wait3A_267] : memref<6400xi32, #tpu.memory_space<vmem>> -> memref<40xi32, #tpu.memory_space<vmem>>
      %dma_wait3A_269 = arith.constant 0 : i32
      %dma_wait3A_270 = arith.constant 0 : i32
      %dma_wait3A_271 = tpu.memref_slice %arg4[%dma_wait3A_269, %dma_wait3A_270] : memref<1000x128xf32, #tpu.memory_space<hbm>> -> memref<1000x128xf32, #tpu.memory_space<hbm>>
      tpu.wait_indirect_dma semaphore(%arg11 : memref<!tpu.dma_semaphore, #tpu.memory_space<semaphore_mem>>) src(%dma_wait3A_271 : memref<1000x128xf32, #tpu.memory_space<hbm>>) dst(%arg9 : memref<40x128xf32, #tpu.memory_space<vmem>>)
      %dma_wait3A_272 = arith.constant 0 : i32
      %dma_wait3A_273 = tpu.memref_slice %arg6[%dma_wait3A_272] : memref<6400xi32, #tpu.memory_space<vmem>> -> memref<40xi32, #tpu.memory_space<vmem>>
      %dma_wait3A_274 = arith.constant 0 : i32
      %dma_wait3A_275 = arith.constant 0 : i32
      %dma_wait3A_276 = tpu.memref_slice %arg4[%dma_wait3A_274, %dma_wait3A_275] : memref<1000x128xf32, #tpu.memory_space<hbm>> -> memref<1000x128xf32, #tpu.memory_space<hbm>>
      tpu.wait_indirect_dma semaphore(%arg11 : memref<!tpu.dma_semaphore, #tpu.memory_space<semaphore_mem>>) src(%dma_wait3A_276 : memref<1000x128xf32, #tpu.memory_space<hbm>>) dst(%arg9 : memref<40x128xf32, #tpu.memory_space<vmem>>)
      %dma_wait3A_277 = arith.constant 0 : i32
      %dma_wait3A_278 = tpu.memref_slice %arg6[%dma_wait3A_277] : memref<6400xi32, #tpu.memory_space<vmem>> -> memref<40xi32, #tpu.memory_space<vmem>>
      %dma_wait3A_279 = arith.constant 0 : i32
      %dma_wait3A_280 = arith.constant 0 : i32
      %dma_wait3A_281 = tpu.memref_slice %arg4[%dma_wait3A_279, %dma_wait3A_280] : memref<1000x128xf32, #tpu.memory_space<hbm>> -> memref<1000x128xf32, #tpu.memory_space<hbm>>
      tpu.wait_indirect_dma semaphore(%arg11 : memref<!tpu.dma_semaphore, #tpu.memory_space<semaphore_mem>>) src(%dma_wait3A_281 : memref<1000x128xf32, #tpu.memory_space<hbm>>) dst(%arg9 : memref<40x128xf32, #tpu.memory_space<vmem>>)
      %dma_wait3A_282 = arith.constant 0 : i32
      %dma_wait3A_283 = tpu.memref_slice %arg6[%dma_wait3A_282] : memref<6400xi32, #tpu.memory_space<vmem>> -> memref<40xi32, #tpu.memory_space<vmem>>
      %dma_wait3A_284 = arith.constant 0 : i32
      %dma_wait3A_285 = arith.constant 0 : i32
      %dma_wait3A_286 = tpu.memref_slice %arg4[%dma_wait3A_284, %dma_wait3A_285] : memref<1000x128xf32, #tpu.memory_space<hbm>> -> memref<1000x128xf32, #tpu.memory_space<hbm>>
      tpu.wait_indirect_dma semaphore(%arg11 : memref<!tpu.dma_semaphore, #tpu.memory_space<semaphore_mem>>) src(%dma_wait3A_286 : memref<1000x128xf32, #tpu.memory_space<hbm>>) dst(%arg9 : memref<40x128xf32, #tpu.memory_space<vmem>>)
      %dma_wait3A_287 = arith.constant 0 : i32
      %dma_wait3A_288 = tpu.memref_slice %arg6[%dma_wait3A_287] : memref<6400xi32, #tpu.memory_space<vmem>> -> memref<40xi32, #tpu.memory_space<vmem>>
      %dma_wait3A_289 = arith.constant 0 : i32
      %dma_wait3A_290 = arith.constant 0 : i32
      %dma_wait3A_291 = tpu.memref_slice %arg4[%dma_wait3A_289, %dma_wait3A_290] : memref<1000x128xf32, #tpu.memory_space<hbm>> -> memref<1000x128xf32, #tpu.memory_space<hbm>>
      tpu.wait_indirect_dma semaphore(%arg11 : memref<!tpu.dma_semaphore, #tpu.memory_space<semaphore_mem>>) src(%dma_wait3A_291 : memref<1000x128xf32, #tpu.memory_space<hbm>>) dst(%arg9 : memref<40x128xf32, #tpu.memory_space<vmem>>)
      %dma_wait3A_292 = arith.constant 0 : i32
      %dma_wait3A_293 = tpu.memref_slice %arg5[%mul3A_2, %dma_wait3A_292] : memref<204800x1000xf32, #tpu.memory_space<hbm>> -> memref<40x1000xf32, #tpu.memory_space<hbm>>
      %dma_wait3A_294 = arith.constant 0 : i32
      %dma_wait3A_295 = tpu.memref_slice %arg5[%mul3A_2, %dma_wait3A_294] : memref<204800x1000xf32, #tpu.memory_space<hbm>> -> memref<40x1000xf32, #tpu.memory_space<hbm>>
      tpu.wait_dma2 semaphore(%arg12 : memref<!tpu.dma_semaphore, #tpu.memory_space<semaphore_mem>>) src(%arg7 : memref<40x1000xf32, #tpu.memory_space<vmem>>) dst(%dma_wait3A_295 : memref<40x1000xf32, #tpu.memory_space<hbm>>)
      %add3A_296 = arith.constant 1 : i32
      %add3A_297 = arith.addi %add3A_251, %add3A_296 : i32
      %mul3A_298 = arith.constant 40 : i32
      %mul3A_299 = arith.muli %add3A_297, %mul3A_298 : i32
      %dma_start3A_300 = arith.constant 0 : i32
      %dma_start3A_301 = arith.constant 0 : i32
      %dma_start3A_302 = tpu.memref_slice %arg7[%dma_start3A_300, %dma_start3A_301] : memref<40x1000xf32, #tpu.memory_space<vmem>> -> memref<40x128xf32, #tpu.memory_space<vmem>>
      %dma_start3A_303 = tpu.memref_slice %arg6[%mul3A_299] : memref<6400xi32, #tpu.memory_space<vmem>> -> memref<40xi32, #tpu.memory_space<vmem>>
      %dma_start3A_304 = arith.constant 0 : i32
      %dma_start3A_305 = arith.constant 0 : i32
      %dma_start3A_306 = tpu.memref_slice %arg3[%dma_start3A_304, %dma_start3A_305] : memref<1000x1000xf32, #tpu.memory_space<hbm>> -> memref<1000x128xf32, #tpu.memory_space<hbm>>
      tpu.enqueue_indirect_dma source(%dma_start3A_306 : memref<1000x128xf32, #tpu.memory_space<hbm>>) target(%dma_start3A_302 : memref<40x128xf32, #tpu.memory_space<vmem>>) offsets(%dma_start3A_303 : memref<40xi32, #tpu.memory_space<vmem>>) semaphore(%arg11 : memref<!tpu.dma_semaphore, #tpu.memory_space<semaphore_mem>>)
      %dma_start3A_307 = arith.constant 0 : i32
      %dma_start3A_308 = arith.constant 128 : i32
      %dma_start3A_309 = tpu.memref_slice %arg7[%dma_start3A_307, %dma_start3A_308] : memref<40x1000xf32, #tpu.memory_space<vmem>> -> memref<40x128xf32, #tpu.memory_space<vmem>>
      %dma_start3A_310 = tpu.memref_slice %arg6[%mul3A_299] : memref<6400xi32, #tpu.memory_space<vmem>> -> memref<40xi32, #tpu.memory_space<vmem>>
      %dma_start3A_311 = arith.constant 0 : i32
      %dma_start3A_312 = arith.constant 128 : i32
      %dma_start3A_313 = tpu.memref_slice %arg3[%dma_start3A_311, %dma_start3A_312] : memref<1000x1000xf32, #tpu.memory_space<hbm>> -> memref<1000x128xf32, #tpu.memory_space<hbm>>
      tpu.enqueue_indirect_dma source(%dma_start3A_313 : memref<1000x128xf32, #tpu.memory_space<hbm>>) target(%dma_start3A_309 : memref<40x128xf32, #tpu.memory_space<vmem>>) offsets(%dma_start3A_310 : memref<40xi32, #tpu.memory_space<vmem>>) semaphore(%arg11 : memref<!tpu.dma_semaphore, #tpu.memory_space<semaphore_mem>>)
      %dma_start3A_314 = arith.constant 0 : i32
      %dma_start3A_315 = arith.constant 256 : i32
      %dma_start3A_316 = tpu.memref_slice %arg7[%dma_start3A_314, %dma_start3A_315] : memref<40x1000xf32, #tpu.memory_space<vmem>> -> memref<40x128xf32, #tpu.memory_space<vmem>>
      %dma_start3A_317 = tpu.memref_slice %arg6[%mul3A_299] : memref<6400xi32, #tpu.memory_space<vmem>> -> memref<40xi32, #tpu.memory_space<vmem>>
      %dma_start3A_318 = arith.constant 0 : i32
      %dma_start3A_319 = arith.constant 256 : i32
      %dma_start3A_320 = tpu.memref_slice %arg3[%dma_start3A_318, %dma_start3A_319] : memref<1000x1000xf32, #tpu.memory_space<hbm>> -> memref<1000x128xf32, #tpu.memory_space<hbm>>
      tpu.enqueue_indirect_dma source(%dma_start3A_320 : memref<1000x128xf32, #tpu.memory_space<hbm>>) target(%dma_start3A_316 : memref<40x128xf32, #tpu.memory_space<vmem>>) offsets(%dma_start3A_317 : memref<40xi32, #tpu.memory_space<vmem>>) semaphore(%arg11 : memref<!tpu.dma_semaphore, #tpu.memory_space<semaphore_mem>>)
      %dma_start3A_321 = arith.constant 0 : i32
      %dma_start3A_322 = arith.constant 384 : i32
      %dma_start3A_323 = tpu.memref_slice %arg7[%dma_start3A_321, %dma_start3A_322] : memref<40x1000xf32, #tpu.memory_space<vmem>> -> memref<40x128xf32, #tpu.memory_space<vmem>>
      %dma_start3A_324 = tpu.memref_slice %arg6[%mul3A_299] : memref<6400xi32, #tpu.memory_space<vmem>> -> memref<40xi32, #tpu.memory_space<vmem>>
      %dma_start3A_325 = arith.constant 0 : i32
      %dma_start3A_326 = arith.constant 384 : i32
      %dma_start3A_327 = tpu.memref_slice %arg3[%dma_start3A_325, %dma_start3A_326] : memref<1000x1000xf32, #tpu.memory_space<hbm>> -> memref<1000x128xf32, #tpu.memory_space<hbm>>
      tpu.enqueue_indirect_dma source(%dma_start3A_327 : memref<1000x128xf32, #tpu.memory_space<hbm>>) target(%dma_start3A_323 : memref<40x128xf32, #tpu.memory_space<vmem>>) offsets(%dma_start3A_324 : memref<40xi32, #tpu.memory_space<vmem>>) semaphore(%arg11 : memref<!tpu.dma_semaphore, #tpu.memory_space<semaphore_mem>>)
      %dma_start3A_328 = arith.constant 0 : i32
      %dma_start3A_329 = arith.constant 512 : i32
      %dma_start3A_330 = tpu.memref_slice %arg7[%dma_start3A_328, %dma_start3A_329] : memref<40x1000xf32, #tpu.memory_space<vmem>> -> memref<40x128xf32, #tpu.memory_space<vmem>>
      %dma_start3A_331 = tpu.memref_slice %arg6[%mul3A_299] : memref<6400xi32, #tpu.memory_space<vmem>> -> memref<40xi32, #tpu.memory_space<vmem>>
      %dma_start3A_332 = arith.constant 0 : i32
      %dma_start3A_333 = arith.constant 512 : i32
      %dma_start3A_334 = tpu.memref_slice %arg3[%dma_start3A_332, %dma_start3A_333] : memref<1000x1000xf32, #tpu.memory_space<hbm>> -> memref<1000x128xf32, #tpu.memory_space<hbm>>
      tpu.enqueue_indirect_dma source(%dma_start3A_334 : memref<1000x128xf32, #tpu.memory_space<hbm>>) target(%dma_start3A_330 : memref<40x128xf32, #tpu.memory_space<vmem>>) offsets(%dma_start3A_331 : memref<40xi32, #tpu.memory_space<vmem>>) semaphore(%arg11 : memref<!tpu.dma_semaphore, #tpu.memory_space<semaphore_mem>>)
      %dma_start3A_335 = arith.constant 0 : i32
      %dma_start3A_336 = arith.constant 640 : i32
      %dma_start3A_337 = tpu.memref_slice %arg7[%dma_start3A_335, %dma_start3A_336] : memref<40x1000xf32, #tpu.memory_space<vmem>> -> memref<40x128xf32, #tpu.memory_space<vmem>>
      %dma_start3A_338 = tpu.memref_slice %arg6[%mul3A_299] : memref<6400xi32, #tpu.memory_space<vmem>> -> memref<40xi32, #tpu.memory_space<vmem>>
      %dma_start3A_339 = arith.constant 0 : i32
      %dma_start3A_340 = arith.constant 640 : i32
      %dma_start3A_341 = tpu.memref_slice %arg3[%dma_start3A_339, %dma_start3A_340] : memref<1000x1000xf32, #tpu.memory_space<hbm>> -> memref<1000x128xf32, #tpu.memory_space<hbm>>
      tpu.enqueue_indirect_dma source(%dma_start3A_341 : memref<1000x128xf32, #tpu.memory_space<hbm>>) target(%dma_start3A_337 : memref<40x128xf32, #tpu.memory_space<vmem>>) offsets(%dma_start3A_338 : memref<40xi32, #tpu.memory_space<vmem>>) semaphore(%arg11 : memref<!tpu.dma_semaphore, #tpu.memory_space<semaphore_mem>>)
      %dma_start3A_342 = arith.constant 0 : i32
      %dma_start3A_343 = arith.constant 768 : i32
      %dma_start3A_344 = tpu.memref_slice %arg7[%dma_start3A_342, %dma_start3A_343] : memref<40x1000xf32, #tpu.memory_space<vmem>> -> memref<40x128xf32, #tpu.memory_space<vmem>>
      %dma_start3A_345 = tpu.memref_slice %arg6[%mul3A_299] : memref<6400xi32, #tpu.memory_space<vmem>> -> memref<40xi32, #tpu.memory_space<vmem>>
      %dma_start3A_346 = arith.constant 0 : i32
      %dma_start3A_347 = arith.constant 768 : i32
      %dma_start3A_348 = tpu.memref_slice %arg3[%dma_start3A_346, %dma_start3A_347] : memref<1000x1000xf32, #tpu.memory_space<hbm>> -> memref<1000x128xf32, #tpu.memory_space<hbm>>
      tpu.enqueue_indirect_dma source(%dma_start3A_348 : memref<1000x128xf32, #tpu.memory_space<hbm>>) target(%dma_start3A_344 : memref<40x128xf32, #tpu.memory_space<vmem>>) offsets(%dma_start3A_345 : memref<40xi32, #tpu.memory_space<vmem>>) semaphore(%arg11 : memref<!tpu.dma_semaphore, #tpu.memory_space<semaphore_mem>>)
      %dma_start3A_349 = tpu.memref_slice %arg6[%mul3A_299] : memref<6400xi32, #tpu.memory_space<vmem>> -> memref<40xi32, #tpu.memory_space<vmem>>
      %dma_start3A_350 = arith.constant 0 : i32
      %dma_start3A_351 = arith.constant 0 : i32
      %dma_start3A_352 = tpu.memref_slice %arg4[%dma_start3A_350, %dma_start3A_351] : memref<1000x128xf32, #tpu.memory_space<hbm>> -> memref<1000x128xf32, #tpu.memory_space<hbm>>
      tpu.enqueue_indirect_dma source(%dma_start3A_352 : memref<1000x128xf32, #tpu.memory_space<hbm>>) target(%arg9 : memref<40x128xf32, #tpu.memory_space<vmem>>) offsets(%dma_start3A_349 : memref<40xi32, #tpu.memory_space<vmem>>) semaphore(%arg11 : memref<!tpu.dma_semaphore, #tpu.memory_space<semaphore_mem>>)
      %iota3A_353 = tpu.iota {dimensions = array<i32: 0>} : vector<16xi32>
      %add3A_354 = arith.constant 984 : i32
      %add3A_355 = vector.broadcast %add3A_354 : i32 to vector<16xi32>
      %add3A_356 = arith.addi %iota3A_353, %add3A_355 : vector<16xi32>
      %scan3A_357 = arith.constant 0 : i32
      %scan3A_358 = arith.constant 0 : i32
      %scan3A_359 = arith.constant 40 : i32
      %scan3A_360 = arith.addi %scan3A_358, %scan3A_359 : i32
      %scan3A_361 = arith.constant 1 : i32
      scf.for %scan3A_490 = %scan3A_358 to %scan3A_360 step %scan3A_361  : i32 {
        %get3A = arith.index_cast %scan3A_490 : i32 to index
        %get3A_491 = arith.constant 24 : index
        %get3A_492 = tpu.vector_load %arg10[%get3A, %get3A_491] {strides = array<i32>} : memref<40x128xf32, #tpu.memory_space<vmem>>, vector<16xf32>,
        %swap3A = arith.index_cast %scan3A_490 : i32 to index
        %swap3A_493 = arith.constant 896 : index
        %swap3A_494 = tpu.vector_load %arg8[%swap3A, %swap3A_493] {strides = array<i32>} : memref<40x1000xf32, #tpu.memory_space<vmem>>, vector<16xf32>,
        tpu.vector_store %arg8[%swap3A, %swap3A_493], %get3A_492 {strides = array<i32>} : memref<40x1000xf32, #tpu.memory_space<vmem>>, vector<16xf32>,
        %get3A_495 = arith.index_cast %scan3A_490 : i32 to index
        %get3A_496 = arith.constant 40 : index
        %get3A_497 = tpu.vector_load %arg10[%get3A_495, %get3A_496] {strides = array<i32>} : memref<40x128xf32, #tpu.memory_space<vmem>>, vector<16xf32>,
        %swap3A_498 = arith.index_cast %scan3A_490 : i32 to index
        %swap3A_499 = arith.constant 912 : index
        %swap3A_500 = tpu.vector_load %arg8[%swap3A_498, %swap3A_499] {strides = array<i32>} : memref<40x1000xf32, #tpu.memory_space<vmem>>, vector<16xf32>,
        tpu.vector_store %arg8[%swap3A_498, %swap3A_499], %get3A_497 {strides = array<i32>} : memref<40x1000xf32, #tpu.memory_space<vmem>>, vector<16xf32>,
        %get3A_501 = arith.index_cast %scan3A_490 : i32 to index
        %get3A_502 = arith.constant 56 : index
        %get3A_503 = tpu.vector_load %arg10[%get3A_501, %get3A_502] {strides = array<i32>} : memref<40x128xf32, #tpu.memory_space<vmem>>, vector<16xf32>,
        %swap3A_504 = arith.index_cast %scan3A_490 : i32 to index
        %swap3A_505 = arith.constant 928 : index
        %swap3A_506 = tpu.vector_load %arg8[%swap3A_504, %swap3A_505] {strides = array<i32>} : memref<40x1000xf32, #tpu.memory_space<vmem>>, vector<16xf32>,
        tpu.vector_store %arg8[%swap3A_504, %swap3A_505], %get3A_503 {strides = array<i32>} : memref<40x1000xf32, #tpu.memory_space<vmem>>, vector<16xf32>,
        %get3A_507 = arith.index_cast %scan3A_490 : i32 to index
        %get3A_508 = arith.constant 72 : index
        %get3A_509 = tpu.vector_load %arg10[%get3A_507, %get3A_508] {strides = array<i32>} : memref<40x128xf32, #tpu.memory_space<vmem>>, vector<16xf32>,
        %swap3A_510 = arith.index_cast %scan3A_490 : i32 to index
        %swap3A_511 = arith.constant 944 : index
        %swap3A_512 = tpu.vector_load %arg8[%swap3A_510, %swap3A_511] {strides = array<i32>} : memref<40x1000xf32, #tpu.memory_space<vmem>>, vector<16xf32>,
        tpu.vector_store %arg8[%swap3A_510, %swap3A_511], %get3A_509 {strides = array<i32>} : memref<40x1000xf32, #tpu.memory_space<vmem>>, vector<16xf32>,
        %get3A_513 = arith.index_cast %scan3A_490 : i32 to index
        %get3A_514 = arith.constant 88 : index
        %get3A_515 = tpu.vector_load %arg10[%get3A_513, %get3A_514] {strides = array<i32>} : memref<40x128xf32, #tpu.memory_space<vmem>>, vector<16xf32>,
        %swap3A_516 = arith.index_cast %scan3A_490 : i32 to index
        %swap3A_517 = arith.constant 960 : index
        %swap3A_518 = tpu.vector_load %arg8[%swap3A_516, %swap3A_517] {strides = array<i32>} : memref<40x1000xf32, #tpu.memory_space<vmem>>, vector<16xf32>,
        tpu.vector_store %arg8[%swap3A_516, %swap3A_517], %get3A_515 {strides = array<i32>} : memref<40x1000xf32, #tpu.memory_space<vmem>>, vector<16xf32>,
        %get3A_519 = arith.index_cast %scan3A_490 : i32 to index
        %get3A_520 = arith.constant 104 : index
        %get3A_521 = tpu.vector_load %arg10[%get3A_519, %get3A_520] {strides = array<i32>} : memref<40x128xf32, #tpu.memory_space<vmem>>, vector<16xf32>,
        %swap3A_522 = arith.index_cast %scan3A_490 : i32 to index
        %swap3A_523 = arith.constant 976 : index
        %swap3A_524 = tpu.vector_load %arg8[%swap3A_522, %swap3A_523] {strides = array<i32>} : memref<40x1000xf32, #tpu.memory_space<vmem>>, vector<16xf32>,
        tpu.vector_store %arg8[%swap3A_522, %swap3A_523], %get3A_521 {strides = array<i32>} : memref<40x1000xf32, #tpu.memory_space<vmem>>, vector<16xf32>,
        %get3A_525 = arith.index_cast %scan3A_490 : i32 to index
        %get3A_526 = arith.constant 112 : index
        %get3A_527 = tpu.vector_load %arg10[%get3A_525, %get3A_526] {strides = array<i32>} : memref<40x128xf32, #tpu.memory_space<vmem>>, vector<16xf32>,
        %broadcast_in_dim3A = vector.broadcast %scan3A_490 : i32 to vector<16xi32>
        tpu.vector_store_idx %arg8[%broadcast_in_dim3A, %add3A_356], %get3A_527 : memref<40x1000xf32, #tpu.memory_space<vmem>>[vector<16xi32>, vector<16xi32>], vector<16xf32>,
      }
      %scan3A_362 = arith.constant 40 : i32
      %mul3A_363 = arith.constant 40 : i32
      %mul3A_364 = arith.muli %add3A_251, %mul3A_363 : i32
      %add3A_365 = arith.addi %mul3A_2, %mul3A_364 : i32
      %dma_start3A_366 = arith.constant 0 : i32
      %dma_start3A_367 = tpu.memref_slice %arg5[%add3A_365, %dma_start3A_366] : memref<204800x1000xf32, #tpu.memory_space<hbm>> -> memref<40x1000xf32, #tpu.memory_space<hbm>>
      %dma_start3A_368 = arith.constant 0 : i32
      %dma_start3A_369 = tpu.memref_slice %arg5[%add3A_365, %dma_start3A_368] : memref<204800x1000xf32, #tpu.memory_space<hbm>> -> memref<40x1000xf32, #tpu.memory_space<hbm>>
      tpu.enqueue_dma source(%arg8 : memref<40x1000xf32, #tpu.memory_space<vmem>>) target(%dma_start3A_369 : memref<40x1000xf32, #tpu.memory_space<hbm>>) target_semaphore(%arg12 : memref<!tpu.dma_semaphore, #tpu.memory_space<semaphore_mem>>)
      %dma_wait3A_370 = arith.constant 0 : i32
      %dma_wait3A_371 = tpu.memref_slice %arg6[%dma_wait3A_370] : memref<6400xi32, #tpu.memory_space<vmem>> -> memref<40xi32, #tpu.memory_space<vmem>>
      %dma_wait3A_372 = arith.constant 0 : i32
      %dma_wait3A_373 = arith.constant 0 : i32
      %dma_wait3A_374 = tpu.memref_slice %arg4[%dma_wait3A_372, %dma_wait3A_373] : memref<1000x128xf32, #tpu.memory_space<hbm>> -> memref<1000x128xf32, #tpu.memory_space<hbm>>
      tpu.wait_indirect_dma semaphore(%arg11 : memref<!tpu.dma_semaphore, #tpu.memory_space<semaphore_mem>>) src(%dma_wait3A_374 : memref<1000x128xf32, #tpu.memory_space<hbm>>) dst(%arg9 : memref<40x128xf32, #tpu.memory_space<vmem>>)
      %dma_wait3A_375 = arith.constant 0 : i32
      %dma_wait3A_376 = tpu.memref_slice %arg6[%dma_wait3A_375] : memref<6400xi32, #tpu.memory_space<vmem>> -> memref<40xi32, #tpu.memory_space<vmem>>
      %dma_wait3A_377 = arith.constant 0 : i32
      %dma_wait3A_378 = arith.constant 0 : i32
      %dma_wait3A_379 = tpu.memref_slice %arg4[%dma_wait3A_377, %dma_wait3A_378] : memref<1000x128xf32, #tpu.memory_space<hbm>> -> memref<1000x128xf32, #tpu.memory_space<hbm>>
      tpu.wait_indirect_dma semaphore(%arg11 : memref<!tpu.dma_semaphore, #tpu.memory_space<semaphore_mem>>) src(%dma_wait3A_379 : memref<1000x128xf32, #tpu.memory_space<hbm>>) dst(%arg9 : memref<40x128xf32, #tpu.memory_space<vmem>>)
      %dma_wait3A_380 = arith.constant 0 : i32
      %dma_wait3A_381 = tpu.memref_slice %arg6[%dma_wait3A_380] : memref<6400xi32, #tpu.memory_space<vmem>> -> memref<40xi32, #tpu.memory_space<vmem>>
      %dma_wait3A_382 = arith.constant 0 : i32
      %dma_wait3A_383 = arith.constant 0 : i32
      %dma_wait3A_384 = tpu.memref_slice %arg4[%dma_wait3A_382, %dma_wait3A_383] : memref<1000x128xf32, #tpu.memory_space<hbm>> -> memref<1000x128xf32, #tpu.memory_space<hbm>>
      tpu.wait_indirect_dma semaphore(%arg11 : memref<!tpu.dma_semaphore, #tpu.memory_space<semaphore_mem>>) src(%dma_wait3A_384 : memref<1000x128xf32, #tpu.memory_space<hbm>>) dst(%arg9 : memref<40x128xf32, #tpu.memory_space<vmem>>)
      %dma_wait3A_385 = arith.constant 0 : i32
      %dma_wait3A_386 = tpu.memref_slice %arg6[%dma_wait3A_385] : memref<6400xi32, #tpu.memory_space<vmem>> -> memref<40xi32, #tpu.memory_space<vmem>>
      %dma_wait3A_387 = arith.constant 0 : i32
      %dma_wait3A_388 = arith.constant 0 : i32
      %dma_wait3A_389 = tpu.memref_slice %arg4[%dma_wait3A_387, %dma_wait3A_388] : memref<1000x128xf32, #tpu.memory_space<hbm>> -> memref<1000x128xf32, #tpu.memory_space<hbm>>
      tpu.wait_indirect_dma semaphore(%arg11 : memref<!tpu.dma_semaphore, #tpu.memory_space<semaphore_mem>>) src(%dma_wait3A_389 : memref<1000x128xf32, #tpu.memory_space<hbm>>) dst(%arg9 : memref<40x128xf32, #tpu.memory_space<vmem>>)
      %dma_wait3A_390 = arith.constant 0 : i32
      %dma_wait3A_391 = tpu.memref_slice %arg6[%dma_wait3A_390] : memref<6400xi32, #tpu.memory_space<vmem>> -> memref<40xi32, #tpu.memory_space<vmem>>
      %dma_wait3A_392 = arith.constant 0 : i32
      %dma_wait3A_393 = arith.constant 0 : i32
      %dma_wait3A_394 = tpu.memref_slice %arg4[%dma_wait3A_392, %dma_wait3A_393] : memref<1000x128xf32, #tpu.memory_space<hbm>> -> memref<1000x128xf32, #tpu.memory_space<hbm>>
      tpu.wait_indirect_dma semaphore(%arg11 : memref<!tpu.dma_semaphore, #tpu.memory_space<semaphore_mem>>) src(%dma_wait3A_394 : memref<1000x128xf32, #tpu.memory_space<hbm>>) dst(%arg9 : memref<40x128xf32, #tpu.memory_space<vmem>>)
      %dma_wait3A_395 = arith.constant 0 : i32
      %dma_wait3A_396 = tpu.memref_slice %arg6[%dma_wait3A_395] : memref<6400xi32, #tpu.memory_space<vmem>> -> memref<40xi32, #tpu.memory_space<vmem>>
      %dma_wait3A_397 = arith.constant 0 : i32
      %dma_wait3A_398 = arith.constant 0 : i32
      %dma_wait3A_399 = tpu.memref_slice %arg4[%dma_wait3A_397, %dma_wait3A_398] : memref<1000x128xf32, #tpu.memory_space<hbm>> -> memref<1000x128xf32, #tpu.memory_space<hbm>>
      tpu.wait_indirect_dma semaphore(%arg11 : memref<!tpu.dma_semaphore, #tpu.memory_space<semaphore_mem>>) src(%dma_wait3A_399 : memref<1000x128xf32, #tpu.memory_space<hbm>>) dst(%arg9 : memref<40x128xf32, #tpu.memory_space<vmem>>)
      %dma_wait3A_400 = arith.constant 0 : i32
      %dma_wait3A_401 = tpu.memref_slice %arg6[%dma_wait3A_400] : memref<6400xi32, #tpu.memory_space<vmem>> -> memref<40xi32, #tpu.memory_space<vmem>>
      %dma_wait3A_402 = arith.constant 0 : i32
      %dma_wait3A_403 = arith.constant 0 : i32
      %dma_wait3A_404 = tpu.memref_slice %arg4[%dma_wait3A_402, %dma_wait3A_403] : memref<1000x128xf32, #tpu.memory_space<hbm>> -> memref<1000x128xf32, #tpu.memory_space<hbm>>
      tpu.wait_indirect_dma semaphore(%arg11 : memref<!tpu.dma_semaphore, #tpu.memory_space<semaphore_mem>>) src(%dma_wait3A_404 : memref<1000x128xf32, #tpu.memory_space<hbm>>) dst(%arg9 : memref<40x128xf32, #tpu.memory_space<vmem>>)
      %dma_wait3A_405 = arith.constant 0 : i32
      %dma_wait3A_406 = tpu.memref_slice %arg6[%dma_wait3A_405] : memref<6400xi32, #tpu.memory_space<vmem>> -> memref<40xi32, #tpu.memory_space<vmem>>
      %dma_wait3A_407 = arith.constant 0 : i32
      %dma_wait3A_408 = arith.constant 0 : i32
      %dma_wait3A_409 = tpu.memref_slice %arg4[%dma_wait3A_407, %dma_wait3A_408] : memref<1000x128xf32, #tpu.memory_space<hbm>> -> memref<1000x128xf32, #tpu.memory_space<hbm>>
      tpu.wait_indirect_dma semaphore(%arg11 : memref<!tpu.dma_semaphore, #tpu.memory_space<semaphore_mem>>) src(%dma_wait3A_409 : memref<1000x128xf32, #tpu.memory_space<hbm>>) dst(%arg9 : memref<40x128xf32, #tpu.memory_space<vmem>>)
      %dma_wait3A_410 = arith.constant 0 : i32
      %dma_wait3A_411 = tpu.memref_slice %arg5[%mul3A_2, %dma_wait3A_410] : memref<204800x1000xf32, #tpu.memory_space<hbm>> -> memref<40x1000xf32, #tpu.memory_space<hbm>>
      %dma_wait3A_412 = arith.constant 0 : i32
      %dma_wait3A_413 = tpu.memref_slice %arg5[%mul3A_2, %dma_wait3A_412] : memref<204800x1000xf32, #tpu.memory_space<hbm>> -> memref<40x1000xf32, #tpu.memory_space<hbm>>
      tpu.wait_dma2 semaphore(%arg12 : memref<!tpu.dma_semaphore, #tpu.memory_space<semaphore_mem>>) src(%arg7 : memref<40x1000xf32, #tpu.memory_space<vmem>>) dst(%dma_wait3A_413 : memref<40x1000xf32, #tpu.memory_space<hbm>>)
      %add3A_414 = arith.constant 2 : i32
      %add3A_415 = arith.addi %add3A_251, %add3A_414 : i32
      %mul3A_416 = arith.constant 40 : i32
      %mul3A_417 = arith.muli %add3A_415, %mul3A_416 : i32
      %dma_start3A_418 = arith.constant 0 : i32
      %dma_start3A_419 = arith.constant 0 : i32
      %dma_start3A_420 = tpu.memref_slice %arg8[%dma_start3A_418, %dma_start3A_419] : memref<40x1000xf32, #tpu.memory_space<vmem>> -> memref<40x128xf32, #tpu.memory_space<vmem>>
      %dma_start3A_421 = tpu.memref_slice %arg6[%mul3A_417] : memref<6400xi32, #tpu.memory_space<vmem>> -> memref<40xi32, #tpu.memory_space<vmem>>
      %dma_start3A_422 = arith.constant 0 : i32
      %dma_start3A_423 = arith.constant 0 : i32
      %dma_start3A_424 = tpu.memref_slice %arg3[%dma_start3A_422, %dma_start3A_423] : memref<1000x1000xf32, #tpu.memory_space<hbm>> -> memref<1000x128xf32, #tpu.memory_space<hbm>>
      tpu.enqueue_indirect_dma source(%dma_start3A_424 : memref<1000x128xf32, #tpu.memory_space<hbm>>) target(%dma_start3A_420 : memref<40x128xf32, #tpu.memory_space<vmem>>) offsets(%dma_start3A_421 : memref<40xi32, #tpu.memory_space<vmem>>) semaphore(%arg11 : memref<!tpu.dma_semaphore, #tpu.memory_space<semaphore_mem>>)
      %dma_start3A_425 = arith.constant 0 : i32
      %dma_start3A_426 = arith.constant 128 : i32
      %dma_start3A_427 = tpu.memref_slice %arg8[%dma_start3A_425, %dma_start3A_426] : memref<40x1000xf32, #tpu.memory_space<vmem>> -> memref<40x128xf32, #tpu.memory_space<vmem>>
      %dma_start3A_428 = tpu.memref_slice %arg6[%mul3A_417] : memref<6400xi32, #tpu.memory_space<vmem>> -> memref<40xi32, #tpu.memory_space<vmem>>
      %dma_start3A_429 = arith.constant 0 : i32
      %dma_start3A_430 = arith.constant 128 : i32
      %dma_start3A_431 = tpu.memref_slice %arg3[%dma_start3A_429, %dma_start3A_430] : memref<1000x1000xf32, #tpu.memory_space<hbm>> -> memref<1000x128xf32, #tpu.memory_space<hbm>>
      tpu.enqueue_indirect_dma source(%dma_start3A_431 : memref<1000x128xf32, #tpu.memory_space<hbm>>) target(%dma_start3A_427 : memref<40x128xf32, #tpu.memory_space<vmem>>) offsets(%dma_start3A_428 : memref<40xi32, #tpu.memory_space<vmem>>) semaphore(%arg11 : memref<!tpu.dma_semaphore, #tpu.memory_space<semaphore_mem>>)
      %dma_start3A_432 = arith.constant 0 : i32
      %dma_start3A_433 = arith.constant 256 : i32
      %dma_start3A_434 = tpu.memref_slice %arg8[%dma_start3A_432, %dma_start3A_433] : memref<40x1000xf32, #tpu.memory_space<vmem>> -> memref<40x128xf32, #tpu.memory_space<vmem>>
      %dma_start3A_435 = tpu.memref_slice %arg6[%mul3A_417] : memref<6400xi32, #tpu.memory_space<vmem>> -> memref<40xi32, #tpu.memory_space<vmem>>
      %dma_start3A_436 = arith.constant 0 : i32
      %dma_start3A_437 = arith.constant 256 : i32
      %dma_start3A_438 = tpu.memref_slice %arg3[%dma_start3A_436, %dma_start3A_437] : memref<1000x1000xf32, #tpu.memory_space<hbm>> -> memref<1000x128xf32, #tpu.memory_space<hbm>>
      tpu.enqueue_indirect_dma source(%dma_start3A_438 : memref<1000x128xf32, #tpu.memory_space<hbm>>) target(%dma_start3A_434 : memref<40x128xf32, #tpu.memory_space<vmem>>) offsets(%dma_start3A_435 : memref<40xi32, #tpu.memory_space<vmem>>) semaphore(%arg11 : memref<!tpu.dma_semaphore, #tpu.memory_space<semaphore_mem>>)
      %dma_start3A_439 = arith.constant 0 : i32
      %dma_start3A_440 = arith.constant 384 : i32
      %dma_start3A_441 = tpu.memref_slice %arg8[%dma_start3A_439, %dma_start3A_440] : memref<40x1000xf32, #tpu.memory_space<vmem>> -> memref<40x128xf32, #tpu.memory_space<vmem>>
      %dma_start3A_442 = tpu.memref_slice %arg6[%mul3A_417] : memref<6400xi32, #tpu.memory_space<vmem>> -> memref<40xi32, #tpu.memory_space<vmem>>
      %dma_start3A_443 = arith.constant 0 : i32
      %dma_start3A_444 = arith.constant 384 : i32
      %dma_start3A_445 = tpu.memref_slice %arg3[%dma_start3A_443, %dma_start3A_444] : memref<1000x1000xf32, #tpu.memory_space<hbm>> -> memref<1000x128xf32, #tpu.memory_space<hbm>>
      tpu.enqueue_indirect_dma source(%dma_start3A_445 : memref<1000x128xf32, #tpu.memory_space<hbm>>) target(%dma_start3A_441 : memref<40x128xf32, #tpu.memory_space<vmem>>) offsets(%dma_start3A_442 : memref<40xi32, #tpu.memory_space<vmem>>) semaphore(%arg11 : memref<!tpu.dma_semaphore, #tpu.memory_space<semaphore_mem>>)
      %dma_start3A_446 = arith.constant 0 : i32
      %dma_start3A_447 = arith.constant 512 : i32
      %dma_start3A_448 = tpu.memref_slice %arg8[%dma_start3A_446, %dma_start3A_447] : memref<40x1000xf32, #tpu.memory_space<vmem>> -> memref<40x128xf32, #tpu.memory_space<vmem>>
      %dma_start3A_449 = tpu.memref_slice %arg6[%mul3A_417] : memref<6400xi32, #tpu.memory_space<vmem>> -> memref<40xi32, #tpu.memory_space<vmem>>
      %dma_start3A_450 = arith.constant 0 : i32
      %dma_start3A_451 = arith.constant 512 : i32
      %dma_start3A_452 = tpu.memref_slice %arg3[%dma_start3A_450, %dma_start3A_451] : memref<1000x1000xf32, #tpu.memory_space<hbm>> -> memref<1000x128xf32, #tpu.memory_space<hbm>>
      tpu.enqueue_indirect_dma source(%dma_start3A_452 : memref<1000x128xf32, #tpu.memory_space<hbm>>) target(%dma_start3A_448 : memref<40x128xf32, #tpu.memory_space<vmem>>) offsets(%dma_start3A_449 : memref<40xi32, #tpu.memory_space<vmem>>) semaphore(%arg11 : memref<!tpu.dma_semaphore, #tpu.memory_space<semaphore_mem>>)
      %dma_start3A_453 = arith.constant 0 : i32
      %dma_start3A_454 = arith.constant 640 : i32
      %dma_start3A_455 = tpu.memref_slice %arg8[%dma_start3A_453, %dma_start3A_454] : memref<40x1000xf32, #tpu.memory_space<vmem>> -> memref<40x128xf32, #tpu.memory_space<vmem>>
      %dma_start3A_456 = tpu.memref_slice %arg6[%mul3A_417] : memref<6400xi32, #tpu.memory_space<vmem>> -> memref<40xi32, #tpu.memory_space<vmem>>
      %dma_start3A_457 = arith.constant 0 : i32
      %dma_start3A_458 = arith.constant 640 : i32
      %dma_start3A_459 = tpu.memref_slice %arg3[%dma_start3A_457, %dma_start3A_458] : memref<1000x1000xf32, #tpu.memory_space<hbm>> -> memref<1000x128xf32, #tpu.memory_space<hbm>>
      tpu.enqueue_indirect_dma source(%dma_start3A_459 : memref<1000x128xf32, #tpu.memory_space<hbm>>) target(%dma_start3A_455 : memref<40x128xf32, #tpu.memory_space<vmem>>) offsets(%dma_start3A_456 : memref<40xi32, #tpu.memory_space<vmem>>) semaphore(%arg11 : memref<!tpu.dma_semaphore, #tpu.memory_space<semaphore_mem>>)
      %dma_start3A_460 = arith.constant 0 : i32
      %dma_start3A_461 = arith.constant 768 : i32
      %dma_start3A_462 = tpu.memref_slice %arg8[%dma_start3A_460, %dma_start3A_461] : memref<40x1000xf32, #tpu.memory_space<vmem>> -> memref<40x128xf32, #tpu.memory_space<vmem>>
      %dma_start3A_463 = tpu.memref_slice %arg6[%mul3A_417] : memref<6400xi32, #tpu.memory_space<vmem>> -> memref<40xi32, #tpu.memory_space<vmem>>
      %dma_start3A_464 = arith.constant 0 : i32
      %dma_start3A_465 = arith.constant 768 : i32
      %dma_start3A_466 = tpu.memref_slice %arg3[%dma_start3A_464, %dma_start3A_465] : memref<1000x1000xf32, #tpu.memory_space<hbm>> -> memref<1000x128xf32, #tpu.memory_space<hbm>>
      tpu.enqueue_indirect_dma source(%dma_start3A_466 : memref<1000x128xf32, #tpu.memory_space<hbm>>) target(%dma_start3A_462 : memref<40x128xf32, #tpu.memory_space<vmem>>) offsets(%dma_start3A_463 : memref<40xi32, #tpu.memory_space<vmem>>) semaphore(%arg11 : memref<!tpu.dma_semaphore, #tpu.memory_space<semaphore_mem>>)
      %dma_start3A_467 = tpu.memref_slice %arg6[%mul3A_417] : memref<6400xi32, #tpu.memory_space<vmem>> -> memref<40xi32, #tpu.memory_space<vmem>>
      %dma_start3A_468 = arith.constant 0 : i32
      %dma_start3A_469 = arith.constant 0 : i32
      %dma_start3A_470 = tpu.memref_slice %arg4[%dma_start3A_468, %dma_start3A_469] : memref<1000x128xf32, #tpu.memory_space<hbm>> -> memref<1000x128xf32, #tpu.memory_space<hbm>>
      tpu.enqueue_indirect_dma source(%dma_start3A_470 : memref<1000x128xf32, #tpu.memory_space<hbm>>) target(%arg10 : memref<40x128xf32, #tpu.memory_space<vmem>>) offsets(%dma_start3A_467 : memref<40xi32, #tpu.memory_space<vmem>>) semaphore(%arg11 : memref<!tpu.dma_semaphore, #tpu.memory_space<semaphore_mem>>)
      %iota3A_471 = tpu.iota {dimensions = array<i32: 0>} : vector<16xi32>
      %add3A_472 = arith.constant 984 : i32
      %add3A_473 = vector.broadcast %add3A_472 : i32 to vector<16xi32>
      %add3A_474 = arith.addi %iota3A_471, %add3A_473 : vector<16xi32>
      %scan3A_475 = arith.constant 0 : i32
      %scan3A_476 = arith.constant 0 : i32
      %scan3A_477 = arith.constant 40 : i32
      %scan3A_478 = arith.addi %scan3A_476, %scan3A_477 : i32
      %scan3A_479 = arith.constant 1 : i32
      scf.for %scan3A_490 = %scan3A_476 to %scan3A_478 step %scan3A_479  : i32 {
        %get3A = arith.index_cast %scan3A_490 : i32 to index
        %get3A_491 = arith.constant 24 : index
        %get3A_492 = tpu.vector_load %arg9[%get3A, %get3A_491] {strides = array<i32>} : memref<40x128xf32, #tpu.memory_space<vmem>>, vector<16xf32>,
        %swap3A = arith.index_cast %scan3A_490 : i32 to index
        %swap3A_493 = arith.constant 896 : index
        %swap3A_494 = tpu.vector_load %arg7[%swap3A, %swap3A_493] {strides = array<i32>} : memref<40x1000xf32, #tpu.memory_space<vmem>>, vector<16xf32>,
        tpu.vector_store %arg7[%swap3A, %swap3A_493], %get3A_492 {strides = array<i32>} : memref<40x1000xf32, #tpu.memory_space<vmem>>, vector<16xf32>,
        %get3A_495 = arith.index_cast %scan3A_490 : i32 to index
        %get3A_496 = arith.constant 40 : index
        %get3A_497 = tpu.vector_load %arg9[%get3A_495, %get3A_496] {strides = array<i32>} : memref<40x128xf32, #tpu.memory_space<vmem>>, vector<16xf32>,
        %swap3A_498 = arith.index_cast %scan3A_490 : i32 to index
        %swap3A_499 = arith.constant 912 : index
        %swap3A_500 = tpu.vector_load %arg7[%swap3A_498, %swap3A_499] {strides = array<i32>} : memref<40x1000xf32, #tpu.memory_space<vmem>>, vector<16xf32>,
        tpu.vector_store %arg7[%swap3A_498, %swap3A_499], %get3A_497 {strides = array<i32>} : memref<40x1000xf32, #tpu.memory_space<vmem>>, vector<16xf32>,
        %get3A_501 = arith.index_cast %scan3A_490 : i32 to index
        %get3A_502 = arith.constant 56 : index
        %get3A_503 = tpu.vector_load %arg9[%get3A_501, %get3A_502] {strides = array<i32>} : memref<40x128xf32, #tpu.memory_space<vmem>>, vector<16xf32>,
        %swap3A_504 = arith.index_cast %scan3A_490 : i32 to index
        %swap3A_505 = arith.constant 928 : index
        %swap3A_506 = tpu.vector_load %arg7[%swap3A_504, %swap3A_505] {strides = array<i32>} : memref<40x1000xf32, #tpu.memory_space<vmem>>, vector<16xf32>,
        tpu.vector_store %arg7[%swap3A_504, %swap3A_505], %get3A_503 {strides = array<i32>} : memref<40x1000xf32, #tpu.memory_space<vmem>>, vector<16xf32>,
        %get3A_507 = arith.index_cast %scan3A_490 : i32 to index
        %get3A_508 = arith.constant 72 : index
        %get3A_509 = tpu.vector_load %arg9[%get3A_507, %get3A_508] {strides = array<i32>} : memref<40x128xf32, #tpu.memory_space<vmem>>, vector<16xf32>,
        %swap3A_510 = arith.index_cast %scan3A_490 : i32 to index
        %swap3A_511 = arith.constant 944 : index
        %swap3A_512 = tpu.vector_load %arg7[%swap3A_510, %swap3A_511] {strides = array<i32>} : memref<40x1000xf32, #tpu.memory_space<vmem>>, vector<16xf32>,
        tpu.vector_store %arg7[%swap3A_510, %swap3A_511], %get3A_509 {strides = array<i32>} : memref<40x1000xf32, #tpu.memory_space<vmem>>, vector<16xf32>,
        %get3A_513 = arith.index_cast %scan3A_490 : i32 to index
        %get3A_514 = arith.constant 88 : index
        %get3A_515 = tpu.vector_load %arg9[%get3A_513, %get3A_514] {strides = array<i32>} : memref<40x128xf32, #tpu.memory_space<vmem>>, vector<16xf32>,
        %swap3A_516 = arith.index_cast %scan3A_490 : i32 to index
        %swap3A_517 = arith.constant 960 : index
        %swap3A_518 = tpu.vector_load %arg7[%swap3A_516, %swap3A_517] {strides = array<i32>} : memref<40x1000xf32, #tpu.memory_space<vmem>>, vector<16xf32>,
        tpu.vector_store %arg7[%swap3A_516, %swap3A_517], %get3A_515 {strides = array<i32>} : memref<40x1000xf32, #tpu.memory_space<vmem>>, vector<16xf32>,
        %get3A_519 = arith.index_cast %scan3A_490 : i32 to index
        %get3A_520 = arith.constant 104 : index
        %get3A_521 = tpu.vector_load %arg9[%get3A_519, %get3A_520] {strides = array<i32>} : memref<40x128xf32, #tpu.memory_space<vmem>>, vector<16xf32>,
        %swap3A_522 = arith.index_cast %scan3A_490 : i32 to index
        %swap3A_523 = arith.constant 976 : index
        %swap3A_524 = tpu.vector_load %arg7[%swap3A_522, %swap3A_523] {strides = array<i32>} : memref<40x1000xf32, #tpu.memory_space<vmem>>, vector<16xf32>,
        tpu.vector_store %arg7[%swap3A_522, %swap3A_523], %get3A_521 {strides = array<i32>} : memref<40x1000xf32, #tpu.memory_space<vmem>>, vector<16xf32>,
        %get3A_525 = arith.index_cast %scan3A_490 : i32 to index
        %get3A_526 = arith.constant 112 : index
        %get3A_527 = tpu.vector_load %arg9[%get3A_525, %get3A_526] {strides = array<i32>} : memref<40x128xf32, #tpu.memory_space<vmem>>, vector<16xf32>,
        %broadcast_in_dim3A = vector.broadcast %scan3A_490 : i32 to vector<16xi32>
        tpu.vector_store_idx %arg7[%broadcast_in_dim3A, %add3A_474], %get3A_527 : memref<40x1000xf32, #tpu.memory_space<vmem>>[vector<16xi32>, vector<16xi32>], vector<16xf32>,
      }
      %scan3A_480 = arith.constant 40 : i32
      %add3A_481 = arith.constant 1 : i32
      %add3A_482 = arith.addi %add3A_251, %add3A_481 : i32
      %mul3A_483 = arith.constant 40 : i32
      %mul3A_484 = arith.muli %add3A_482, %mul3A_483 : i32
      %add3A_485 = arith.addi %mul3A_2, %mul3A_484 : i32
      %dma_start3A_486 = arith.constant 0 : i32
      %dma_start3A_487 = tpu.memref_slice %arg5[%add3A_485, %dma_start3A_486] : memref<204800x1000xf32, #tpu.memory_space<hbm>> -> memref<40x1000xf32, #tpu.memory_space<hbm>>
      %dma_start3A_488 = arith.constant 0 : i32
      %dma_start3A_489 = tpu.memref_slice %arg5[%add3A_485, %dma_start3A_488] : memref<204800x1000xf32, #tpu.memory_space<hbm>> -> memref<40x1000xf32, #tpu.memory_space<hbm>>
      tpu.enqueue_dma source(%arg7 : memref<40x1000xf32, #tpu.memory_space<vmem>>) target(%dma_start3A_489 : memref<40x1000xf32, #tpu.memory_space<hbm>>) target_semaphore(%arg12 : memref<!tpu.dma_semaphore, #tpu.memory_space<semaphore_mem>>)
    }
    %scan3A_182 = arith.constant 79 : i32
    %dma_wait3A_183 = arith.constant 0 : i32
    %dma_wait3A_184 = tpu.memref_slice %arg6[%dma_wait3A_183] : memref<6400xi32, #tpu.memory_space<vmem>> -> memref<40xi32, #tpu.memory_space<vmem>>
    %dma_wait3A_185 = arith.constant 0 : i32
    %dma_wait3A_186 = arith.constant 0 : i32
    %dma_wait3A_187 = tpu.memref_slice %arg4[%dma_wait3A_185, %dma_wait3A_186] : memref<1000x128xf32, #tpu.memory_space<hbm>> -> memref<1000x128xf32, #tpu.memory_space<hbm>>
    tpu.wait_indirect_dma semaphore(%arg11 : memref<!tpu.dma_semaphore, #tpu.memory_space<semaphore_mem>>) src(%dma_wait3A_187 : memref<1000x128xf32, #tpu.memory_space<hbm>>) dst(%arg9 : memref<40x128xf32, #tpu.memory_space<vmem>>)
    %dma_wait3A_188 = arith.constant 0 : i32
    %dma_wait3A_189 = tpu.memref_slice %arg6[%dma_wait3A_188] : memref<6400xi32, #tpu.memory_space<vmem>> -> memref<40xi32, #tpu.memory_space<vmem>>
    %dma_wait3A_190 = arith.constant 0 : i32
    %dma_wait3A_191 = arith.constant 0 : i32
    %dma_wait3A_192 = tpu.memref_slice %arg4[%dma_wait3A_190, %dma_wait3A_191] : memref<1000x128xf32, #tpu.memory_space<hbm>> -> memref<1000x128xf32, #tpu.memory_space<hbm>>
    tpu.wait_indirect_dma semaphore(%arg11 : memref<!tpu.dma_semaphore, #tpu.memory_space<semaphore_mem>>) src(%dma_wait3A_192 : memref<1000x128xf32, #tpu.memory_space<hbm>>) dst(%arg9 : memref<40x128xf32, #tpu.memory_space<vmem>>)
    %dma_wait3A_193 = arith.constant 0 : i32
    %dma_wait3A_194 = tpu.memref_slice %arg6[%dma_wait3A_193] : memref<6400xi32, #tpu.memory_space<vmem>> -> memref<40xi32, #tpu.memory_space<vmem>>
    %dma_wait3A_195 = arith.constant 0 : i32
    %dma_wait3A_196 = arith.constant 0 : i32
    %dma_wait3A_197 = tpu.memref_slice %arg4[%dma_wait3A_195, %dma_wait3A_196] : memref<1000x128xf32, #tpu.memory_space<hbm>> -> memref<1000x128xf32, #tpu.memory_space<hbm>>
    tpu.wait_indirect_dma semaphore(%arg11 : memref<!tpu.dma_semaphore, #tpu.memory_space<semaphore_mem>>) src(%dma_wait3A_197 : memref<1000x128xf32, #tpu.memory_space<hbm>>) dst(%arg9 : memref<40x128xf32, #tpu.memory_space<vmem>>)
    %dma_wait3A_198 = arith.constant 0 : i32
    %dma_wait3A_199 = tpu.memref_slice %arg6[%dma_wait3A_198] : memref<6400xi32, #tpu.memory_space<vmem>> -> memref<40xi32, #tpu.memory_space<vmem>>
    %dma_wait3A_200 = arith.constant 0 : i32
    %dma_wait3A_201 = arith.constant 0 : i32
    %dma_wait3A_202 = tpu.memref_slice %arg4[%dma_wait3A_200, %dma_wait3A_201] : memref<1000x128xf32, #tpu.memory_space<hbm>> -> memref<1000x128xf32, #tpu.memory_space<hbm>>
    tpu.wait_indirect_dma semaphore(%arg11 : memref<!tpu.dma_semaphore, #tpu.memory_space<semaphore_mem>>) src(%dma_wait3A_202 : memref<1000x128xf32, #tpu.memory_space<hbm>>) dst(%arg9 : memref<40x128xf32, #tpu.memory_space<vmem>>)
    %dma_wait3A_203 = arith.constant 0 : i32
    %dma_wait3A_204 = tpu.memref_slice %arg6[%dma_wait3A_203] : memref<6400xi32, #tpu.memory_space<vmem>> -> memref<40xi32, #tpu.memory_space<vmem>>
    %dma_wait3A_205 = arith.constant 0 : i32
    %dma_wait3A_206 = arith.constant 0 : i32
    %dma_wait3A_207 = tpu.memref_slice %arg4[%dma_wait3A_205, %dma_wait3A_206] : memref<1000x128xf32, #tpu.memory_space<hbm>> -> memref<1000x128xf32, #tpu.memory_space<hbm>>
    tpu.wait_indirect_dma semaphore(%arg11 : memref<!tpu.dma_semaphore, #tpu.memory_space<semaphore_mem>>) src(%dma_wait3A_207 : memref<1000x128xf32, #tpu.memory_space<hbm>>) dst(%arg9 : memref<40x128xf32, #tpu.memory_space<vmem>>)
    %dma_wait3A_208 = arith.constant 0 : i32
    %dma_wait3A_209 = tpu.memref_slice %arg6[%dma_wait3A_208] : memref<6400xi32, #tpu.memory_space<vmem>> -> memref<40xi32, #tpu.memory_space<vmem>>
    %dma_wait3A_210 = arith.constant 0 : i32
    %dma_wait3A_211 = arith.constant 0 : i32
    %dma_wait3A_212 = tpu.memref_slice %arg4[%dma_wait3A_210, %dma_wait3A_211] : memref<1000x128xf32, #tpu.memory_space<hbm>> -> memref<1000x128xf32, #tpu.memory_space<hbm>>
    tpu.wait_indirect_dma semaphore(%arg11 : memref<!tpu.dma_semaphore, #tpu.memory_space<semaphore_mem>>) src(%dma_wait3A_212 : memref<1000x128xf32, #tpu.memory_space<hbm>>) dst(%arg9 : memref<40x128xf32, #tpu.memory_space<vmem>>)
    %dma_wait3A_213 = arith.constant 0 : i32
    %dma_wait3A_214 = tpu.memref_slice %arg6[%dma_wait3A_213] : memref<6400xi32, #tpu.memory_space<vmem>> -> memref<40xi32, #tpu.memory_space<vmem>>
    %dma_wait3A_215 = arith.constant 0 : i32
    %dma_wait3A_216 = arith.constant 0 : i32
    %dma_wait3A_217 = tpu.memref_slice %arg4[%dma_wait3A_215, %dma_wait3A_216] : memref<1000x128xf32, #tpu.memory_space<hbm>> -> memref<1000x128xf32, #tpu.memory_space<hbm>>
    tpu.wait_indirect_dma semaphore(%arg11 : memref<!tpu.dma_semaphore, #tpu.memory_space<semaphore_mem>>) src(%dma_wait3A_217 : memref<1000x128xf32, #tpu.memory_space<hbm>>) dst(%arg9 : memref<40x128xf32, #tpu.memory_space<vmem>>)
    %dma_wait3A_218 = arith.constant 0 : i32
    %dma_wait3A_219 = tpu.memref_slice %arg6[%dma_wait3A_218] : memref<6400xi32, #tpu.memory_space<vmem>> -> memref<40xi32, #tpu.memory_space<vmem>>
    %dma_wait3A_220 = arith.constant 0 : i32
    %dma_wait3A_221 = arith.constant 0 : i32
    %dma_wait3A_222 = tpu.memref_slice %arg4[%dma_wait3A_220, %dma_wait3A_221] : memref<1000x128xf32, #tpu.memory_space<hbm>> -> memref<1000x128xf32, #tpu.memory_space<hbm>>
    tpu.wait_indirect_dma semaphore(%arg11 : memref<!tpu.dma_semaphore, #tpu.memory_space<semaphore_mem>>) src(%dma_wait3A_222 : memref<1000x128xf32, #tpu.memory_space<hbm>>) dst(%arg9 : memref<40x128xf32, #tpu.memory_space<vmem>>)
    %dma_wait3A_223 = arith.constant 0 : i32
    %dma_wait3A_224 = tpu.memref_slice %arg5[%mul3A_2, %dma_wait3A_223] : memref<204800x1000xf32, #tpu.memory_space<hbm>> -> memref<40x1000xf32, #tpu.memory_space<hbm>>
    %dma_wait3A_225 = arith.constant 0 : i32
    %dma_wait3A_226 = tpu.memref_slice %arg5[%mul3A_2, %dma_wait3A_225] : memref<204800x1000xf32, #tpu.memory_space<hbm>> -> memref<40x1000xf32, #tpu.memory_space<hbm>>
    tpu.wait_dma2 semaphore(%arg12 : memref<!tpu.dma_semaphore, #tpu.memory_space<semaphore_mem>>) src(%arg7 : memref<40x1000xf32, #tpu.memory_space<vmem>>) dst(%dma_wait3A_226 : memref<40x1000xf32, #tpu.memory_space<hbm>>)
    %iota3A_227 = tpu.iota {dimensions = array<i32: 0>} : vector<16xi32>
    %add3A_228 = arith.constant 984 : i32
    %add3A_229 = vector.broadcast %add3A_228 : i32 to vector<16xi32>
    %add3A_230 = arith.addi %iota3A_227, %add3A_229 : vector<16xi32>
    %scan3A_231 = arith.constant 0 : i32
    %scan3A_232 = arith.constant 0 : i32
    %scan3A_233 = arith.constant 40 : i32
    %scan3A_234 = arith.addi %scan3A_232, %scan3A_233 : i32
    %scan3A_235 = arith.constant 1 : i32
    scf.for %scan3A_247 = %scan3A_232 to %scan3A_234 step %scan3A_235  : i32 {
      %get3A = arith.index_cast %scan3A_247 : i32 to index
      %get3A_248 = arith.constant 24 : index
      %get3A_249 = tpu.vector_load %arg10[%get3A, %get3A_248] {strides = array<i32>} : memref<40x128xf32, #tpu.memory_space<vmem>>, vector<16xf32>,
      %swap3A = arith.index_cast %scan3A_247 : i32 to index
      %swap3A_250 = arith.constant 896 : index
      %swap3A_251 = tpu.vector_load %arg8[%swap3A, %swap3A_250] {strides = array<i32>} : memref<40x1000xf32, #tpu.memory_space<vmem>>, vector<16xf32>,
      tpu.vector_store %arg8[%swap3A, %swap3A_250], %get3A_249 {strides = array<i32>} : memref<40x1000xf32, #tpu.memory_space<vmem>>, vector<16xf32>,
      %get3A_252 = arith.index_cast %scan3A_247 : i32 to index
      %get3A_253 = arith.constant 40 : index
      %get3A_254 = tpu.vector_load %arg10[%get3A_252, %get3A_253] {strides = array<i32>} : memref<40x128xf32, #tpu.memory_space<vmem>>, vector<16xf32>,
      %swap3A_255 = arith.index_cast %scan3A_247 : i32 to index
      %swap3A_256 = arith.constant 912 : index
      %swap3A_257 = tpu.vector_load %arg8[%swap3A_255, %swap3A_256] {strides = array<i32>} : memref<40x1000xf32, #tpu.memory_space<vmem>>, vector<16xf32>,
      tpu.vector_store %arg8[%swap3A_255, %swap3A_256], %get3A_254 {strides = array<i32>} : memref<40x1000xf32, #tpu.memory_space<vmem>>, vector<16xf32>,
      %get3A_258 = arith.index_cast %scan3A_247 : i32 to index
      %get3A_259 = arith.constant 56 : index
      %get3A_260 = tpu.vector_load %arg10[%get3A_258, %get3A_259] {strides = array<i32>} : memref<40x128xf32, #tpu.memory_space<vmem>>, vector<16xf32>,
      %swap3A_261 = arith.index_cast %scan3A_247 : i32 to index
      %swap3A_262 = arith.constant 928 : index
      %swap3A_263 = tpu.vector_load %arg8[%swap3A_261, %swap3A_262] {strides = array<i32>} : memref<40x1000xf32, #tpu.memory_space<vmem>>, vector<16xf32>,
      tpu.vector_store %arg8[%swap3A_261, %swap3A_262], %get3A_260 {strides = array<i32>} : memref<40x1000xf32, #tpu.memory_space<vmem>>, vector<16xf32>,
      %get3A_264 = arith.index_cast %scan3A_247 : i32 to index
      %get3A_265 = arith.constant 72 : index
      %get3A_266 = tpu.vector_load %arg10[%get3A_264, %get3A_265] {strides = array<i32>} : memref<40x128xf32, #tpu.memory_space<vmem>>, vector<16xf32>,
      %swap3A_267 = arith.index_cast %scan3A_247 : i32 to index
      %swap3A_268 = arith.constant 944 : index
      %swap3A_269 = tpu.vector_load %arg8[%swap3A_267, %swap3A_268] {strides = array<i32>} : memref<40x1000xf32, #tpu.memory_space<vmem>>, vector<16xf32>,
      tpu.vector_store %arg8[%swap3A_267, %swap3A_268], %get3A_266 {strides = array<i32>} : memref<40x1000xf32, #tpu.memory_space<vmem>>, vector<16xf32>,
      %get3A_270 = arith.index_cast %scan3A_247 : i32 to index
      %get3A_271 = arith.constant 88 : index
      %get3A_272 = tpu.vector_load %arg10[%get3A_270, %get3A_271] {strides = array<i32>} : memref<40x128xf32, #tpu.memory_space<vmem>>, vector<16xf32>,
      %swap3A_273 = arith.index_cast %scan3A_247 : i32 to index
      %swap3A_274 = arith.constant 960 : index
      %swap3A_275 = tpu.vector_load %arg8[%swap3A_273, %swap3A_274] {strides = array<i32>} : memref<40x1000xf32, #tpu.memory_space<vmem>>, vector<16xf32>,
      tpu.vector_store %arg8[%swap3A_273, %swap3A_274], %get3A_272 {strides = array<i32>} : memref<40x1000xf32, #tpu.memory_space<vmem>>, vector<16xf32>,
      %get3A_276 = arith.index_cast %scan3A_247 : i32 to index
      %get3A_277 = arith.constant 104 : index
      %get3A_278 = tpu.vector_load %arg10[%get3A_276, %get3A_277] {strides = array<i32>} : memref<40x128xf32, #tpu.memory_space<vmem>>, vector<16xf32>,
      %swap3A_279 = arith.index_cast %scan3A_247 : i32 to index
      %swap3A_280 = arith.constant 976 : index
      %swap3A_281 = tpu.vector_load %arg8[%swap3A_279, %swap3A_280] {strides = array<i32>} : memref<40x1000xf32, #tpu.memory_space<vmem>>, vector<16xf32>,
      tpu.vector_store %arg8[%swap3A_279, %swap3A_280], %get3A_278 {strides = array<i32>} : memref<40x1000xf32, #tpu.memory_space<vmem>>, vector<16xf32>,
      %get3A_282 = arith.index_cast %scan3A_247 : i32 to index
      %get3A_283 = arith.constant 112 : index
      %get3A_284 = tpu.vector_load %arg10[%get3A_282, %get3A_283] {strides = array<i32>} : memref<40x128xf32, #tpu.memory_space<vmem>>, vector<16xf32>,
      %broadcast_in_dim3A = vector.broadcast %scan3A_247 : i32 to vector<16xi32>
      tpu.vector_store_idx %arg8[%broadcast_in_dim3A, %add3A_230], %get3A_284 : memref<40x1000xf32, #tpu.memory_space<vmem>>[vector<16xi32>, vector<16xi32>], vector<16xf32>,
    }
    %scan3A_236 = arith.constant 40 : i32
    %add3A_237 = arith.constant 6360 : i32
    %add3A_238 = arith.addi %mul3A_2, %add3A_237 : i32
    %dma_start3A_239 = arith.constant 0 : i32
    %dma_start3A_240 = tpu.memref_slice %arg5[%add3A_238, %dma_start3A_239] : memref<204800x1000xf32, #tpu.memory_space<hbm>> -> memref<40x1000xf32, #tpu.memory_space<hbm>>
    %dma_start3A_241 = arith.constant 0 : i32
    %dma_start3A_242 = tpu.memref_slice %arg5[%add3A_238, %dma_start3A_241] : memref<204800x1000xf32, #tpu.memory_space<hbm>> -> memref<40x1000xf32, #tpu.memory_space<hbm>>
    tpu.enqueue_dma source(%arg8 : memref<40x1000xf32, #tpu.memory_space<vmem>>) target(%dma_start3A_242 : memref<40x1000xf32, #tpu.memory_space<hbm>>) target_semaphore(%arg12 : memref<!tpu.dma_semaphore, #tpu.memory_space<semaphore_mem>>)
    %dma_wait3A_243 = arith.constant 0 : i32
    %dma_wait3A_244 = tpu.memref_slice %arg5[%mul3A_2, %dma_wait3A_243] : memref<204800x1000xf32, #tpu.memory_space<hbm>> -> memref<40x1000xf32, #tpu.memory_space<hbm>>
    %dma_wait3A_245 = arith.constant 0 : i32
    %dma_wait3A_246 = tpu.memref_slice %arg5[%mul3A_2, %dma_wait3A_245] : memref<204800x1000xf32, #tpu.memory_space<hbm>> -> memref<40x1000xf32, #tpu.memory_space<hbm>>
    tpu.wait_dma2 semaphore(%arg12 : memref<!tpu.dma_semaphore, #tpu.memory_space<semaphore_mem>>) src(%arg7 : memref<40x1000xf32, #tpu.memory_space<vmem>>) dst(%dma_wait3A_246 : memref<40x1000xf32, #tpu.memory_space<hbm>>)
    return
  }
}

</mosaic_0001>

<sc_bundles>
// kernel: kernel.3.cloned.1.call-start
scs
__scs_entry_jumppad:
0x0: {  	(pc) =	sbr.rel $0x88, $3  }
0x1: {  	(tag) =	ssettag $0x0;
	lr =	simm.s32 $0x1  }
0x2: {  	[smem:$0x3F9F] =	sst lr;
	_ =	strace $0xD0000000  }
0x3: {  	_ = 	snop  }
0x4: {  	_ = 	snop  }
0x5: {  	_ = 	snop  }
0x6: {  	_ = 	snop  }
0x7: {  	_ = 	snop  }
__scs_overlays_trampoline_lowered:
0x8: {  	[smem:$0x3FAE] =	sst s0  }
0x9: {  	[smem:$0x3FAF] =	sst s1  }
0xa: {  	[smem:$0x3FB0] =	sst s2  }
0xb: {  	[smem:$0x3FB1] =	sst s3  }
0xc: {  	[smem:$0x3FB2] =	sst s4  }
0xd: {  	[smem:$0x3FB3] =	sst s5  }
0xe: {  	[smem:$0x3FB4] =	sst s6  }
0xf: {  	[smem:$0x3FB5] =	sst s7  }
0x10: {  	[smem:$0x3FB6] =	sst s8  }
0x11: {  	[smem:$0x3FB7] =	sst s9;
	s0 =	simm.s32 @!p0 $0x0  }
0x12: {  	s1 =	sld [smem:$0x3F9D];
	s0 =	simm.s32 @p0 $0x1  }
0x13: {  	[smem:$0x3FB8] =	sst s0;
	s0 =	simm.s32 @!p1 $0x0  }
0x14: {  	s2 =	sld [smem:$0x3F9C];
	s0 =	simm.s32 @p1 $0x1  }
0x15: {  	[smem:$0x3FB9] =	sst s0;
	s0 =	simm.s32 @!p2 $0x0  }
0x16: {  	s3 =	sld [smem:$0x3FDB];
	s0 =	simm.s32 @p2 $0x1  }
0x17: {  	s4 =	simm.s32 $0x1BF5;
	[smem:$0x3FBB] =	sst s0  }
0x18: {  	s0 =	sld [smem:$0x3F9E];
	_ =	swait.ge [sflag:s4], $0x0  }
0x19: {  	s7 =	sld [smem:$0x3F9F]  }
0x1a: {  	s8 =	sadd.s32 $0xFFFFE003, lr  }
0x1b: {  	s9 =	sadd.s32 $0xFFFFFEF7, lr;
	s5 =	simm.s32 $0xFFFFFFFF;
	p2 =	slt.u32 s8, $0xFFFFF086  }
0x1c: {  	p1 =	slt.u32 s9, $0xF7A;
	s5 =	simm.s32 @!p2 $0x0  }
0x1d: {  	s5 =	simm.s32 @p1 $0x1;
	p0 =	seq.s32 s7, s2  }
0x1e: {  	s7 =	smul.u32 @!p0 $0xF7A, s2;
	p2 =	seq.s32 @!p0 s5, $0x0  }
0x1f: {  	s9 =	smul.u32 $0xF7A, s1;
	s8 =	simm.s32 @!p0 $0x1BF5;
	p2 =	por !p2, p0  }
0x20: {  	[sflag:s8] =	ssyncset.s32 @!p0 $0xFFFFF086;
	s6 =	sadd.s32 @!p0 s3, s7;
	s7 =	simm.s32 @!p0 $0x108  }
0x21: {  	s3 =	sadd.s32 s3, s9;
	s6 =	sadd.s32 @!p0 $0x88, s6;
	s7 =	simm.s32 @p2 $0x1082  }
0x22: {  	[simem:s7], [sflag:s8] =	dma.local @!p0 [hbm:s6], $0xF7A  }
0x23: {  	s9 =	sor.u32 $0xD0000000, s2;
	s6 =	simm.s32 $0x108;
	_ =	swait.ge @!p0 [sflag:s8], $0x0  }
0x24: {  	s3 =	sadd.s32 $0x88, s3;
	s6 =	simm.s32 @!p1 $0x1082;
	[sflag:s4] =	ssyncset.s32 $0xFFFFF086  }
0x25: {  	[simem:s6], [sflag:s4] =	dma.local [hbm:s3], $0xF7A  }
0x26: {  	[smem:$0x3F9F] =	sst s1;
	(tag) =	ssettag s2;
	_ =	strace s9  }
0x27: {  	s1 =	sld [smem:$0x3FAF]  }
0x28: {  	s2 =	sld [smem:$0x3FB0]  }
0x29: {  	s4 =	sld [smem:$0x3FB2]  }
0x2a: {  	p0 =	seq.s32 s5, $0x0;
	s5 =	sld [smem:$0x3FB3]  }
0x2b: {  	s6 =	sld [smem:$0x3FB4]  }
0x2c: {  	s7 =	sld [smem:$0x3FB5]  }
0x2d: {  	s3 =	simm.s32 $0x108;
	s8 =	sld [smem:$0x3FB6]  }
0x2e: {  	s3 =	simm.s32 @!p0 $0x1082;
	s9 =	sld [smem:$0x3FB7]  }
0x2f: {  	lr =	sadd.s32 s0, s3;
	s0 =	sld [smem:$0x3FAE]  }
0x30: {  	s3 =	sld [smem:$0x3FB1]  }
0x31: {  	[smem:$0x3FBA] =	sst s10  }
0x32: {  	s10 =	sld [smem:$0x3FB8];
	_ =	sdelay $0x3  }
0x33: {  	p0 =	seq.s32 s10, $0x1;
	s10 =	sld [smem:$0x3FBA];
	_ =	sdelay $0x3  }
0x34: {  	[smem:$0x3FBA] =	sst s10  }
0x35: {  	s10 =	sld [smem:$0x3FB9];
	_ =	sdelay $0x3  }
0x36: {  	p1 =	seq.s32 s10, $0x1;
	s10 =	sld [smem:$0x3FBA];
	_ =	sdelay $0x3  }
0x37: {  	[smem:$0x3FBA] =	sst s10  }
0x38: {  	s10 =	sld [smem:$0x3FBB]  }
0x39: {  	_ = 	snop;
	(pc) =	sbr.ind lr, $3  }
0x3a: {  	_ = 	snop  }
0x3b: {  	_ = 	snop  }
0x3c: {  	p2 =	seq.s32 s10, $0x1;
	s10 =	sld [smem:$0x3FBA]  }
0x3d: {  	_ =	shalt  }
0x3e: {  	_ =	shalt  }
0x3f: {  	_ =	shalt  }
0x40: {  	_ =	shalt  }
0x41: {  	_ =	shalt  }
0x42: {  	_ =	shalt  }
0x43: {  	_ =	shalt  }
0x44: {  	_ =	shalt  }
0x45: {  	_ =	shalt  }
0x46: {  	_ =	shalt  }
0x47: {  	_ =	shalt  }
0x48: {  	_ =	shalt  }
0x49: {  	_ =	shalt  }
0x4a: {  	_ =	shalt  }
0x4b: {  	_ =	shalt  }
0x4c: {  	_ =	shalt  }
0x4d: {  	_ =	shalt  }
0x4e: {  	_ =	shalt  }
0x4f: {  	_ =	shalt  }
0x50: {  	_ =	shalt  }
0x51: {  	_ =	shalt  }
0x52: {  	_ =	shalt  }
0x53: {  	_ =	shalt  }
0x54: {  	_ =	shalt  }
0x55: {  	_ =	shalt  }
0x56: {  	_ =	shalt  }
0x57: {  	_ =	shalt  }
0x58: {  	_ =	shalt  }
0x59: {  	_ =	shalt  }
0x5a: {  	_ =	shalt  }
0x5b: {  	_ =	shalt  }
0x5c: {  	_ =	shalt  }
0x5d: {  	_ =	shalt  }
0x5e: {  	_ =	shalt  }
0x5f: {  	_ =	shalt  }
0x60: {  	_ =	shalt  }
0x61: {  	_ =	shalt  }
0x62: {  	_ =	shalt  }
0x63: {  	_ =	shalt  }
0x64: {  	_ =	shalt  }
0x65: {  	_ =	shalt  }
0x66: {  	_ =	shalt  }
0x67: {  	_ =	shalt  }
0x68: {  	_ =	shalt  }
0x69: {  	_ =	shalt  }
0x6a: {  	_ =	shalt  }
0x6b: {  	_ =	shalt  }
0x6c: {  	_ =	shalt  }
0x6d: {  	_ =	shalt  }
0x6e: {  	_ =	shalt  }
0x6f: {  	_ =	shalt  }
0x70: {  	_ =	shalt  }
0x71: {  	_ =	shalt  }
0x72: {  	_ =	shalt  }
0x73: {  	_ =	shalt  }
0x74: {  	_ =	shalt  }
0x75: {  	_ =	shalt  }
0x76: {  	_ =	shalt  }
0x77: {  	_ =	shalt  }
0x78: {  	_ =	shalt  }
0x79: {  	_ =	shalt  }
0x7a: {  	_ =	shalt  }
0x7b: {  	_ =	shalt  }
0x7c: {  	_ =	shalt  }
0x7d: {  	_ =	shalt  }
0x7e: {  	_ =	shalt  }
0x7f: {  	_ =	shalt  }
0x80: {  	_ =	shalt  }
0x81: {  	_ =	shalt  }
0x82: {  	_ =	shalt  }
0x83: {  	_ =	shalt  }
0x84: {  	_ =	shalt  }
0x85: {  	_ =	shalt  }
0x86: {  	_ =	shalt  }
0x87: {  	_ =	shalt  }
.Lfunc_end0:
.L_simem_size_0:
called_computation.1_lowered:
.L_overlay_start_0:
0x88: {  	s2 =	sld [smem:$0x3FD9]  }
0x89: {  	s3 =	sld [smem:$0x3FFE];
	_ =	sdelay $0x1  }
0x8a: {  	s1 =	srdreg.scid  }
0x8b: {  	s0 =	sand.u32 $0x1, s1  }
0x8c: {  	s17 =	sshll.u32 s0, $0xA;
	s2 =	sadd.s32 s3, s2  }
0x8d: {  	s2 =	sadd.s32 s2, s17  }
0x8e: {  	[smem:$0x3FC6] =	sst s2  }
0x8f: {  	_ = 	snop  }
0x90: {  	s2 =	sld [smem:$0x3FC8]  }
0x91: {  	s18 =	sld [smem:$0x3FD0];
	(tm) =	ssettm $0x1  }
0x92: {  	s4 =	sld [smem:$0x3FFB];
	_ =	sdelay $0x3  }
0x93: {  	_ =	strace s4  }
0x94: {  	s4 =	sld [smem:$0x3FFC];
	_ =	sdelay $0x3  }
0x95: {  	_ =	strace s4  }
0x96: {  	s4 =	sld [smem:$0x3FFD];
	_ =	sdelay $0x3  }
0x97: {  	_ =	strace s4  }
0x98: {  	_ =	strace $0x8FFFFFFF  }
0x99: {  	s19 =	sld [smem:$0x3FDB];
	_ =	sdelay $0x1  }
0x9a: {  	s5 =	simm.s32 $_scs_section_size  }
0x9b: {  	s6 =	simm.s32 $_size__tile_overlayer_lowered;
	s7 =	simm.s32 $_tile_overlayer_lowered  }
0x9c: {  	s22 =	simm.s32 $0x1BFF;
	s21 =	sshll.u32 s7, $0x1;
	s4 =	sadd.s32 s5, s19  }
0x9d: {  	s8 =	simm.s32 $0x0;
	s20 =	sshll.u32 s6, $0x1;
	s6 =	sadd.s32 s21, s4  }
0x9e: {  	[timem:s8], [sflag:s22] =	dma.local [hbm:s6], s20  }
0x9f: {  	_ =	swait.ge [sflag:s22], s20  }
0xa0: {  	s5 =	ssub.s32 $0x0, s20;
	[sflag:s22] =	ssyncset.done $0x0  }
0xa1: {  	[sflag:s22] =	ssyncadd.s32 s5;
	_ =	sdelay $0x1  }
0xa2: {  	s23 =	simm.s32 $0x1B8B  }
0xa3: {  	_ =	swait.ge [sflag:s23], $0x1  }
0xa4: {  	[sflag:s23] =	ssyncset.done $0x0  }
0xa5: {  	s25 =	simm.s32 $0x1B8E;
	s24 =	sld [smem:$0x3FFE];
	[sflag:s23] =	ssyncadd.s32 $0xFFFFFFFF  }
0xa6: {  	s26 =	simm.s32 $execute0_lowered;
	[smem:$0x3FD2] =	sst s25  }
0xa7: {  	s6 =	sshll.u32 s26, $0x1;
	_ =	strace $0x80000046;
	[dreg:$0x1] =	wrdreg $0xFFFFFFFF  }
0xa8: {  	s28 =	simm.s32 $_size_execute0_lowered;
	s4 =	sadd.s32 s4, s6;
	[dreg:$0x0] =	wrdreg $0x0  }
0xa9: {  	s6 =	sshll.u32 s28, $0x1;
	[dreg:$0x2] =	wrdreg s4  }
0xaa: {  	[dreg:$0x3] =	wrdreg s6  }
0xab: {  	[dreg:$0x4] =	wrdreg $0xC0  }
0xac: {  	_ =	task [dreg:s8], $0x5FFFF  }
0xad: {  	[dreg:$0x1] =	wrdreg $0xFFFFFFFF  }
0xae: {  	[dreg:$0x0] =	wrdreg $0x60  }
0xaf: {  	[dreg:$0x2] =	wrdreg s18  }
0xb0: {  	[dreg:$0x3] =	wrdreg s2  }
0xb1: {  	[dreg:$0x4] =	wrdreg s24  }
0xb2: {  	[dreg:$0x5] =	wrdreg $0x9  }
0xb3: {  	_ =	task.clear_ibuf [dreg:s8], $0x6FFFF;
	_ =	strace $0x90000046  }
0xb4: {  	s29 =	simm.s32 $0x9;
	_ =	strace $0x80000048  }
0xb5: {  	_ =	swait.ge [sflag:s29], $0x1  }
0xb6: {  	[sflag:s29] =	ssyncadd.s32 $0xFFFFFFFF  }
0xb7: {  	_ =	strace $0x90000048  }
0xb8: {  	_ =	sfence  }
0xb9: {  	s30 =	sld [smem:$0x0];
	_ =	sdelay $0x2  }
0xba: {  	s31 =	sshll.u32 s1, $0xD;
	s1 =	sshrl.u32 s1, $0x2  }
0xbb: {  	s3 =	sand.u32 $0x4000, s31;
	s1 =	sadd.s32 s1, s30  }
0xbc: {  	s0 =	sor.u32 s3, s0;
	s1 =	sshll.u32 s1, $0x11  }
0xbd: {  	s0 =	sor.u32 s1, s0  }
0xbe: {  	s0 =	sadd.s32 $0x8F2B, s0  }
0xbf: {  	[sflag:s0] =	ssyncadd.remote.s32 $0x1  }
0xc0: {  	_ =	sfence.sel $0xFFFF  }
0xc1: {  	[dreg:$0x0] =	wrdreg $0xFFFFFFFF;
	(pc) =	sbr.abs _section_cstart, $3  }
0xc2: {  	[dreg:$0x1] =	wrdreg $0xFFFFFFFF  }
0xc3: {  	_ =	task.clear_ibuf [dreg:s8], $0x2FFFF;
	_ =	strace $0x9FFFFFFF  }
0xc4: {  	(tm) =	ssettm $0x7FFFFFFF  }
0xc5: {  	_ =	shalt  }
tec
execute0_lowered:
.L_overlay_start_1:
0x0: {  	(tag) =	ssettag $0x1  }
0x1: {  	s0 =	rddreg [dreg:$0x0]  }
0x2: {  	s2 =	rddreg [dreg:$0x1]  }
0x3: {  	s1 =	srdreg.scid;
	s3 =	stileid.u32  }
0x4: {  	s6 =	rddreg [dreg:$0x2];
	s19 =	simm.s32 $0x1900;
	s17 =	simm.s32 $0x28  }
0x5: {  	s20 =	simm.s32 $0x1;
	s21 =	simm.s32 $0xB900;
	s24 =	simm.s32 $0x13100  }
0x6: {  	s25 =	simm.s32 $0x15100;
	s26 =	simm.s32 $0x16D00;
	s28 =	simm.s32 $0x2  }
0x7: {  	s1 =	sand.u32 $0x1, s1;
	s4 =	sshll.u32 s3, $0x1;
	s3 =	simm.s32 $0x0  }
0x8: {  	s5 =	sadd.s32 $0x800, s6;
	s6 =	sadd.s32 $0x4800, s6;
	s10 =	sadd.s32 $0x180, s2  }
0x9: {  	s11 =	sadd.s32 $0x200, s2;
	s12 =	sadd.s32 $0x280, s2;
	s7 =	sor.u32 s1, s4  }
0xa: {  	s13 =	sadd.s32 $0x300, s2;
	[smem:$0x7FF] =	sst s3;
	s4 =	smul.u32 $0x1900, s7  }
0xb: {  	s1 =	ssub.s32 $0x2, s1;
	_ =	strace $0x80000047;
	s30 =	smul.u32 $0x640000, s7  }
0xc: {  	s8 =	sshrl.u32 s1, $0x1;
	s7 =	smul.u32 $0xC8000, s7;
	s9 =	sshrl.u32 s4, $0x3  }
0xd: {  	s1 =	ssub.s32 s1, s8;
	s8 =	sadd.s32 $0x80, s2;
	s0 =	sadd.s32 s0, s9  }
0xe: {  	s7 =	sadd.s32 s6, s7;
	[dreg:$0x4] =	wrdreg s0;
	s0 =	sshrl.u32 s30, $0x3  }
0xf: {  	v3 =	vlaneseq.u32;
	s31 =	smax.u32 s1, $0x1;
	[dreg:$0x5] =	wrdreg s7;
	s0 =	sadd.s32 s6, s0  }
0x10: {  	vm0 =	vmmov $0xff;
	v1 =	vshrl.u32 v3, $0x3;
	v0 =	vand.u32 $0x7, v3;
	s15 =	sor.u32 $0x28, s4;
	[dreg:$0x7] =	wrdreg s31;
	s0 =	sadd.s32 $0xC6C00, s0  }
0x11: {  	v2 =	vor.u32 $0x8, v3;
	v3 =	vadd.s32 $0x1C58, v3;
	v1 =	vmul.u32 $0x8, v1;
	s1 =	simm.s32 $0x0;
	s9 =	sadd.s32 $0x100, s2;
	[dreg:$0x6] =	wrdreg s0  }
.LBB2_1:
0x12: {  	[dreg:$0x8] =	wrdreg s1  }
0x13: {  	s0 =	rddreg [dreg:$0x4];
	s30 =	simm.s32 $0x3  }
0x14: {  	[tilespmem:s3], [sflag:$0x3] =	stream.linear.gather [hbm4b:s0+s3], $0x1900, $0x38;
	[tilespmem:$0x18100] =	vst v63  }
0x15: {  	_ =	swait.ge [sflag:s30], $0x1900  }
0x16: {  	[sflag:s30] =	ssyncset.done $0x0  }
0x17: {  	[sflag:s30] =	ssyncadd.s32 $0xFFFFE700  }
0x18: {  	v4 =	vld [tilespmem:$0x0];
	_ =	sdelay $0x4  }
0x19: {  	v5 =	vshll.u32 v4, $0x3  }
0x1a: {  	v4 =	vand.u32 $0x7, v4;
	v5 =	vand.u32 $0xFFFFFFC0, v5  }
0x1b: {  	v4 =	vor.u32 v4, v5  }
0x1c: {  	v5 =	vperm.xlane v4, v0;
	_ =	sdelay $0x1  }
0x1d: {  	v4 =	vperm.xlane v4, v2;
	v5 =	vadd.s32 v1, v5;
	_ =	sdelay $0x1  }
0x1e: {  	v4 =	vadd.s32 v1, v4;
	_ =	sdelay $0x2  }
0x1f: {  	[tilespmem:s19], [sflag:$0x1] =	stream.indirect_vreg.gather [hbm4b:s2+s3], $0x80, v5, vm0, $0xb8;
	[tilespmem:$0x18100] =	vst v63  }
0x20: {  	s31 =	simm.s32 $0x3900  }
0x21: {  	[tilespmem:s31], [sflag:$0x1] =	stream.indirect_vreg.gather [hbm4b:s2+s3], $0x80, v4, vm0, $0xb8;
	[tilespmem:$0x18100] =	vst v63  }
0x22: {  	v4 =	vld [tilespmem:$0x10];
	_ =	sdelay $0x4  }
0x23: {  	v5 =	vshll.u32 v4, $0x3  }
0x24: {  	v4 =	vand.u32 $0x7, v4;
	v5 =	vand.u32 $0xFFFFFFC0, v5  }
0x25: {  	v4 =	vor.u32 v4, v5  }
0x26: {  	v5 =	vperm.xlane v4, v0;
	_ =	sdelay $0x1  }
0x27: {  	v4 =	vperm.xlane v4, v2;
	v5 =	vadd.s32 v1, v5;
	_ =	sdelay $0x1  }
0x28: {  	v4 =	vadd.s32 v1, v4;
	_ =	sdelay $0x1  }
0x29: {  	s1 =	simm.s32 $0x5900  }
0x2a: {  	[tilespmem:s1], [sflag:$0x1] =	stream.indirect_vreg.gather [hbm4b:s2+s3], $0x80, v5, vm0, $0xb8;
	[tilespmem:$0x18100] =	vst v63  }
0x2b: {  	s7 =	simm.s32 $0x7900  }
0x2c: {  	[tilespmem:s7], [sflag:$0x1] =	stream.indirect_vreg.gather [hbm4b:s2+s3], $0x80, v4, vm0, $0xb8;
	[tilespmem:$0x18100] =	vst v63  }
0x2d: {  	v4 =	vld.msk [tilespmem:$0x20], $0xff;
	_ =	sdelay $0x4  }
0x2e: {  	v5 =	vshll.u32 v4, $0x3  }
0x2f: {  	v4 =	vand.u32 $0x7, v4;
	v5 =	vand.u32 $0xFFFFFFC0, v5  }
0x30: {  	v4 =	vor.u32 v4, v5  }
0x31: {  	v4 =	vperm.xlane v4, v0;
	_ =	sdelay $0x1  }
0x32: {  	v4 =	vadd.s32 v1, v4;
	_ =	sdelay $0x3  }
0x33: {  	s14 =	simm.s32 $0x9900  }
0x34: {  	[tilespmem:s14], [sflag:$0x1] =	stream.indirect_vreg.gather [hbm4b:s2+s3], $0x80, v4, vm0, $0xb8;
	[tilespmem:$0x18100] =	vst v63  }
0x35: {  	v4 =	vld [tilespmem:$0x0];
	_ =	sdelay $0x4  }
0x36: {  	v5 =	vshll.u32 v4, $0x3  }
0x37: {  	v4 =	vand.u32 $0x7, v4;
	v5 =	vand.u32 $0xFFFFFFC0, v5  }
0x38: {  	v4 =	vor.u32 v4, v5  }
0x39: {  	v5 =	vperm.xlane v4, v0;
	_ =	sdelay $0x1  }
0x3a: {  	v4 =	vperm.xlane v4, v2;
	v5 =	vadd.s32 v1, v5;
	_ =	sdelay $0x1  }
0x3b: {  	v4 =	vadd.s32 v1, v4;
	_ =	sdelay $0x1  }
0x3c: {  	s16 =	simm.s32 $0x1D00  }
0x3d: {  	[tilespmem:s16], [sflag:$0x1] =	stream.indirect_vreg.gather [hbm4b:s8+s3], $0x80, v5, vm0, $0xb8;
	[tilespmem:$0x18100] =	vst v63  }
0x3e: {  	s18 =	simm.s32 $0x3D00  }
0x3f: {  	[tilespmem:s18], [sflag:$0x1] =	stream.indirect_vreg.gather [hbm4b:s8+s3], $0x80, v4, vm0, $0xb8;
	[tilespmem:$0x18100] =	vst v63  }
0x40: {  	v4 =	vld [tilespmem:$0x10];
	_ =	sdelay $0x4  }
0x41: {  	v5 =	vshll.u32 v4, $0x3  }
0x42: {  	v4 =	vand.u32 $0x7, v4;
	v5 =	vand.u32 $0xFFFFFFC0, v5  }
0x43: {  	v4 =	vor.u32 v4, v5  }
0x44: {  	v5 =	vperm.xlane v4, v0;
	_ =	sdelay $0x1  }
0x45: {  	v4 =	vperm.xlane v4, v2;
	v5 =	vadd.s32 v1, v5;
	_ =	sdelay $0x1  }
0x46: {  	v4 =	vadd.s32 v1, v4;
	_ =	sdelay $0x1  }
0x47: {  	s22 =	simm.s32 $0x5D00  }
0x48: {  	[tilespmem:s22], [sflag:$0x1] =	stream.indirect_vreg.gather [hbm4b:s8+s3], $0x80, v5, vm0, $0xb8;
	[tilespmem:$0x18100] =	vst v63  }
0x49: {  	s23 =	simm.s32 $0x7D00  }
0x4a: {  	[tilespmem:s23], [sflag:$0x1] =	stream.indirect_vreg.gather [hbm4b:s8+s3], $0x80, v4, vm0, $0xb8;
	[tilespmem:$0x18100] =	vst v63  }
0x4b: {  	v4 =	vld.msk [tilespmem:$0x20], $0xff;
	_ =	sdelay $0x4  }
0x4c: {  	v5 =	vshll.u32 v4, $0x3  }
0x4d: {  	v4 =	vand.u32 $0x7, v4;
	v5 =	vand.u32 $0xFFFFFFC0, v5  }
0x4e: {  	v4 =	vor.u32 v4, v5  }
0x4f: {  	v4 =	vperm.xlane v4, v0;
	_ =	sdelay $0x1  }
0x50: {  	v4 =	vadd.s32 v1, v4;
	_ =	sdelay $0x3  }
0x51: {  	s29 =	simm.s32 $0x9D00  }
0x52: {  	[tilespmem:s29], [sflag:$0x1] =	stream.indirect_vreg.gather [hbm4b:s8+s3], $0x80, v4, vm0, $0xb8;
	[tilespmem:$0x18100] =	vst v63  }
0x53: {  	v4 =	vld [tilespmem:$0x0];
	_ =	sdelay $0x4  }
0x54: {  	v5 =	vshll.u32 v4, $0x3  }
0x55: {  	v4 =	vand.u32 $0x7, v4;
	v5 =	vand.u32 $0xFFFFFFC0, v5  }
0x56: {  	v4 =	vor.u32 v4, v5  }
0x57: {  	v5 =	vperm.xlane v4, v0;
	_ =	sdelay $0x1  }
0x58: {  	v4 =	vperm.xlane v4, v2;
	v5 =	vadd.s32 v1, v5;
	_ =	sdelay $0x1  }
0x59: {  	v4 =	vadd.s32 v1, v4;
	_ =	sdelay $0x1  }
0x5a: {  	s30 =	simm.s32 $0x2100  }
0x5b: {  	[tilespmem:s30], [sflag:$0x1] =	stream.indirect_vreg.gather [hbm4b:s9+s3], $0x80, v5, vm0, $0xb8;
	[tilespmem:$0x18100] =	vst v63  }
0x5c: {  	s31 =	simm.s32 $0x4100  }
0x5d: {  	[tilespmem:s31], [sflag:$0x1] =	stream.indirect_vreg.gather [hbm4b:s9+s3], $0x80, v4, vm0, $0xb8;
	[tilespmem:$0x18100] =	vst v63  }
0x5e: {  	v4 =	vld [tilespmem:$0x10];
	_ =	sdelay $0x4  }
0x5f: {  	v5 =	vshll.u32 v4, $0x3  }
0x60: {  	v4 =	vand.u32 $0x7, v4;
	v5 =	vand.u32 $0xFFFFFFC0, v5  }
0x61: {  	v4 =	vor.u32 v4, v5  }
0x62: {  	v5 =	vperm.xlane v4, v0;
	_ =	sdelay $0x1  }
0x63: {  	v4 =	vperm.xlane v4, v2;
	v5 =	vadd.s32 v1, v5;
	_ =	sdelay $0x1  }
0x64: {  	v4 =	vadd.s32 v1, v4;
	_ =	sdelay $0x1  }
0x65: {  	s1 =	simm.s32 $0x6100  }
0x66: {  	[tilespmem:s1], [sflag:$0x1] =	stream.indirect_vreg.gather [hbm4b:s9+s3], $0x80, v5, vm0, $0xb8;
	[tilespmem:$0x18100] =	vst v63  }
0x67: {  	s7 =	simm.s32 $0x8100  }
0x68: {  	[tilespmem:s7], [sflag:$0x1] =	stream.indirect_vreg.gather [hbm4b:s9+s3], $0x80, v4, vm0, $0xb8;
	[tilespmem:$0x18100] =	vst v63  }
0x69: {  	v4 =	vld.msk [tilespmem:$0x20], $0xff;
	_ =	sdelay $0x4  }
0x6a: {  	v5 =	vshll.u32 v4, $0x3  }
0x6b: {  	v4 =	vand.u32 $0x7, v4;
	v5 =	vand.u32 $0xFFFFFFC0, v5  }
0x6c: {  	v4 =	vor.u32 v4, v5  }
0x6d: {  	v4 =	vperm.xlane v4, v0;
	_ =	sdelay $0x1  }
0x6e: {  	v4 =	vadd.s32 v1, v4;
	_ =	sdelay $0x3  }
0x6f: {  	s14 =	simm.s32 $0xA100  }
0x70: {  	[tilespmem:s14], [sflag:$0x1] =	stream.indirect_vreg.gather [hbm4b:s9+s3], $0x80, v4, vm0, $0xb8;
	[tilespmem:$0x18100] =	vst v63  }
0x71: {  	v4 =	vld [tilespmem:$0x0];
	_ =	sdelay $0x4  }
0x72: {  	v5 =	vshll.u32 v4, $0x3  }
0x73: {  	v4 =	vand.u32 $0x7, v4;
	v5 =	vand.u32 $0xFFFFFFC0, v5  }
0x74: {  	v4 =	vor.u32 v4, v5  }
0x75: {  	v5 =	vperm.xlane v4, v0;
	_ =	sdelay $0x1  }
0x76: {  	v4 =	vperm.xlane v4, v2;
	v5 =	vadd.s32 v1, v5;
	_ =	sdelay $0x1  }
0x77: {  	v4 =	vadd.s32 v1, v4;
	_ =	sdelay $0x1  }
0x78: {  	s16 =	simm.s32 $0x2500  }
0x79: {  	[tilespmem:s16], [sflag:$0x1] =	stream.indirect_vreg.gather [hbm4b:s10+s3], $0x80, v5, vm0, $0xb8;
	[tilespmem:$0x18100] =	vst v63  }
0x7a: {  	s18 =	simm.s32 $0x4500  }
0x7b: {  	[tilespmem:s18], [sflag:$0x1] =	stream.indirect_vreg.gather [hbm4b:s10+s3], $0x80, v4, vm0, $0xb8;
	[tilespmem:$0x18100] =	vst v63  }
0x7c: {  	v4 =	vld [tilespmem:$0x10];
	_ =	sdelay $0x4  }
0x7d: {  	v5 =	vshll.u32 v4, $0x3  }
0x7e: {  	v4 =	vand.u32 $0x7, v4;
	v5 =	vand.u32 $0xFFFFFFC0, v5  }
0x7f: {  	v4 =	vor.u32 v4, v5  }
0x80: {  	v5 =	vperm.xlane v4, v0;
	_ =	sdelay $0x1  }
0x81: {  	v4 =	vperm.xlane v4, v2;
	v5 =	vadd.s32 v1, v5;
	_ =	sdelay $0x1  }
0x82: {  	v4 =	vadd.s32 v1, v4;
	_ =	sdelay $0x1  }
0x83: {  	s22 =	simm.s32 $0x6500  }
0x84: {  	[tilespmem:s22], [sflag:$0x1] =	stream.indirect_vreg.gather [hbm4b:s10+s3], $0x80, v5, vm0, $0xb8;
	[tilespmem:$0x18100] =	vst v63  }
0x85: {  	s23 =	simm.s32 $0x8500  }
0x86: {  	[tilespmem:s23], [sflag:$0x1] =	stream.indirect_vreg.gather [hbm4b:s10+s3], $0x80, v4, vm0, $0xb8;
	[tilespmem:$0x18100] =	vst v63  }
0x87: {  	v4 =	vld.msk [tilespmem:$0x20], $0xff;
	_ =	sdelay $0x4  }
0x88: {  	v5 =	vshll.u32 v4, $0x3  }
0x89: {  	v4 =	vand.u32 $0x7, v4;
	v5 =	vand.u32 $0xFFFFFFC0, v5  }
0x8a: {  	v4 =	vor.u32 v4, v5  }
0x8b: {  	v4 =	vperm.xlane v4, v0;
	_ =	sdelay $0x1  }
0x8c: {  	v4 =	vadd.s32 v1, v4;
	_ =	sdelay $0x3  }
0x8d: {  	s29 =	simm.s32 $0xA500  }
0x8e: {  	[tilespmem:s29], [sflag:$0x1] =	stream.indirect_vreg.gather [hbm4b:s10+s3], $0x80, v4, vm0, $0xb8;
	[tilespmem:$0x18100] =	vst v63  }
0x8f: {  	v4 =	vld [tilespmem:$0x0];
	_ =	sdelay $0x4  }
0x90: {  	v5 =	vshll.u32 v4, $0x3  }
0x91: {  	v4 =	vand.u32 $0x7, v4;
	v5 =	vand.u32 $0xFFFFFFC0, v5  }
0x92: {  	v4 =	vor.u32 v4, v5  }
0x93: {  	v5 =	vperm.xlane v4, v0;
	_ =	sdelay $0x1  }
0x94: {  	v4 =	vperm.xlane v4, v2;
	v5 =	vadd.s32 v1, v5;
	_ =	sdelay $0x1  }
0x95: {  	v4 =	vadd.s32 v1, v4;
	_ =	sdelay $0x1  }
0x96: {  	s30 =	simm.s32 $0x2900  }
0x97: {  	[tilespmem:s30], [sflag:$0x1] =	stream.indirect_vreg.gather [hbm4b:s11+s3], $0x80, v5, vm0, $0xb8;
	[tilespmem:$0x18100] =	vst v63  }
0x98: {  	s31 =	simm.s32 $0x4900  }
0x99: {  	[tilespmem:s31], [sflag:$0x1] =	stream.indirect_vreg.gather [hbm4b:s11+s3], $0x80, v4, vm0, $0xb8;
	[tilespmem:$0x18100] =	vst v63  }
0x9a: {  	v4 =	vld [tilespmem:$0x10];
	_ =	sdelay $0x4  }
0x9b: {  	v5 =	vshll.u32 v4, $0x3  }
0x9c: {  	v4 =	vand.u32 $0x7, v4;
	v5 =	vand.u32 $0xFFFFFFC0, v5  }
0x9d: {  	v4 =	vor.u32 v4, v5  }
0x9e: {  	v5 =	vperm.xlane v4, v0;
	_ =	sdelay $0x1  }
0x9f: {  	v4 =	vperm.xlane v4, v2;
	v5 =	vadd.s32 v1, v5;
	_ =	sdelay $0x1  }
0xa0: {  	v4 =	vadd.s32 v1, v4;
	_ =	sdelay $0x1  }
0xa1: {  	s1 =	simm.s32 $0x6900  }
0xa2: {  	[tilespmem:s1], [sflag:$0x1] =	stream.indirect_vreg.gather [hbm4b:s11+s3], $0x80, v5, vm0, $0xb8;
	[tilespmem:$0x18100] =	vst v63  }
0xa3: {  	s7 =	simm.s32 $0x8900  }
0xa4: {  	[tilespmem:s7], [sflag:$0x1] =	stream.indirect_vreg.gather [hbm4b:s11+s3], $0x80, v4, vm0, $0xb8;
	[tilespmem:$0x18100] =	vst v63  }
0xa5: {  	v4 =	vld.msk [tilespmem:$0x20], $0xff;
	_ =	sdelay $0x4  }
0xa6: {  	v5 =	vshll.u32 v4, $0x3  }
0xa7: {  	v4 =	vand.u32 $0x7, v4;
	v5 =	vand.u32 $0xFFFFFFC0, v5  }
0xa8: {  	v4 =	vor.u32 v4, v5  }
0xa9: {  	v4 =	vperm.xlane v4, v0;
	_ =	sdelay $0x1  }
0xaa: {  	v4 =	vadd.s32 v1, v4;
	_ =	sdelay $0x3  }
0xab: {  	s14 =	simm.s32 $0xA900  }
0xac: {  	[tilespmem:s14], [sflag:$0x1] =	stream.indirect_vreg.gather [hbm4b:s11+s3], $0x80, v4, vm0, $0xb8;
	[tilespmem:$0x18100] =	vst v63  }
0xad: {  	v4 =	vld [tilespmem:$0x0];
	_ =	sdelay $0x4  }
0xae: {  	v5 =	vshll.u32 v4, $0x3  }
0xaf: {  	v4 =	vand.u32 $0x7, v4;
	v5 =	vand.u32 $0xFFFFFFC0, v5  }
0xb0: {  	v4 =	vor.u32 v4, v5  }
0xb1: {  	v5 =	vperm.xlane v4, v0;
	_ =	sdelay $0x1  }
0xb2: {  	v4 =	vperm.xlane v4, v2;
	v5 =	vadd.s32 v1, v5;
	_ =	sdelay $0x1  }
0xb3: {  	v4 =	vadd.s32 v1, v4;
	_ =	sdelay $0x1  }
0xb4: {  	s16 =	simm.s32 $0x2D00  }
0xb5: {  	[tilespmem:s16], [sflag:$0x1] =	stream.indirect_vreg.gather [hbm4b:s12+s3], $0x80, v5, vm0, $0xb8;
	[tilespmem:$0x18100] =	vst v63  }
0xb6: {  	s18 =	simm.s32 $0x4D00  }
0xb7: {  	[tilespmem:s18], [sflag:$0x1] =	stream.indirect_vreg.gather [hbm4b:s12+s3], $0x80, v4, vm0, $0xb8;
	[tilespmem:$0x18100] =	vst v63  }
0xb8: {  	v4 =	vld [tilespmem:$0x10];
	_ =	sdelay $0x4  }
0xb9: {  	v5 =	vshll.u32 v4, $0x3  }
0xba: {  	v4 =	vand.u32 $0x7, v4;
	v5 =	vand.u32 $0xFFFFFFC0, v5  }
0xbb: {  	v4 =	vor.u32 v4, v5  }
0xbc: {  	v5 =	vperm.xlane v4, v0;
	_ =	sdelay $0x1  }
0xbd: {  	v4 =	vperm.xlane v4, v2;
	v5 =	vadd.s32 v1, v5;
	_ =	sdelay $0x1  }
0xbe: {  	v4 =	vadd.s32 v1, v4;
	_ =	sdelay $0x1  }
0xbf: {  	s22 =	simm.s32 $0x6D00  }
0xc0: {  	[tilespmem:s22], [sflag:$0x1] =	stream.indirect_vreg.gather [hbm4b:s12+s3], $0x80, v5, vm0, $0xb8;
	[tilespmem:$0x18100] =	vst v63  }
0xc1: {  	s23 =	simm.s32 $0x8D00  }
0xc2: {  	[tilespmem:s23], [sflag:$0x1] =	stream.indirect_vreg.gather [hbm4b:s12+s3], $0x80, v4, vm0, $0xb8;
	[tilespmem:$0x18100] =	vst v63  }
0xc3: {  	v4 =	vld.msk [tilespmem:$0x20], $0xff;
	_ =	sdelay $0x4  }
0xc4: {  	v5 =	vshll.u32 v4, $0x3  }
0xc5: {  	v4 =	vand.u32 $0x7, v4;
	v5 =	vand.u32 $0xFFFFFFC0, v5  }
0xc6: {  	v4 =	vor.u32 v4, v5  }
0xc7: {  	v4 =	vperm.xlane v4, v0;
	_ =	sdelay $0x1  }
0xc8: {  	v4 =	vadd.s32 v1, v4;
	_ =	sdelay $0x3  }
0xc9: {  	s29 =	simm.s32 $0xAD00  }
0xca: {  	[tilespmem:s29], [sflag:$0x1] =	stream.indirect_vreg.gather [hbm4b:s12+s3], $0x80, v4, vm0, $0xb8;
	[tilespmem:$0x18100] =	vst v63  }
0xcb: {  	v4 =	vld [tilespmem:$0x0];
	_ =	sdelay $0x4  }
0xcc: {  	v5 =	vshll.u32 v4, $0x3  }
0xcd: {  	v4 =	vand.u32 $0x7, v4;
	v5 =	vand.u32 $0xFFFFFFC0, v5  }
0xce: {  	v4 =	vor.u32 v4, v5  }
0xcf: {  	v5 =	vperm.xlane v4, v0;
	_ =	sdelay $0x1  }
0xd0: {  	v4 =	vperm.xlane v4, v2;
	v5 =	vadd.s32 v1, v5;
	_ =	sdelay $0x1  }
0xd1: {  	v4 =	vadd.s32 v1, v4;
	_ =	sdelay $0x1  }
0xd2: {  	s30 =	simm.s32 $0x3100  }
0xd3: {  	[tilespmem:s30], [sflag:$0x1] =	stream.indirect_vreg.gather [hbm4b:s13+s3], $0x80, v5, vm0, $0xb8;
	[tilespmem:$0x18100] =	vst v63  }
0xd4: {  	s31 =	simm.s32 $0x5100  }
0xd5: {  	[tilespmem:s31], [sflag:$0x1] =	stream.indirect_vreg.gather [hbm4b:s13+s3], $0x80, v4, vm0, $0xb8;
	[tilespmem:$0x18100] =	vst v63  }
0xd6: {  	v4 =	vld [tilespmem:$0x10];
	_ =	sdelay $0x4  }
0xd7: {  	v5 =	vshll.u32 v4, $0x3  }
0xd8: {  	v4 =	vand.u32 $0x7, v4;
	v5 =	vand.u32 $0xFFFFFFC0, v5  }
0xd9: {  	v4 =	vor.u32 v4, v5  }
0xda: {  	v5 =	vperm.xlane v4, v0;
	_ =	sdelay $0x1  }
0xdb: {  	v4 =	vperm.xlane v4, v2;
	v5 =	vadd.s32 v1, v5;
	_ =	sdelay $0x1  }
0xdc: {  	v4 =	vadd.s32 v1, v4;
	_ =	sdelay $0x1  }
0xdd: {  	s1 =	simm.s32 $0x7100  }
0xde: {  	[tilespmem:s1], [sflag:$0x1] =	stream.indirect_vreg.gather [hbm4b:s13+s3], $0x80, v5, vm0, $0xb8;
	[tilespmem:$0x18100] =	vst v63  }
0xdf: {  	s7 =	simm.s32 $0x9100  }
0xe0: {  	[tilespmem:s7], [sflag:$0x1] =	stream.indirect_vreg.gather [hbm4b:s13+s3], $0x80, v4, vm0, $0xb8;
	[tilespmem:$0x18100] =	vst v63  }
0xe1: {  	v4 =	vld.msk [tilespmem:$0x20], $0xff;
	_ =	sdelay $0x4  }
0xe2: {  	v5 =	vshll.u32 v4, $0x3  }
0xe3: {  	v4 =	vand.u32 $0x7, v4;
	v5 =	vand.u32 $0xFFFFFFC0, v5  }
0xe4: {  	v4 =	vor.u32 v4, v5  }
0xe5: {  	v4 =	vperm.xlane v4, v0;
	_ =	sdelay $0x1  }
0xe6: {  	v4 =	vadd.s32 v1, v4;
	_ =	sdelay $0x3  }
0xe7: {  	s14 =	simm.s32 $0xB100  }
0xe8: {  	[tilespmem:s14], [sflag:$0x1] =	stream.indirect_vreg.gather [hbm4b:s13+s3], $0x80, v4, vm0, $0xb8;
	[tilespmem:$0x18100] =	vst v63  }
0xe9: {  	s16 =	simm.s32 $0x15900  }
0xea: {  	[tilespmem:s16], [sflag:$0x1] =	stream.indirect.gather [hbm4b:s5+s17], $0x80, s3, s17, $0xb8;
	[tilespmem:$0x18100] =	vst v63  }
0xeb: {  	_ =	swait.ge [sflag:s20], $0x1400  }
0xec: {  	[sflag:s20] =	ssyncset.done $0x0  }
0xed: {  	[sflag:s20] =	ssyncadd.s32 $0xFFFFEC00  }
0xee: {  	_ =	swait.ge [sflag:s20], $0x1400  }
0xef: {  	[sflag:s20] =	ssyncset.done $0x0  }
0xf0: {  	[sflag:s20] =	ssyncadd.s32 $0xFFFFEC00  }
0xf1: {  	_ =	swait.ge [sflag:s20], $0x1400  }
0xf2: {  	[sflag:s20] =	ssyncset.done $0x0  }
0xf3: {  	[sflag:s20] =	ssyncadd.s32 $0xFFFFEC00  }
0xf4: {  	_ =	swait.ge [sflag:s20], $0x1400  }
0xf5: {  	[sflag:s20] =	ssyncset.done $0x0  }
0xf6: {  	[sflag:s20] =	ssyncadd.s32 $0xFFFFEC00  }
0xf7: {  	_ =	swait.ge [sflag:s20], $0x1400  }
0xf8: {  	[sflag:s20] =	ssyncset.done $0x0  }
0xf9: {  	[sflag:s20] =	ssyncadd.s32 $0xFFFFEC00  }
0xfa: {  	_ =	swait.ge [sflag:s20], $0x1400  }
0xfb: {  	[sflag:s20] =	ssyncset.done $0x0  }
0xfc: {  	[sflag:s20] =	ssyncadd.s32 $0xFFFFEC00  }
0xfd: {  	_ =	swait.ge [sflag:s20], $0x1400  }
0xfe: {  	[sflag:s20] =	ssyncset.done $0x0  }
0xff: {  	[sflag:s20] =	ssyncadd.s32 $0xFFFFEC00  }
0x100: {  	_ =	swait.ge [sflag:s20], $0x1400  }
0x101: {  	[sflag:s20] =	ssyncset.done $0x0  }
0x102: {  	s18 =	simm.s32 $0x15938;
	[sflag:s20] =	ssyncadd.s32 $0xFFFFEC00  }
0x103: {  	v4 =	vld [tilespmem:s18+$0xFFFFFFE0]  }
0x104: {  	s22 =	sand.u32 $0x7, s3  }
0x105: {  	s1 =	sshll.u32 s22, $0x7  }
0x106: {  	s1 =	sadd.s32 $0x0, s1  }
0x107: {  	s7 =	sor.u32 $0x1C00, s1  }
0x108: {  	[tilespmem:s7+$0x1900] =	vst v4  }
0x109: {  	v4 =	vld [tilespmem:s18+$0xFFFFFFF0];
	_ =	sdelay $0x3  }
0x10a: {  	s23 =	sor.u32 $0x1C10, s1  }
0x10b: {  	[tilespmem:s23+$0x1900] =	vst v4  }
0x10c: {  	v4 =	vld [tilespmem:s18+$0x0];
	_ =	sdelay $0x3  }
0x10d: {  	s29 =	sor.u32 $0x1C20, s1  }
0x10e: {  	[tilespmem:s29+$0x1900] =	vst v4  }
0x10f: {  	v4 =	vld [tilespmem:s18+$0x10];
	_ =	sdelay $0x3  }
0x110: {  	s30 =	sor.u32 $0x1C30, s1  }
0x111: {  	[tilespmem:s30+$0x1900] =	vst v4  }
0x112: {  	v4 =	vld [tilespmem:s18+$0x20];
	_ =	sdelay $0x3  }
0x113: {  	s31 =	sor.u32 $0x1C40, s1  }
0x114: {  	[tilespmem:s31+$0x1900] =	vst v4  }
0x115: {  	v4 =	vld [tilespmem:s18+$0x30];
	_ =	sdelay $0x1  }
0x116: {  	v5 =	vmov s3  }
0x117: {  	v6 =	vshll.u32 v5, $0x7  }
0x118: {  	s1 =	sor.u32 $0x1C50, s1;
	v5 =	vshll.u32 v5, $0xA;
	v6 =	vand.u32 $0x380, v6  }
0x119: {  	[tilespmem:s1+$0x1900] =	vst v4;
	v4 =	vor.u32 v6, v5  }
0x11a: {  	v5 =	vld [tilespmem:s18+$0x38];
	v4 =	vor.u32 v3, v4;
	_ =	sdelay $0x4  }
0x11b: {  	s0 =	simm.s32 $0x159B8;
	s14 =	simm.s32 $0x0;
	[tilespmem:v4+s19+$0x0] =	vst.idx.msk $0xffff, v5  }
0x11c: {  	s16 =	simm.s32 $0x2;
	s7 =	simm.s32 $0x1;
	s1 =	simm.s32 $0x1;
	v4 =	vld [tilespmem:s0+$0xFFFFFFE0]  }
.LBB2_2:
0x11d: {  	p0 =	sne.s32 s16, $0x27;
	s18 =	sand.u32 $0x7, s7  }
0x11e: {  	s14 =	sadd.s32 $0x400, s14;
	s18 =	sshll.u32 s18, $0x7  }
0x11f: {  	s18 =	sadd.s32 s18, s14  }
0x120: {  	s29 =	sor.u32 $0x1C00, s18  }
0x121: {  	[tilespmem:s29+$0x1900] =	vst v4  }
0x122: {  	v4 =	vld [tilespmem:s0+$0xFFFFFFF0];
	_ =	sdelay $0x3  }
0x123: {  	s29 =	sor.u32 $0x1C10, s18  }
0x124: {  	[tilespmem:s29+$0x1900] =	vst v4  }
0x125: {  	v4 =	vld [tilespmem:s0+$0x0];
	_ =	sdelay $0x3  }
0x126: {  	s29 =	sor.u32 $0x1C20, s18  }
0x127: {  	[tilespmem:s29+$0x1900] =	vst v4  }
0x128: {  	v4 =	vld [tilespmem:s0+$0x10];
	_ =	sdelay $0x3  }
0x129: {  	s29 =	sor.u32 $0x1C30, s18  }
0x12a: {  	[tilespmem:s29+$0x1900] =	vst v4  }
0x12b: {  	v4 =	vld [tilespmem:s0+$0x20];
	_ =	sdelay $0x3  }
0x12c: {  	s29 =	sor.u32 $0x1C40, s18  }
0x12d: {  	[tilespmem:s29+$0x1900] =	vst v4  }
0x12e: {  	v4 =	vld [tilespmem:s0+$0x30];
	_ =	sdelay $0x1  }
0x12f: {  	v5 =	vmov s1;
	s1 =	smov.u32 s16  }
0x130: {  	v6 =	vshll.u32 v5, $0x7  }
0x131: {  	v5 =	vshll.u32 v5, $0xA;
	v6 =	vand.u32 $0x380, v6;
	s18 =	sor.u32 $0x1C50, s18  }
0x132: {  	[tilespmem:s18+$0x1900] =	vst v4;
	v4 =	vor.u32 v6, v5  }
0x133: {  	v5 =	vld [tilespmem:s0+$0x38];
	v4 =	vor.u32 v3, v4;
	_ =	sdelay $0x1  }
.Ltmp0:
0x134: {  	(pc) =	sbr.rel @p0 .LBB2_2-.Ltmp0, $3  }
0x135: {  	_ =	sdelay $0x1  }
0x136: {  	s0 =	sadd.s32 $0x80, s0;
	[tilespmem:v4+s19+$0x0] =	vst.idx.msk $0xffff, v5  }
0x137: {  	s16 =	sadd.s32 $0x1, s16;
	s7 =	sadd.s32 $0x1, s7;
	v4 =	vld [tilespmem:s0+$0xFFFFFFE0]  }
0x138: {  	s7 =	sand.u32 $0x7, s7  }
0x139: {  	s14 =	sadd.s32 $0x400, s14;
	s7 =	sshll.u32 s7, $0x7  }
0x13a: {  	s7 =	sadd.s32 s7, s14  }
0x13b: {  	s14 =	sor.u32 $0x1C00, s7  }
0x13c: {  	[tilespmem:s14+$0x1900] =	vst v4  }
0x13d: {  	v4 =	vld [tilespmem:s0+$0xFFFFFFF0];
	_ =	sdelay $0x3  }
0x13e: {  	s31 =	sor.u32 $0x1C10, s7  }
0x13f: {  	[tilespmem:s31+$0x1900] =	vst v4  }
0x140: {  	v4 =	vld [tilespmem:s0+$0x0];
	_ =	sdelay $0x3  }
0x141: {  	s16 =	sor.u32 $0x1C20, s7  }
0x142: {  	[tilespmem:s16+$0x1900] =	vst v4  }
0x143: {  	v4 =	vld [tilespmem:s0+$0x10];
	_ =	sdelay $0x3  }
0x144: {  	s18 =	sor.u32 $0x1C30, s7  }
0x145: {  	[tilespmem:s18+$0x1900] =	vst v4  }
0x146: {  	v4 =	vld [tilespmem:s0+$0x20];
	_ =	sdelay $0x3  }
0x147: {  	s22 =	sor.u32 $0x1C40, s7  }
0x148: {  	[tilespmem:s22+$0x1900] =	vst v4  }
0x149: {  	v4 =	vld [tilespmem:s0+$0x30];
	_ =	sdelay $0x1  }
0x14a: {  	v5 =	vmov s1  }
0x14b: {  	v6 =	vshll.u32 v5, $0x7  }
0x14c: {  	v5 =	vshll.u32 v5, $0xA;
	v6 =	vand.u32 $0x380, v6;
	s23 =	sor.u32 $0x1C50, s7  }
0x14d: {  	[tilespmem:s23+$0x1900] =	vst v4;
	v4 =	vor.u32 v6, v5  }
0x14e: {  	v5 =	vld [tilespmem:s0+$0x38];
	v4 =	vor.u32 v3, v4;
	_ =	sdelay $0x4  }
0x14f: {  	s29 =	simm.s32 $0x0;
	s31 =	rddreg [dreg:$0x5];
	[tilespmem:v4+s19+$0x0] =	vst.idx.msk $0xffff, v5  }
0x150: {  	[hbm4b:s31+s29] =	stream.linear.scatter [tilespmem:s19], [sflag:$0x2], $0xA000, $0x38;
	[tilespmem:$0x18100] =	vst v63  }
0x151: {  	v4 =	vld [tilespmem:$0x28];
	_ =	sdelay $0x4  }
0x152: {  	v5 =	vshll.u32 v4, $0x3  }
0x153: {  	v4 =	vand.u32 $0x7, v4;
	v5 =	vand.u32 $0xFFFFFFC0, v5  }
0x154: {  	v4 =	vor.u32 v4, v5  }
0x155: {  	v5 =	vperm.xlane v4, v0;
	_ =	sdelay $0x1  }
0x156: {  	v4 =	vperm.xlane v4, v2;
	v5 =	vadd.s32 v1, v5;
	_ =	sdelay $0x1  }
0x157: {  	v4 =	vadd.s32 v1, v4;
	_ =	sdelay $0x2  }
0x158: {  	[tilespmem:s21], [sflag:$0x1] =	stream.indirect_vreg.gather [hbm4b:s2+s29], $0x80, v5, vm0, $0xb8;
	[tilespmem:$0x18100] =	vst v63  }
0x159: {  	s1 =	simm.s32 $0xD900  }
0x15a: {  	[tilespmem:s1], [sflag:$0x1] =	stream.indirect_vreg.gather [hbm4b:s2+s29], $0x80, v4, vm0, $0xb8;
	[tilespmem:$0x18100] =	vst v63  }
0x15b: {  	v4 =	vld [tilespmem:$0x38];
	_ =	sdelay $0x4  }
0x15c: {  	v5 =	vshll.u32 v4, $0x3  }
0x15d: {  	v4 =	vand.u32 $0x7, v4;
	v5 =	vand.u32 $0xFFFFFFC0, v5  }
0x15e: {  	v4 =	vor.u32 v4, v5  }
0x15f: {  	v5 =	vperm.xlane v4, v0;
	_ =	sdelay $0x1  }
0x160: {  	v4 =	vperm.xlane v4, v2;
	v5 =	vadd.s32 v1, v5;
	_ =	sdelay $0x1  }
0x161: {  	v4 =	vadd.s32 v1, v4;
	_ =	sdelay $0x1  }
0x162: {  	s7 =	simm.s32 $0xF900  }
0x163: {  	[tilespmem:s7], [sflag:$0x1] =	stream.indirect_vreg.gather [hbm4b:s2+s29], $0x80, v5, vm0, $0xb8;
	[tilespmem:$0x18100] =	vst v63  }
0x164: {  	s14 =	simm.s32 $0x11900  }
0x165: {  	[tilespmem:s14], [sflag:$0x1] =	stream.indirect_vreg.gather [hbm4b:s2+s29], $0x80, v4, vm0, $0xb8;
	[tilespmem:$0x18100] =	vst v63  }
0x166: {  	v4 =	vld.msk [tilespmem:$0x48], $0xff;
	_ =	sdelay $0x4  }
0x167: {  	v5 =	vshll.u32 v4, $0x3  }
0x168: {  	v4 =	vand.u32 $0x7, v4;
	v5 =	vand.u32 $0xFFFFFFC0, v5  }
0x169: {  	v4 =	vor.u32 v4, v5  }
0x16a: {  	v4 =	vperm.xlane v4, v0;
	_ =	sdelay $0x1  }
0x16b: {  	v4 =	vadd.s32 v1, v4;
	_ =	sdelay $0x3  }
0x16c: {  	s16 =	simm.s32 $0x13900  }
0x16d: {  	[tilespmem:s16], [sflag:$0x1] =	stream.indirect_vreg.gather [hbm4b:s2+s29], $0x80, v4, vm0, $0xb8;
	[tilespmem:$0x18100] =	vst v63  }
0x16e: {  	v4 =	vld [tilespmem:$0x28];
	_ =	sdelay $0x4  }
0x16f: {  	v5 =	vshll.u32 v4, $0x3  }
0x170: {  	v4 =	vand.u32 $0x7, v4;
	v5 =	vand.u32 $0xFFFFFFC0, v5  }
0x171: {  	v4 =	vor.u32 v4, v5  }
0x172: {  	v5 =	vperm.xlane v4, v0;
	_ =	sdelay $0x1  }
0x173: {  	v4 =	vperm.xlane v4, v2;
	v5 =	vadd.s32 v1, v5;
	_ =	sdelay $0x1  }
0x174: {  	v4 =	vadd.s32 v1, v4;
	_ =	sdelay $0x1  }
0x175: {  	s18 =	simm.s32 $0xBD00  }
0x176: {  	[tilespmem:s18], [sflag:$0x1] =	stream.indirect_vreg.gather [hbm4b:s8+s29], $0x80, v5, vm0, $0xb8;
	[tilespmem:$0x18100] =	vst v63  }
0x177: {  	s22 =	simm.s32 $0xDD00  }
0x178: {  	[tilespmem:s22], [sflag:$0x1] =	stream.indirect_vreg.gather [hbm4b:s8+s29], $0x80, v4, vm0, $0xb8;
	[tilespmem:$0x18100] =	vst v63  }
0x179: {  	v4 =	vld [tilespmem:$0x38];
	_ =	sdelay $0x4  }
0x17a: {  	v5 =	vshll.u32 v4, $0x3  }
0x17b: {  	v4 =	vand.u32 $0x7, v4;
	v5 =	vand.u32 $0xFFFFFFC0, v5  }
0x17c: {  	v4 =	vor.u32 v4, v5  }
0x17d: {  	v5 =	vperm.xlane v4, v0;
	_ =	sdelay $0x1  }
0x17e: {  	v4 =	vperm.xlane v4, v2;
	v5 =	vadd.s32 v1, v5;
	_ =	sdelay $0x1  }
0x17f: {  	v4 =	vadd.s32 v1, v4;
	_ =	sdelay $0x1  }
0x180: {  	s23 =	simm.s32 $0xFD00  }
0x181: {  	[tilespmem:s23], [sflag:$0x1] =	stream.indirect_vreg.gather [hbm4b:s8+s29], $0x80, v5, vm0, $0xb8;
	[tilespmem:$0x18100] =	vst v63  }
0x182: {  	s31 =	simm.s32 $0x11D00  }
0x183: {  	[tilespmem:s31], [sflag:$0x1] =	stream.indirect_vreg.gather [hbm4b:s8+s29], $0x80, v4, vm0, $0xb8;
	[tilespmem:$0x18100] =	vst v63  }
0x184: {  	v4 =	vld.msk [tilespmem:$0x48], $0xff;
	_ =	sdelay $0x4  }
0x185: {  	v5 =	vshll.u32 v4, $0x3  }
0x186: {  	v4 =	vand.u32 $0x7, v4;
	v5 =	vand.u32 $0xFFFFFFC0, v5  }
0x187: {  	v4 =	vor.u32 v4, v5  }
0x188: {  	v4 =	vperm.xlane v4, v0;
	_ =	sdelay $0x1  }
0x189: {  	v4 =	vadd.s32 v1, v4;
	_ =	sdelay $0x3  }
0x18a: {  	s1 =	simm.s32 $0x13D00  }
0x18b: {  	[tilespmem:s1], [sflag:$0x1] =	stream.indirect_vreg.gather [hbm4b:s8+s29], $0x80, v4, vm0, $0xb8;
	[tilespmem:$0x18100] =	vst v63  }
0x18c: {  	v4 =	vld [tilespmem:$0x28];
	_ =	sdelay $0x4  }
0x18d: {  	v5 =	vshll.u32 v4, $0x3  }
0x18e: {  	v4 =	vand.u32 $0x7, v4;
	v5 =	vand.u32 $0xFFFFFFC0, v5  }
0x18f: {  	v4 =	vor.u32 v4, v5  }
0x190: {  	v5 =	vperm.xlane v4, v0;
	_ =	sdelay $0x1  }
0x191: {  	v4 =	vperm.xlane v4, v2;
	v5 =	vadd.s32 v1, v5;
	_ =	sdelay $0x1  }
0x192: {  	v4 =	vadd.s32 v1, v4;
	_ =	sdelay $0x1  }
0x193: {  	s7 =	simm.s32 $0xC100  }
0x194: {  	[tilespmem:s7], [sflag:$0x1] =	stream.indirect_vreg.gather [hbm4b:s9+s29], $0x80, v5, vm0, $0xb8;
	[tilespmem:$0x18100] =	vst v63  }
0x195: {  	s14 =	simm.s32 $0xE100  }
0x196: {  	[tilespmem:s14], [sflag:$0x1] =	stream.indirect_vreg.gather [hbm4b:s9+s29], $0x80, v4, vm0, $0xb8;
	[tilespmem:$0x18100] =	vst v63  }
0x197: {  	v4 =	vld [tilespmem:$0x38];
	_ =	sdelay $0x4  }
0x198: {  	v5 =	vshll.u32 v4, $0x3  }
0x199: {  	v4 =	vand.u32 $0x7, v4;
	v5 =	vand.u32 $0xFFFFFFC0, v5  }
0x19a: {  	v4 =	vor.u32 v4, v5  }
0x19b: {  	v5 =	vperm.xlane v4, v0;
	_ =	sdelay $0x1  }
0x19c: {  	v4 =	vperm.xlane v4, v2;
	v5 =	vadd.s32 v1, v5;
	_ =	sdelay $0x1  }
0x19d: {  	v4 =	vadd.s32 v1, v4;
	_ =	sdelay $0x1  }
0x19e: {  	s16 =	simm.s32 $0x10100  }
0x19f: {  	[tilespmem:s16], [sflag:$0x1] =	stream.indirect_vreg.gather [hbm4b:s9+s29], $0x80, v5, vm0, $0xb8;
	[tilespmem:$0x18100] =	vst v63  }
0x1a0: {  	s18 =	simm.s32 $0x12100  }
0x1a1: {  	[tilespmem:s18], [sflag:$0x1] =	stream.indirect_vreg.gather [hbm4b:s9+s29], $0x80, v4, vm0, $0xb8;
	[tilespmem:$0x18100] =	vst v63  }
0x1a2: {  	v4 =	vld.msk [tilespmem:$0x48], $0xff;
	_ =	sdelay $0x4  }
0x1a3: {  	v5 =	vshll.u32 v4, $0x3  }
0x1a4: {  	v4 =	vand.u32 $0x7, v4;
	v5 =	vand.u32 $0xFFFFFFC0, v5  }
0x1a5: {  	v4 =	vor.u32 v4, v5  }
0x1a6: {  	v4 =	vperm.xlane v4, v0;
	_ =	sdelay $0x1  }
0x1a7: {  	v4 =	vadd.s32 v1, v4;
	_ =	sdelay $0x3  }
0x1a8: {  	s22 =	simm.s32 $0x14100  }
0x1a9: {  	[tilespmem:s22], [sflag:$0x1] =	stream.indirect_vreg.gather [hbm4b:s9+s29], $0x80, v4, vm0, $0xb8;
	[tilespmem:$0x18100] =	vst v63  }
0x1aa: {  	v4 =	vld [tilespmem:$0x28];
	_ =	sdelay $0x4  }
0x1ab: {  	v5 =	vshll.u32 v4, $0x3  }
0x1ac: {  	v4 =	vand.u32 $0x7, v4;
	v5 =	vand.u32 $0xFFFFFFC0, v5  }
0x1ad: {  	v4 =	vor.u32 v4, v5  }
0x1ae: {  	v5 =	vperm.xlane v4, v0;
	_ =	sdelay $0x1  }
0x1af: {  	v4 =	vperm.xlane v4, v2;
	v5 =	vadd.s32 v1, v5;
	_ =	sdelay $0x1  }
0x1b0: {  	v4 =	vadd.s32 v1, v4;
	_ =	sdelay $0x1  }
0x1b1: {  	s23 =	simm.s32 $0xC500  }
0x1b2: {  	[tilespmem:s23], [sflag:$0x1] =	stream.indirect_vreg.gather [hbm4b:s10+s29], $0x80, v5, vm0, $0xb8;
	[tilespmem:$0x18100] =	vst v63  }
0x1b3: {  	s31 =	simm.s32 $0xE500  }
0x1b4: {  	[tilespmem:s31], [sflag:$0x1] =	stream.indirect_vreg.gather [hbm4b:s10+s29], $0x80, v4, vm0, $0xb8;
	[tilespmem:$0x18100] =	vst v63  }
0x1b5: {  	v4 =	vld [tilespmem:$0x38];
	_ =	sdelay $0x4  }
0x1b6: {  	v5 =	vshll.u32 v4, $0x3  }
0x1b7: {  	v4 =	vand.u32 $0x7, v4;
	v5 =	vand.u32 $0xFFFFFFC0, v5  }
0x1b8: {  	v4 =	vor.u32 v4, v5  }
0x1b9: {  	v5 =	vperm.xlane v4, v0;
	_ =	sdelay $0x1  }
0x1ba: {  	v4 =	vperm.xlane v4, v2;
	v5 =	vadd.s32 v1, v5;
	_ =	sdelay $0x1  }
0x1bb: {  	v4 =	vadd.s32 v1, v4;
	_ =	sdelay $0x1  }
0x1bc: {  	s1 =	simm.s32 $0x10500  }
0x1bd: {  	[tilespmem:s1], [sflag:$0x1] =	stream.indirect_vreg.gather [hbm4b:s10+s29], $0x80, v5, vm0, $0xb8;
	[tilespmem:$0x18100] =	vst v63  }
0x1be: {  	s7 =	simm.s32 $0x12500  }
0x1bf: {  	[tilespmem:s7], [sflag:$0x1] =	stream.indirect_vreg.gather [hbm4b:s10+s29], $0x80, v4, vm0, $0xb8;
	[tilespmem:$0x18100] =	vst v63  }
0x1c0: {  	v4 =	vld.msk [tilespmem:$0x48], $0xff;
	_ =	sdelay $0x4  }
0x1c1: {  	v5 =	vshll.u32 v4, $0x3  }
0x1c2: {  	v4 =	vand.u32 $0x7, v4;
	v5 =	vand.u32 $0xFFFFFFC0, v5  }
0x1c3: {  	v4 =	vor.u32 v4, v5  }
0x1c4: {  	v4 =	vperm.xlane v4, v0;
	_ =	sdelay $0x1  }
0x1c5: {  	v4 =	vadd.s32 v1, v4;
	_ =	sdelay $0x3  }
0x1c6: {  	s14 =	simm.s32 $0x14500  }
0x1c7: {  	[tilespmem:s14], [sflag:$0x1] =	stream.indirect_vreg.gather [hbm4b:s10+s29], $0x80, v4, vm0, $0xb8;
	[tilespmem:$0x18100] =	vst v63  }
0x1c8: {  	v4 =	vld [tilespmem:$0x28];
	_ =	sdelay $0x4  }
0x1c9: {  	v5 =	vshll.u32 v4, $0x3  }
0x1ca: {  	v4 =	vand.u32 $0x7, v4;
	v5 =	vand.u32 $0xFFFFFFC0, v5  }
0x1cb: {  	v4 =	vor.u32 v4, v5  }
0x1cc: {  	v5 =	vperm.xlane v4, v0;
	_ =	sdelay $0x1  }
0x1cd: {  	v4 =	vperm.xlane v4, v2;
	v5 =	vadd.s32 v1, v5;
	_ =	sdelay $0x1  }
0x1ce: {  	v4 =	vadd.s32 v1, v4;
	_ =	sdelay $0x1  }
0x1cf: {  	s16 =	simm.s32 $0xC900  }
0x1d0: {  	[tilespmem:s16], [sflag:$0x1] =	stream.indirect_vreg.gather [hbm4b:s11+s29], $0x80, v5, vm0, $0xb8;
	[tilespmem:$0x18100] =	vst v63  }
0x1d1: {  	s18 =	simm.s32 $0xE900  }
0x1d2: {  	[tilespmem:s18], [sflag:$0x1] =	stream.indirect_vreg.gather [hbm4b:s11+s29], $0x80, v4, vm0, $0xb8;
	[tilespmem:$0x18100] =	vst v63  }
0x1d3: {  	v4 =	vld [tilespmem:$0x38];
	_ =	sdelay $0x4  }
0x1d4: {  	v5 =	vshll.u32 v4, $0x3  }
0x1d5: {  	v4 =	vand.u32 $0x7, v4;
	v5 =	vand.u32 $0xFFFFFFC0, v5  }
0x1d6: {  	v4 =	vor.u32 v4, v5  }
0x1d7: {  	v5 =	vperm.xlane v4, v0;
	_ =	sdelay $0x1  }
0x1d8: {  	v4 =	vperm.xlane v4, v2;
	v5 =	vadd.s32 v1, v5;
	_ =	sdelay $0x1  }
0x1d9: {  	v4 =	vadd.s32 v1, v4;
	_ =	sdelay $0x1  }
0x1da: {  	s22 =	simm.s32 $0x10900  }
0x1db: {  	[tilespmem:s22], [sflag:$0x1] =	stream.indirect_vreg.gather [hbm4b:s11+s29], $0x80, v5, vm0, $0xb8;
	[tilespmem:$0x18100] =	vst v63  }
0x1dc: {  	s23 =	simm.s32 $0x12900  }
0x1dd: {  	[tilespmem:s23], [sflag:$0x1] =	stream.indirect_vreg.gather [hbm4b:s11+s29], $0x80, v4, vm0, $0xb8;
	[tilespmem:$0x18100] =	vst v63  }
0x1de: {  	v4 =	vld.msk [tilespmem:$0x48], $0xff;
	_ =	sdelay $0x4  }
0x1df: {  	v5 =	vshll.u32 v4, $0x3  }
0x1e0: {  	v4 =	vand.u32 $0x7, v4;
	v5 =	vand.u32 $0xFFFFFFC0, v5  }
0x1e1: {  	v4 =	vor.u32 v4, v5  }
0x1e2: {  	v4 =	vperm.xlane v4, v0;
	_ =	sdelay $0x1  }
0x1e3: {  	v4 =	vadd.s32 v1, v4;
	_ =	sdelay $0x3  }
0x1e4: {  	s31 =	simm.s32 $0x14900  }
0x1e5: {  	[tilespmem:s31], [sflag:$0x1] =	stream.indirect_vreg.gather [hbm4b:s11+s29], $0x80, v4, vm0, $0xb8;
	[tilespmem:$0x18100] =	vst v63  }
0x1e6: {  	v4 =	vld [tilespmem:$0x28];
	_ =	sdelay $0x4  }
0x1e7: {  	v5 =	vshll.u32 v4, $0x3  }
0x1e8: {  	v4 =	vand.u32 $0x7, v4;
	v5 =	vand.u32 $0xFFFFFFC0, v5  }
0x1e9: {  	v4 =	vor.u32 v4, v5  }
0x1ea: {  	v5 =	vperm.xlane v4, v0;
	_ =	sdelay $0x1  }
0x1eb: {  	v4 =	vperm.xlane v4, v2;
	v5 =	vadd.s32 v1, v5;
	_ =	sdelay $0x1  }
0x1ec: {  	v4 =	vadd.s32 v1, v4;
	_ =	sdelay $0x1  }
0x1ed: {  	s1 =	simm.s32 $0xCD00  }
0x1ee: {  	[tilespmem:s1], [sflag:$0x1] =	stream.indirect_vreg.gather [hbm4b:s12+s29], $0x80, v5, vm0, $0xb8;
	[tilespmem:$0x18100] =	vst v63  }
0x1ef: {  	s7 =	simm.s32 $0xED00  }
0x1f0: {  	[tilespmem:s7], [sflag:$0x1] =	stream.indirect_vreg.gather [hbm4b:s12+s29], $0x80, v4, vm0, $0xb8;
	[tilespmem:$0x18100] =	vst v63  }
0x1f1: {  	v4 =	vld [tilespmem:$0x38];
	_ =	sdelay $0x4  }
0x1f2: {  	v5 =	vshll.u32 v4, $0x3  }
0x1f3: {  	v4 =	vand.u32 $0x7, v4;
	v5 =	vand.u32 $0xFFFFFFC0, v5  }
0x1f4: {  	v4 =	vor.u32 v4, v5  }
0x1f5: {  	v5 =	vperm.xlane v4, v0;
	_ =	sdelay $0x1  }
0x1f6: {  	v4 =	vperm.xlane v4, v2;
	v5 =	vadd.s32 v1, v5;
	_ =	sdelay $0x1  }
0x1f7: {  	v4 =	vadd.s32 v1, v4;
	_ =	sdelay $0x1  }
0x1f8: {  	s14 =	simm.s32 $0x10D00  }
0x1f9: {  	[tilespmem:s14], [sflag:$0x1] =	stream.indirect_vreg.gather [hbm4b:s12+s29], $0x80, v5, vm0, $0xb8;
	[tilespmem:$0x18100] =	vst v63  }
0x1fa: {  	s16 =	simm.s32 $0x12D00  }
0x1fb: {  	[tilespmem:s16], [sflag:$0x1] =	stream.indirect_vreg.gather [hbm4b:s12+s29], $0x80, v4, vm0, $0xb8;
	[tilespmem:$0x18100] =	vst v63  }
0x1fc: {  	v4 =	vld.msk [tilespmem:$0x48], $0xff;
	_ =	sdelay $0x4  }
0x1fd: {  	v5 =	vshll.u32 v4, $0x3  }
0x1fe: {  	v4 =	vand.u32 $0x7, v4;
	v5 =	vand.u32 $0xFFFFFFC0, v5  }
0x1ff: {  	v4 =	vor.u32 v4, v5  }
0x200: {  	v4 =	vperm.xlane v4, v0;
	_ =	sdelay $0x1  }
0x201: {  	v4 =	vadd.s32 v1, v4;
	_ =	sdelay $0x3  }
0x202: {  	s18 =	simm.s32 $0x14D00  }
0x203: {  	[tilespmem:s18], [sflag:$0x1] =	stream.indirect_vreg.gather [hbm4b:s12+s29], $0x80, v4, vm0, $0xb8;
	[tilespmem:$0x18100] =	vst v63  }
0x204: {  	v4 =	vld [tilespmem:$0x28];
	_ =	sdelay $0x4  }
0x205: {  	v5 =	vshll.u32 v4, $0x3  }
0x206: {  	v4 =	vand.u32 $0x7, v4;
	v5 =	vand.u32 $0xFFFFFFC0, v5  }
0x207: {  	v4 =	vor.u32 v4, v5  }
0x208: {  	v5 =	vperm.xlane v4, v0;
	_ =	sdelay $0x1  }
0x209: {  	v4 =	vperm.xlane v4, v2;
	v5 =	vadd.s32 v1, v5;
	_ =	sdelay $0x1  }
0x20a: {  	v4 =	vadd.s32 v1, v4;
	_ =	sdelay $0x1  }
0x20b: {  	s22 =	simm.s32 $0xD100  }
0x20c: {  	[tilespmem:s22], [sflag:$0x1] =	stream.indirect_vreg.gather [hbm4b:s13+s29], $0x80, v5, vm0, $0xb8;
	[tilespmem:$0x18100] =	vst v63  }
0x20d: {  	s23 =	simm.s32 $0xF100  }
0x20e: {  	[tilespmem:s23], [sflag:$0x1] =	stream.indirect_vreg.gather [hbm4b:s13+s29], $0x80, v4, vm0, $0xb8;
	[tilespmem:$0x18100] =	vst v63  }
0x20f: {  	v4 =	vld [tilespmem:$0x38];
	_ =	sdelay $0x4  }
0x210: {  	v5 =	vshll.u32 v4, $0x3  }
0x211: {  	v4 =	vand.u32 $0x7, v4;
	v5 =	vand.u32 $0xFFFFFFC0, v5  }
0x212: {  	v4 =	vor.u32 v4, v5  }
0x213: {  	v5 =	vperm.xlane v4, v0;
	_ =	sdelay $0x1  }
0x214: {  	v4 =	vperm.xlane v4, v2;
	v5 =	vadd.s32 v1, v5;
	_ =	sdelay $0x1  }
0x215: {  	v4 =	vadd.s32 v1, v4;
	_ =	sdelay $0x1  }
0x216: {  	s31 =	simm.s32 $0x11100  }
0x217: {  	[tilespmem:s31], [sflag:$0x1] =	stream.indirect_vreg.gather [hbm4b:s13+s29], $0x80, v5, vm0, $0xb8;
	[tilespmem:$0x18100] =	vst v63  }
0x218: {  	_ = 	snop  }
0x219: {  	[tilespmem:s24], [sflag:$0x1] =	stream.indirect_vreg.gather [hbm4b:s13+s29], $0x80, v4, vm0, $0xb8;
	[tilespmem:$0x18100] =	vst v63  }
0x21a: {  	v4 =	vld.msk [tilespmem:$0x48], $0xff;
	_ =	sdelay $0x4  }
0x21b: {  	v5 =	vshll.u32 v4, $0x3  }
0x21c: {  	v4 =	vand.u32 $0x7, v4;
	v5 =	vand.u32 $0xFFFFFFC0, v5  }
0x21d: {  	v4 =	vor.u32 v4, v5  }
0x21e: {  	v4 =	vperm.xlane v4, v0;
	_ =	sdelay $0x1  }
0x21f: {  	v4 =	vadd.s32 v1, v4;
	_ =	sdelay $0x4  }
0x220: {  	[tilespmem:s25], [sflag:$0x1] =	stream.indirect_vreg.gather [hbm4b:s13+s29], $0x80, v4, vm0, $0xb8;
	[tilespmem:$0x18100] =	vst v63  }
0x221: {  	s30 =	simm.s32 $0x0  }
0x222: {  	[tilespmem:s26], [sflag:$0x1] =	stream.indirect.gather [hbm4b:s5+s17], $0x80, s17, s17, $0xb8;
	[tilespmem:$0x18100] =	vst v63  }
.LBB2_4:
0x223: {  	_ =	swait.ge [sflag:s20], $0x1400  }
0x224: {  	[sflag:s20] =	ssyncset.done $0x0  }
0x225: {  	[sflag:s20] =	ssyncadd.s32 $0xFFFFEC00  }
0x226: {  	_ =	swait.ge [sflag:s20], $0x1400  }
0x227: {  	[sflag:s20] =	ssyncset.done $0x0  }
0x228: {  	[sflag:s20] =	ssyncadd.s32 $0xFFFFEC00  }
0x229: {  	_ =	swait.ge [sflag:s20], $0x1400  }
0x22a: {  	[sflag:s20] =	ssyncset.done $0x0  }
0x22b: {  	[sflag:s20] =	ssyncadd.s32 $0xFFFFEC00  }
0x22c: {  	_ =	swait.ge [sflag:s20], $0x1400  }
0x22d: {  	[sflag:s20] =	ssyncset.done $0x0  }
0x22e: {  	[sflag:s20] =	ssyncadd.s32 $0xFFFFEC00  }
0x22f: {  	_ =	swait.ge [sflag:s20], $0x1400  }
0x230: {  	[sflag:s20] =	ssyncset.done $0x0  }
0x231: {  	[sflag:s20] =	ssyncadd.s32 $0xFFFFEC00  }
0x232: {  	_ =	swait.ge [sflag:s20], $0x1400  }
0x233: {  	[sflag:s20] =	ssyncset.done $0x0  }
0x234: {  	[sflag:s20] =	ssyncadd.s32 $0xFFFFEC00  }
0x235: {  	_ =	swait.ge [sflag:s20], $0x1400  }
0x236: {  	[sflag:s20] =	ssyncset.done $0x0  }
0x237: {  	[sflag:s20] =	ssyncadd.s32 $0xFFFFEC00  }
0x238: {  	_ =	swait.ge [sflag:s20], $0x1400  }
0x239: {  	[sflag:s20] =	ssyncset.done $0x0  }
0x23a: {  	[sflag:s20] =	ssyncadd.s32 $0xFFFFEC00  }
0x23b: {  	_ =	swait.ge [sflag:s28], $0xA000  }
0x23c: {  	s1 =	smul.u32 $0x50, s30;
	[sflag:s28] =	ssyncset.done $0x0  }
0x23d: {  	[sflag:s28] =	ssyncadd.s32 $0xFFFF6000  }
0x23e: {  	v4 =	vld [tilespmem:s1+$0x50];
	_ =	sdelay $0x4  }
0x23f: {  	v5 =	vshll.u32 v4, $0x3  }
0x240: {  	v4 =	vand.u32 $0x7, v4;
	v5 =	vand.u32 $0xFFFFFFC0, v5  }
0x241: {  	v4 =	vor.u32 v4, v5  }
0x242: {  	v5 =	vperm.xlane v4, v0;
	_ =	sdelay $0x1  }
0x243: {  	v4 =	vperm.xlane v4, v2;
	v5 =	vadd.s32 v1, v5;
	_ =	sdelay $0x1  }
0x244: {  	v4 =	vadd.s32 v1, v4;
	_ =	sdelay $0x2  }
0x245: {  	[tilespmem:s19], [sflag:$0x1] =	stream.indirect_vreg.gather [hbm4b:s2+s29], $0x80, v5, vm0, $0xb8;
	[tilespmem:$0x18100] =	vst v63  }
0x246: {  	s0 =	simm.s32 $0x3900  }
0x247: {  	[tilespmem:s0], [sflag:$0x1] =	stream.indirect_vreg.gather [hbm4b:s2+s29], $0x80, v4, vm0, $0xb8;
	[tilespmem:$0x18100] =	vst v63  }
0x248: {  	v4 =	vld [tilespmem:s1+$0x60];
	_ =	sdelay $0x4  }
0x249: {  	v5 =	vshll.u32 v4, $0x3  }
0x24a: {  	v4 =	vand.u32 $0x7, v4;
	v5 =	vand.u32 $0xFFFFFFC0, v5  }
0x24b: {  	v4 =	vor.u32 v4, v5  }
0x24c: {  	v5 =	vperm.xlane v4, v0;
	_ =	sdelay $0x1  }
0x24d: {  	v4 =	vperm.xlane v4, v2;
	v5 =	vadd.s32 v1, v5;
	_ =	sdelay $0x1  }
0x24e: {  	v4 =	vadd.s32 v1, v4;
	_ =	sdelay $0x1  }
0x24f: {  	s22 =	simm.s32 $0x5900  }
0x250: {  	[tilespmem:s22], [sflag:$0x1] =	stream.indirect_vreg.gather [hbm4b:s2+s29], $0x80, v5, vm0, $0xb8;
	[tilespmem:$0x18100] =	vst v63  }
0x251: {  	s23 =	simm.s32 $0x7900  }
0x252: {  	[tilespmem:s23], [sflag:$0x1] =	stream.indirect_vreg.gather [hbm4b:s2+s29], $0x80, v4, vm0, $0xb8;
	[tilespmem:$0x18100] =	vst v63  }
0x253: {  	v4 =	vld.msk [tilespmem:s1+$0x70], $0xff;
	_ =	sdelay $0x4  }
0x254: {  	v5 =	vshll.u32 v4, $0x3  }
0x255: {  	v4 =	vand.u32 $0x7, v4;
	v5 =	vand.u32 $0xFFFFFFC0, v5  }
0x256: {  	v4 =	vor.u32 v4, v5  }
0x257: {  	v4 =	vperm.xlane v4, v0;
	_ =	sdelay $0x1  }
0x258: {  	v4 =	vadd.s32 v1, v4;
	_ =	sdelay $0x3  }
0x259: {  	s7 =	simm.s32 $0x9900  }
0x25a: {  	[tilespmem:s7], [sflag:$0x1] =	stream.indirect_vreg.gather [hbm4b:s2+s29], $0x80, v4, vm0, $0xb8;
	[tilespmem:$0x18100] =	vst v63  }
0x25b: {  	v4 =	vld [tilespmem:s1+$0x50];
	_ =	sdelay $0x4  }
0x25c: {  	v5 =	vshll.u32 v4, $0x3  }
0x25d: {  	v4 =	vand.u32 $0x7, v4;
	v5 =	vand.u32 $0xFFFFFFC0, v5  }
0x25e: {  	v4 =	vor.u32 v4, v5  }
0x25f: {  	v5 =	vperm.xlane v4, v0;
	_ =	sdelay $0x1  }
0x260: {  	v4 =	vperm.xlane v4, v2;
	v5 =	vadd.s32 v1, v5;
	_ =	sdelay $0x1  }
0x261: {  	v4 =	vadd.s32 v1, v4;
	_ =	sdelay $0x1  }
0x262: {  	s14 =	simm.s32 $0x1D00  }
0x263: {  	[tilespmem:s14], [sflag:$0x1] =	stream.indirect_vreg.gather [hbm4b:s8+s29], $0x80, v5, vm0, $0xb8;
	[tilespmem:$0x18100] =	vst v63  }
0x264: {  	s16 =	simm.s32 $0x3D00  }
0x265: {  	[tilespmem:s16], [sflag:$0x1] =	stream.indirect_vreg.gather [hbm4b:s8+s29], $0x80, v4, vm0, $0xb8;
	[tilespmem:$0x18100] =	vst v63  }
0x266: {  	v4 =	vld [tilespmem:s1+$0x60];
	_ =	sdelay $0x4  }
0x267: {  	v5 =	vshll.u32 v4, $0x3  }
0x268: {  	v4 =	vand.u32 $0x7, v4;
	v5 =	vand.u32 $0xFFFFFFC0, v5  }
0x269: {  	v4 =	vor.u32 v4, v5  }
0x26a: {  	v5 =	vperm.xlane v4, v0;
	_ =	sdelay $0x1  }
0x26b: {  	v4 =	vperm.xlane v4, v2;
	v5 =	vadd.s32 v1, v5;
	_ =	sdelay $0x1  }
0x26c: {  	v4 =	vadd.s32 v1, v4;
	_ =	sdelay $0x1  }
0x26d: {  	s18 =	simm.s32 $0x5D00  }
0x26e: {  	[tilespmem:s18], [sflag:$0x1] =	stream.indirect_vreg.gather [hbm4b:s8+s29], $0x80, v5, vm0, $0xb8;
	[tilespmem:$0x18100] =	vst v63  }
0x26f: {  	s22 =	simm.s32 $0x7D00  }
0x270: {  	[tilespmem:s22], [sflag:$0x1] =	stream.indirect_vreg.gather [hbm4b:s8+s29], $0x80, v4, vm0, $0xb8;
	[tilespmem:$0x18100] =	vst v63  }
0x271: {  	v4 =	vld.msk [tilespmem:s1+$0x70], $0xff;
	_ =	sdelay $0x4  }
0x272: {  	v5 =	vshll.u32 v4, $0x3  }
0x273: {  	v4 =	vand.u32 $0x7, v4;
	v5 =	vand.u32 $0xFFFFFFC0, v5  }
0x274: {  	v4 =	vor.u32 v4, v5  }
0x275: {  	v4 =	vperm.xlane v4, v0;
	_ =	sdelay $0x1  }
0x276: {  	v4 =	vadd.s32 v1, v4;
	_ =	sdelay $0x3  }
0x277: {  	s23 =	simm.s32 $0x9D00  }
0x278: {  	[tilespmem:s23], [sflag:$0x1] =	stream.indirect_vreg.gather [hbm4b:s8+s29], $0x80, v4, vm0, $0xb8;
	[tilespmem:$0x18100] =	vst v63  }
0x279: {  	v4 =	vld [tilespmem:s1+$0x50];
	_ =	sdelay $0x4  }
0x27a: {  	v5 =	vshll.u32 v4, $0x3  }
0x27b: {  	v4 =	vand.u32 $0x7, v4;
	v5 =	vand.u32 $0xFFFFFFC0, v5  }
0x27c: {  	v4 =	vor.u32 v4, v5  }
0x27d: {  	v5 =	vperm.xlane v4, v0;
	_ =	sdelay $0x1  }
0x27e: {  	v4 =	vperm.xlane v4, v2;
	v5 =	vadd.s32 v1, v5;
	_ =	sdelay $0x1  }
0x27f: {  	v4 =	vadd.s32 v1, v4;
	_ =	sdelay $0x1  }
0x280: {  	s7 =	simm.s32 $0x2100  }
0x281: {  	[tilespmem:s7], [sflag:$0x1] =	stream.indirect_vreg.gather [hbm4b:s9+s29], $0x80, v5, vm0, $0xb8;
	[tilespmem:$0x18100] =	vst v63  }
0x282: {  	s14 =	simm.s32 $0x4100  }
0x283: {  	[tilespmem:s14], [sflag:$0x1] =	stream.indirect_vreg.gather [hbm4b:s9+s29], $0x80, v4, vm0, $0xb8;
	[tilespmem:$0x18100] =	vst v63  }
0x284: {  	v4 =	vld [tilespmem:s1+$0x60];
	_ =	sdelay $0x4  }
0x285: {  	v5 =	vshll.u32 v4, $0x3  }
0x286: {  	v4 =	vand.u32 $0x7, v4;
	v5 =	vand.u32 $0xFFFFFFC0, v5  }
0x287: {  	v4 =	vor.u32 v4, v5  }
0x288: {  	v5 =	vperm.xlane v4, v0;
	_ =	sdelay $0x1  }
0x289: {  	v4 =	vperm.xlane v4, v2;
	v5 =	vadd.s32 v1, v5;
	_ =	sdelay $0x1  }
0x28a: {  	v4 =	vadd.s32 v1, v4;
	_ =	sdelay $0x1  }
0x28b: {  	s16 =	simm.s32 $0x6100  }
0x28c: {  	[tilespmem:s16], [sflag:$0x1] =	stream.indirect_vreg.gather [hbm4b:s9+s29], $0x80, v5, vm0, $0xb8;
	[tilespmem:$0x18100] =	vst v63  }
0x28d: {  	s18 =	simm.s32 $0x8100  }
0x28e: {  	[tilespmem:s18], [sflag:$0x1] =	stream.indirect_vreg.gather [hbm4b:s9+s29], $0x80, v4, vm0, $0xb8;
	[tilespmem:$0x18100] =	vst v63  }
0x28f: {  	v4 =	vld.msk [tilespmem:s1+$0x70], $0xff;
	_ =	sdelay $0x4  }
0x290: {  	v5 =	vshll.u32 v4, $0x3  }
0x291: {  	v4 =	vand.u32 $0x7, v4;
	v5 =	vand.u32 $0xFFFFFFC0, v5  }
0x292: {  	v4 =	vor.u32 v4, v5  }
0x293: {  	v4 =	vperm.xlane v4, v0;
	_ =	sdelay $0x1  }
0x294: {  	v4 =	vadd.s32 v1, v4;
	_ =	sdelay $0x3  }
0x295: {  	s22 =	simm.s32 $0xA100  }
0x296: {  	[tilespmem:s22], [sflag:$0x1] =	stream.indirect_vreg.gather [hbm4b:s9+s29], $0x80, v4, vm0, $0xb8;
	[tilespmem:$0x18100] =	vst v63  }
0x297: {  	v4 =	vld [tilespmem:s1+$0x50];
	_ =	sdelay $0x4  }
0x298: {  	v5 =	vshll.u32 v4, $0x3  }
0x299: {  	v4 =	vand.u32 $0x7, v4;
	v5 =	vand.u32 $0xFFFFFFC0, v5  }
0x29a: {  	v4 =	vor.u32 v4, v5  }
0x29b: {  	v5 =	vperm.xlane v4, v0;
	_ =	sdelay $0x1  }
0x29c: {  	v4 =	vperm.xlane v4, v2;
	v5 =	vadd.s32 v1, v5;
	_ =	sdelay $0x1  }
0x29d: {  	v4 =	vadd.s32 v1, v4;
	_ =	sdelay $0x1  }
0x29e: {  	s23 =	simm.s32 $0x2500  }
0x29f: {  	[tilespmem:s23], [sflag:$0x1] =	stream.indirect_vreg.gather [hbm4b:s10+s29], $0x80, v5, vm0, $0xb8;
	[tilespmem:$0x18100] =	vst v63  }
0x2a0: {  	s7 =	simm.s32 $0x4500  }
0x2a1: {  	[tilespmem:s7], [sflag:$0x1] =	stream.indirect_vreg.gather [hbm4b:s10+s29], $0x80, v4, vm0, $0xb8;
	[tilespmem:$0x18100] =	vst v63  }
0x2a2: {  	v4 =	vld [tilespmem:s1+$0x60];
	_ =	sdelay $0x4  }
0x2a3: {  	v5 =	vshll.u32 v4, $0x3  }
0x2a4: {  	v4 =	vand.u32 $0x7, v4;
	v5 =	vand.u32 $0xFFFFFFC0, v5  }
0x2a5: {  	v4 =	vor.u32 v4, v5  }
0x2a6: {  	v5 =	vperm.xlane v4, v0;
	_ =	sdelay $0x1  }
0x2a7: {  	v4 =	vperm.xlane v4, v2;
	v5 =	vadd.s32 v1, v5;
	_ =	sdelay $0x1  }
0x2a8: {  	v4 =	vadd.s32 v1, v4;
	_ =	sdelay $0x1  }
0x2a9: {  	s14 =	simm.s32 $0x6500  }
0x2aa: {  	[tilespmem:s14], [sflag:$0x1] =	stream.indirect_vreg.gather [hbm4b:s10+s29], $0x80, v5, vm0, $0xb8;
	[tilespmem:$0x18100] =	vst v63  }
0x2ab: {  	s16 =	simm.s32 $0x8500  }
0x2ac: {  	[tilespmem:s16], [sflag:$0x1] =	stream.indirect_vreg.gather [hbm4b:s10+s29], $0x80, v4, vm0, $0xb8;
	[tilespmem:$0x18100] =	vst v63  }
0x2ad: {  	v4 =	vld.msk [tilespmem:s1+$0x70], $0xff;
	_ =	sdelay $0x4  }
0x2ae: {  	v5 =	vshll.u32 v4, $0x3  }
0x2af: {  	v4 =	vand.u32 $0x7, v4;
	v5 =	vand.u32 $0xFFFFFFC0, v5  }
0x2b0: {  	v4 =	vor.u32 v4, v5  }
0x2b1: {  	v4 =	vperm.xlane v4, v0;
	_ =	sdelay $0x1  }
0x2b2: {  	v4 =	vadd.s32 v1, v4;
	_ =	sdelay $0x3  }
0x2b3: {  	s18 =	simm.s32 $0xA500  }
0x2b4: {  	[tilespmem:s18], [sflag:$0x1] =	stream.indirect_vreg.gather [hbm4b:s10+s29], $0x80, v4, vm0, $0xb8;
	[tilespmem:$0x18100] =	vst v63  }
0x2b5: {  	v4 =	vld [tilespmem:s1+$0x50];
	_ =	sdelay $0x4  }
0x2b6: {  	v5 =	vshll.u32 v4, $0x3  }
0x2b7: {  	v4 =	vand.u32 $0x7, v4;
	v5 =	vand.u32 $0xFFFFFFC0, v5  }
0x2b8: {  	v4 =	vor.u32 v4, v5  }
0x2b9: {  	v5 =	vperm.xlane v4, v0;
	_ =	sdelay $0x1  }
0x2ba: {  	v4 =	vperm.xlane v4, v2;
	v5 =	vadd.s32 v1, v5;
	_ =	sdelay $0x1  }
0x2bb: {  	v4 =	vadd.s32 v1, v4;
	_ =	sdelay $0x1  }
0x2bc: {  	s22 =	simm.s32 $0x2900  }
0x2bd: {  	[tilespmem:s22], [sflag:$0x1] =	stream.indirect_vreg.gather [hbm4b:s11+s29], $0x80, v5, vm0, $0xb8;
	[tilespmem:$0x18100] =	vst v63  }
0x2be: {  	s23 =	simm.s32 $0x4900  }
0x2bf: {  	[tilespmem:s23], [sflag:$0x1] =	stream.indirect_vreg.gather [hbm4b:s11+s29], $0x80, v4, vm0, $0xb8;
	[tilespmem:$0x18100] =	vst v63  }
0x2c0: {  	v4 =	vld [tilespmem:s1+$0x60];
	_ =	sdelay $0x4  }
0x2c1: {  	v5 =	vshll.u32 v4, $0x3  }
0x2c2: {  	v4 =	vand.u32 $0x7, v4;
	v5 =	vand.u32 $0xFFFFFFC0, v5  }
0x2c3: {  	v4 =	vor.u32 v4, v5  }
0x2c4: {  	v5 =	vperm.xlane v4, v0;
	_ =	sdelay $0x1  }
0x2c5: {  	v4 =	vperm.xlane v4, v2;
	v5 =	vadd.s32 v1, v5;
	_ =	sdelay $0x1  }
0x2c6: {  	v4 =	vadd.s32 v1, v4;
	_ =	sdelay $0x1  }
0x2c7: {  	s7 =	simm.s32 $0x6900  }
0x2c8: {  	[tilespmem:s7], [sflag:$0x1] =	stream.indirect_vreg.gather [hbm4b:s11+s29], $0x80, v5, vm0, $0xb8;
	[tilespmem:$0x18100] =	vst v63  }
0x2c9: {  	s14 =	simm.s32 $0x8900  }
0x2ca: {  	[tilespmem:s14], [sflag:$0x1] =	stream.indirect_vreg.gather [hbm4b:s11+s29], $0x80, v4, vm0, $0xb8;
	[tilespmem:$0x18100] =	vst v63  }
0x2cb: {  	v4 =	vld.msk [tilespmem:s1+$0x70], $0xff;
	_ =	sdelay $0x4  }
0x2cc: {  	v5 =	vshll.u32 v4, $0x3  }
0x2cd: {  	v4 =	vand.u32 $0x7, v4;
	v5 =	vand.u32 $0xFFFFFFC0, v5  }
0x2ce: {  	v4 =	vor.u32 v4, v5  }
0x2cf: {  	v4 =	vperm.xlane v4, v0;
	_ =	sdelay $0x1  }
0x2d0: {  	v4 =	vadd.s32 v1, v4;
	_ =	sdelay $0x3  }
0x2d1: {  	s16 =	simm.s32 $0xA900  }
0x2d2: {  	[tilespmem:s16], [sflag:$0x1] =	stream.indirect_vreg.gather [hbm4b:s11+s29], $0x80, v4, vm0, $0xb8;
	[tilespmem:$0x18100] =	vst v63  }
0x2d3: {  	v4 =	vld [tilespmem:s1+$0x50];
	_ =	sdelay $0x4  }
0x2d4: {  	v5 =	vshll.u32 v4, $0x3  }
0x2d5: {  	v4 =	vand.u32 $0x7, v4;
	v5 =	vand.u32 $0xFFFFFFC0, v5  }
0x2d6: {  	v4 =	vor.u32 v4, v5  }
0x2d7: {  	v5 =	vperm.xlane v4, v0;
	_ =	sdelay $0x1  }
0x2d8: {  	v4 =	vperm.xlane v4, v2;
	v5 =	vadd.s32 v1, v5;
	_ =	sdelay $0x1  }
0x2d9: {  	v4 =	vadd.s32 v1, v4;
	_ =	sdelay $0x1  }
0x2da: {  	s18 =	simm.s32 $0x2D00  }
0x2db: {  	[tilespmem:s18], [sflag:$0x1] =	stream.indirect_vreg.gather [hbm4b:s12+s29], $0x80, v5, vm0, $0xb8;
	[tilespmem:$0x18100] =	vst v63  }
0x2dc: {  	s22 =	simm.s32 $0x4D00  }
0x2dd: {  	[tilespmem:s22], [sflag:$0x1] =	stream.indirect_vreg.gather [hbm4b:s12+s29], $0x80, v4, vm0, $0xb8;
	[tilespmem:$0x18100] =	vst v63  }
0x2de: {  	v4 =	vld [tilespmem:s1+$0x60];
	_ =	sdelay $0x4  }
0x2df: {  	v5 =	vshll.u32 v4, $0x3  }
0x2e0: {  	v4 =	vand.u32 $0x7, v4;
	v5 =	vand.u32 $0xFFFFFFC0, v5  }
0x2e1: {  	v4 =	vor.u32 v4, v5  }
0x2e2: {  	v5 =	vperm.xlane v4, v0;
	_ =	sdelay $0x1  }
0x2e3: {  	v4 =	vperm.xlane v4, v2;
	v5 =	vadd.s32 v1, v5;
	_ =	sdelay $0x1  }
0x2e4: {  	v4 =	vadd.s32 v1, v4;
	_ =	sdelay $0x1  }
0x2e5: {  	s23 =	simm.s32 $0x6D00  }
0x2e6: {  	[tilespmem:s23], [sflag:$0x1] =	stream.indirect_vreg.gather [hbm4b:s12+s29], $0x80, v5, vm0, $0xb8;
	[tilespmem:$0x18100] =	vst v63  }
0x2e7: {  	s7 =	simm.s32 $0x8D00  }
0x2e8: {  	[tilespmem:s7], [sflag:$0x1] =	stream.indirect_vreg.gather [hbm4b:s12+s29], $0x80, v4, vm0, $0xb8;
	[tilespmem:$0x18100] =	vst v63  }
0x2e9: {  	v4 =	vld.msk [tilespmem:s1+$0x70], $0xff;
	_ =	sdelay $0x4  }
0x2ea: {  	v5 =	vshll.u32 v4, $0x3  }
0x2eb: {  	v4 =	vand.u32 $0x7, v4;
	v5 =	vand.u32 $0xFFFFFFC0, v5  }
0x2ec: {  	v4 =	vor.u32 v4, v5  }
0x2ed: {  	v4 =	vperm.xlane v4, v0;
	_ =	sdelay $0x1  }
0x2ee: {  	v4 =	vadd.s32 v1, v4;
	_ =	sdelay $0x3  }
0x2ef: {  	s14 =	simm.s32 $0xAD00  }
0x2f0: {  	[tilespmem:s14], [sflag:$0x1] =	stream.indirect_vreg.gather [hbm4b:s12+s29], $0x80, v4, vm0, $0xb8;
	[tilespmem:$0x18100] =	vst v63  }
0x2f1: {  	v4 =	vld [tilespmem:s1+$0x50];
	_ =	sdelay $0x4  }
0x2f2: {  	v5 =	vshll.u32 v4, $0x3  }
0x2f3: {  	v4 =	vand.u32 $0x7, v4;
	v5 =	vand.u32 $0xFFFFFFC0, v5  }
0x2f4: {  	v4 =	vor.u32 v4, v5  }
0x2f5: {  	v5 =	vperm.xlane v4, v0;
	_ =	sdelay $0x1  }
0x2f6: {  	v4 =	vperm.xlane v4, v2;
	v5 =	vadd.s32 v1, v5;
	_ =	sdelay $0x1  }
0x2f7: {  	v4 =	vadd.s32 v1, v4;
	_ =	sdelay $0x1  }
0x2f8: {  	s16 =	simm.s32 $0x3100  }
0x2f9: {  	[tilespmem:s16], [sflag:$0x1] =	stream.indirect_vreg.gather [hbm4b:s13+s29], $0x80, v5, vm0, $0xb8;
	[tilespmem:$0x18100] =	vst v63  }
0x2fa: {  	s18 =	simm.s32 $0x5100  }
0x2fb: {  	[tilespmem:s18], [sflag:$0x1] =	stream.indirect_vreg.gather [hbm4b:s13+s29], $0x80, v4, vm0, $0xb8;
	[tilespmem:$0x18100] =	vst v63  }
0x2fc: {  	v4 =	vld [tilespmem:s1+$0x60];
	_ =	sdelay $0x4  }
0x2fd: {  	v5 =	vshll.u32 v4, $0x3  }
0x2fe: {  	v4 =	vand.u32 $0x7, v4;
	v5 =	vand.u32 $0xFFFFFFC0, v5  }
0x2ff: {  	v4 =	vor.u32 v4, v5  }
0x300: {  	v5 =	vperm.xlane v4, v0;
	_ =	sdelay $0x1  }
0x301: {  	v4 =	vperm.xlane v4, v2;
	v5 =	vadd.s32 v1, v5;
	_ =	sdelay $0x1  }
0x302: {  	v4 =	vadd.s32 v1, v4;
	_ =	sdelay $0x1  }
0x303: {  	s22 =	simm.s32 $0x7100  }
0x304: {  	[tilespmem:s22], [sflag:$0x1] =	stream.indirect_vreg.gather [hbm4b:s13+s29], $0x80, v5, vm0, $0xb8;
	[tilespmem:$0x18100] =	vst v63  }
0x305: {  	s23 =	simm.s32 $0x9100  }
0x306: {  	[tilespmem:s23], [sflag:$0x1] =	stream.indirect_vreg.gather [hbm4b:s13+s29], $0x80, v4, vm0, $0xb8;
	[tilespmem:$0x18100] =	vst v63  }
0x307: {  	v4 =	vld.msk [tilespmem:s1+$0x70], $0xff;
	_ =	sdelay $0x4  }
0x308: {  	v5 =	vshll.u32 v4, $0x3  }
0x309: {  	v4 =	vand.u32 $0x7, v4;
	v5 =	vand.u32 $0xFFFFFFC0, v5  }
0x30a: {  	v4 =	vor.u32 v4, v5  }
0x30b: {  	v4 =	vperm.xlane v4, v0;
	_ =	sdelay $0x1  }
0x30c: {  	v4 =	vadd.s32 v1, v4;
	_ =	sdelay $0x3  }
0x30d: {  	s7 =	simm.s32 $0xB100  }
0x30e: {  	[tilespmem:s7], [sflag:$0x1] =	stream.indirect_vreg.gather [hbm4b:s13+s29], $0x80, v4, vm0, $0xb8;
	[tilespmem:$0x18100] =	vst v63  }
0x30f: {  	s31 =	sadd.s32 $0x50, s1;
	s0 =	simm.s32 $0x16D38;
	s14 =	simm.s32 $0x15900  }
0x310: {  	[tilespmem:s14], [sflag:$0x1] =	stream.indirect.gather [hbm4b:s5+s17], $0x80, s31, s17, $0xb8;
	[tilespmem:$0x18100] =	vst v63  }
0x311: {  	v4 =	vld [tilespmem:s0+$0xFFFFFFE0]  }
0x312: {  	s7 =	sand.u32 $0x7, s29  }
0x313: {  	s7 =	sshll.u32 s7, $0x7  }
0x314: {  	s7 =	sadd.s32 $0x0, s7  }
0x315: {  	s14 =	sor.u32 $0x1C00, s7  }
0x316: {  	[tilespmem:s14+$0xB900] =	vst v4  }
0x317: {  	v4 =	vld [tilespmem:s0+$0xFFFFFFF0];
	_ =	sdelay $0x3  }
0x318: {  	s16 =	sor.u32 $0x1C10, s7  }
0x319: {  	[tilespmem:s16+$0xB900] =	vst v4  }
0x31a: {  	v4 =	vld [tilespmem:s0+$0x0];
	_ =	sdelay $0x3  }
0x31b: {  	s18 =	sor.u32 $0x1C20, s7  }
0x31c: {  	[tilespmem:s18+$0xB900] =	vst v4  }
0x31d: {  	v4 =	vld [tilespmem:s0+$0x10];
	_ =	sdelay $0x3  }
0x31e: {  	s22 =	sor.u32 $0x1C30, s7  }
0x31f: {  	[tilespmem:s22+$0xB900] =	vst v4  }
0x320: {  	v4 =	vld [tilespmem:s0+$0x20];
	_ =	sdelay $0x3  }
0x321: {  	s23 =	sor.u32 $0x1C40, s7  }
0x322: {  	[tilespmem:s23+$0xB900] =	vst v4  }
0x323: {  	v4 =	vld [tilespmem:s0+$0x30];
	_ =	sdelay $0x1  }
0x324: {  	v5 =	vmov s29  }
0x325: {  	v6 =	vshll.u32 v5, $0x7  }
0x326: {  	v5 =	vshll.u32 v5, $0xA;
	v6 =	vand.u32 $0x380, v6;
	s7 =	sor.u32 $0x1C50, s7  }
0x327: {  	[tilespmem:s7+$0xB900] =	vst v4;
	v4 =	vor.u32 v6, v5  }
0x328: {  	v5 =	vld [tilespmem:s0+$0x38];
	v4 =	vor.u32 v3, v4;
	_ =	sdelay $0x4  }
0x329: {  	s14 =	simm.s32 $0x1;
	s0 =	simm.s32 $0x16DB8;
	[tilespmem:v4+s21+$0x0] =	vst.idx.msk $0xffff, v5  }
0x32a: {  	s16 =	simm.s32 $0x0;
	s18 =	simm.s32 $0x2;
	s7 =	simm.s32 $0x1;
	v4 =	vld [tilespmem:s0+$0xFFFFFFE0]  }
.LBB2_5:
0x32b: {  	p0 =	sne.s32 s18, $0x27;
	s22 =	sand.u32 $0x7, s14  }
0x32c: {  	s16 =	sadd.s32 $0x400, s16;
	s22 =	sshll.u32 s22, $0x7  }
0x32d: {  	s22 =	sadd.s32 s22, s16  }
0x32e: {  	s23 =	sor.u32 $0x1C00, s22  }
0x32f: {  	[tilespmem:s23+$0xB900] =	vst v4  }
0x330: {  	v4 =	vld [tilespmem:s0+$0xFFFFFFF0];
	_ =	sdelay $0x3  }
0x331: {  	s23 =	sor.u32 $0x1C10, s22  }
0x332: {  	[tilespmem:s23+$0xB900] =	vst v4  }
0x333: {  	v4 =	vld [tilespmem:s0+$0x0];
	_ =	sdelay $0x3  }
0x334: {  	s23 =	sor.u32 $0x1C20, s22  }
0x335: {  	[tilespmem:s23+$0xB900] =	vst v4  }
0x336: {  	v4 =	vld [tilespmem:s0+$0x10];
	_ =	sdelay $0x3  }
0x337: {  	s23 =	sor.u32 $0x1C30, s22  }
0x338: {  	[tilespmem:s23+$0xB900] =	vst v4  }
0x339: {  	v4 =	vld [tilespmem:s0+$0x20];
	_ =	sdelay $0x3  }
0x33a: {  	s23 =	sor.u32 $0x1C40, s22  }
0x33b: {  	[tilespmem:s23+$0xB900] =	vst v4  }
0x33c: {  	v4 =	vld [tilespmem:s0+$0x30];
	_ =	sdelay $0x1  }
0x33d: {  	v5 =	vmov s7;
	s7 =	smov.u32 s18  }
0x33e: {  	v6 =	vshll.u32 v5, $0x7  }
0x33f: {  	v5 =	vshll.u32 v5, $0xA;
	v6 =	vand.u32 $0x380, v6;
	s22 =	sor.u32 $0x1C50, s22  }
0x340: {  	[tilespmem:s22+$0xB900] =	vst v4;
	v4 =	vor.u32 v6, v5  }
0x341: {  	v5 =	vld [tilespmem:s0+$0x38];
	v4 =	vor.u32 v3, v4;
	_ =	sdelay $0x1  }
.Ltmp1:
0x342: {  	(pc) =	sbr.rel @p0 .LBB2_5-.Ltmp1, $3  }
0x343: {  	_ =	sdelay $0x1  }
0x344: {  	s0 =	sadd.s32 $0x80, s0;
	[tilespmem:v4+s21+$0x0] =	vst.idx.msk $0xffff, v5  }
0x345: {  	s18 =	sadd.s32 $0x1, s18;
	s14 =	sadd.s32 $0x1, s14;
	v4 =	vld [tilespmem:s0+$0xFFFFFFE0]  }
0x346: {  	s14 =	sand.u32 $0x7, s14  }
0x347: {  	s16 =	sadd.s32 $0x400, s16;
	s14 =	sshll.u32 s14, $0x7  }
0x348: {  	s14 =	sadd.s32 s14, s16  }
0x349: {  	s16 =	sor.u32 $0x1C00, s14  }
0x34a: {  	[tilespmem:s16+$0xB900] =	vst v4  }
0x34b: {  	v4 =	vld [tilespmem:s0+$0xFFFFFFF0];
	_ =	sdelay $0x3  }
0x34c: {  	s22 =	sor.u32 $0x1C10, s14  }
0x34d: {  	[tilespmem:s22+$0xB900] =	vst v4  }
0x34e: {  	v4 =	vld [tilespmem:s0+$0x0];
	_ =	sdelay $0x3  }
0x34f: {  	s23 =	sor.u32 $0x1C20, s14  }
0x350: {  	[tilespmem:s23+$0xB900] =	vst v4  }
0x351: {  	v4 =	vld [tilespmem:s0+$0x10];
	_ =	sdelay $0x3  }
0x352: {  	s18 =	sor.u32 $0x1C30, s14  }
0x353: {  	[tilespmem:s18+$0xB900] =	vst v4  }
0x354: {  	v4 =	vld [tilespmem:s0+$0x20];
	_ =	sdelay $0x3  }
0x355: {  	s22 =	sor.u32 $0x1C40, s14  }
0x356: {  	[tilespmem:s22+$0xB900] =	vst v4  }
0x357: {  	v4 =	vld [tilespmem:s0+$0x30];
	_ =	sdelay $0x1  }
0x358: {  	v5 =	vmov s7  }
0x359: {  	v6 =	vshll.u32 v5, $0x7  }
0x35a: {  	v5 =	vshll.u32 v5, $0xA;
	v6 =	vand.u32 $0x380, v6;
	s23 =	sor.u32 $0x1C50, s14  }
0x35b: {  	[tilespmem:s23+$0xB900] =	vst v4;
	v4 =	vor.u32 v6, v5  }
0x35c: {  	v5 =	vld [tilespmem:s0+$0x38];
	v4 =	vor.u32 v3, v4;
	_ =	sdelay $0x2  }
0x35d: {  	s7 =	sadd.s32 s1, s15  }
0x35e: {  	s0 =	sshll.u32 s7, $0x7  }
0x35f: {  	s1 =	simm.s32 $0x0;
	s0 =	sadd.s32 s6, s0;
	[tilespmem:v4+s21+$0x0] =	vst.idx.msk $0xffff, v5  }
0x360: {  	[hbm4b:s0+s1] =	stream.linear.scatter [tilespmem:s21], [sflag:$0x2], $0xA000, $0x38;
	[tilespmem:$0x18100] =	vst v63  }
0x361: {  	_ =	swait.ge [sflag:s20], $0x1400  }
0x362: {  	[sflag:s20] =	ssyncset.done $0x0  }
0x363: {  	[sflag:s20] =	ssyncadd.s32 $0xFFFFEC00  }
0x364: {  	_ =	swait.ge [sflag:s20], $0x1400  }
0x365: {  	[sflag:s20] =	ssyncset.done $0x0  }
0x366: {  	[sflag:s20] =	ssyncadd.s32 $0xFFFFEC00  }
0x367: {  	_ =	swait.ge [sflag:s20], $0x1400  }
0x368: {  	[sflag:s20] =	ssyncset.done $0x0  }
0x369: {  	[sflag:s20] =	ssyncadd.s32 $0xFFFFEC00  }
0x36a: {  	_ =	swait.ge [sflag:s20], $0x1400  }
0x36b: {  	[sflag:s20] =	ssyncset.done $0x0  }
0x36c: {  	[sflag:s20] =	ssyncadd.s32 $0xFFFFEC00  }
0x36d: {  	_ =	swait.ge [sflag:s20], $0x1400  }
0x36e: {  	[sflag:s20] =	ssyncset.done $0x0  }
0x36f: {  	[sflag:s20] =	ssyncadd.s32 $0xFFFFEC00  }
0x370: {  	_ =	swait.ge [sflag:s20], $0x1400  }
0x371: {  	[sflag:s20] =	ssyncset.done $0x0  }
0x372: {  	[sflag:s20] =	ssyncadd.s32 $0xFFFFEC00  }
0x373: {  	_ =	swait.ge [sflag:s20], $0x1400  }
0x374: {  	[sflag:s20] =	ssyncset.done $0x0  }
0x375: {  	[sflag:s20] =	ssyncadd.s32 $0xFFFFEC00  }
0x376: {  	_ =	swait.ge [sflag:s20], $0x1400  }
0x377: {  	[sflag:s20] =	ssyncset.done $0x0  }
0x378: {  	[sflag:s20] =	ssyncadd.s32 $0xFFFFEC00  }
0x379: {  	s14 =	smul.u32 $0x140, s30;
	_ =	swait.ge [sflag:s28], $0xA000  }
0x37a: {  	[sflag:s28] =	ssyncset.done $0x0  }
0x37b: {  	s0 =	sshra.s32 s14, $0x2;
	[sflag:s28] =	ssyncadd.s32 $0xFFFF6000  }
0x37c: {  	v4 =	vld [tilespmem:s0+$0x78];
	_ =	sdelay $0x4  }
0x37d: {  	v5 =	vshll.u32 v4, $0x3  }
0x37e: {  	v4 =	vand.u32 $0x7, v4;
	v5 =	vand.u32 $0xFFFFFFC0, v5  }
0x37f: {  	v4 =	vor.u32 v4, v5  }
0x380: {  	v5 =	vperm.xlane v4, v0;
	_ =	sdelay $0x1  }
0x381: {  	v4 =	vperm.xlane v4, v2;
	v5 =	vadd.s32 v1, v5;
	_ =	sdelay $0x1  }
0x382: {  	v4 =	vadd.s32 v1, v4;
	_ =	sdelay $0x2  }
0x383: {  	[tilespmem:s21], [sflag:$0x1] =	stream.indirect_vreg.gather [hbm4b:s2+s1], $0x80, v5, vm0, $0xb8;
	[tilespmem:$0x18100] =	vst v63  }
0x384: {  	s16 =	simm.s32 $0xD900  }
0x385: {  	[tilespmem:s16], [sflag:$0x1] =	stream.indirect_vreg.gather [hbm4b:s2+s1], $0x80, v4, vm0, $0xb8;
	[tilespmem:$0x18100] =	vst v63  }
0x386: {  	v4 =	vld [tilespmem:s0+$0x88];
	_ =	sdelay $0x4  }
0x387: {  	v5 =	vshll.u32 v4, $0x3  }
0x388: {  	v4 =	vand.u32 $0x7, v4;
	v5 =	vand.u32 $0xFFFFFFC0, v5  }
0x389: {  	v4 =	vor.u32 v4, v5  }
0x38a: {  	v5 =	vperm.xlane v4, v0;
	_ =	sdelay $0x1  }
0x38b: {  	v4 =	vperm.xlane v4, v2;
	v5 =	vadd.s32 v1, v5;
	_ =	sdelay $0x1  }
0x38c: {  	v4 =	vadd.s32 v1, v4;
	_ =	sdelay $0x1  }
0x38d: {  	s18 =	simm.s32 $0xF900  }
0x38e: {  	[tilespmem:s18], [sflag:$0x1] =	stream.indirect_vreg.gather [hbm4b:s2+s1], $0x80, v5, vm0, $0xb8;
	[tilespmem:$0x18100] =	vst v63  }
0x38f: {  	s22 =	simm.s32 $0x11900  }
0x390: {  	[tilespmem:s22], [sflag:$0x1] =	stream.indirect_vreg.gather [hbm4b:s2+s1], $0x80, v4, vm0, $0xb8;
	[tilespmem:$0x18100] =	vst v63  }
0x391: {  	v4 =	vld.msk [tilespmem:s0+$0x98], $0xff;
	_ =	sdelay $0x4  }
0x392: {  	v5 =	vshll.u32 v4, $0x3  }
0x393: {  	v4 =	vand.u32 $0x7, v4;
	v5 =	vand.u32 $0xFFFFFFC0, v5  }
0x394: {  	v4 =	vor.u32 v4, v5  }
0x395: {  	v4 =	vperm.xlane v4, v0;
	_ =	sdelay $0x1  }
0x396: {  	v4 =	vadd.s32 v1, v4;
	_ =	sdelay $0x3  }
0x397: {  	s23 =	simm.s32 $0x13900  }
0x398: {  	[tilespmem:s23], [sflag:$0x1] =	stream.indirect_vreg.gather [hbm4b:s2+s1], $0x80, v4, vm0, $0xb8;
	[tilespmem:$0x18100] =	vst v63  }
0x399: {  	v4 =	vld [tilespmem:s0+$0x78];
	_ =	sdelay $0x4  }
0x39a: {  	v5 =	vshll.u32 v4, $0x3  }
0x39b: {  	v4 =	vand.u32 $0x7, v4;
	v5 =	vand.u32 $0xFFFFFFC0, v5  }
0x39c: {  	v4 =	vor.u32 v4, v5  }
0x39d: {  	v5 =	vperm.xlane v4, v0;
	_ =	sdelay $0x1  }
0x39e: {  	v4 =	vperm.xlane v4, v2;
	v5 =	vadd.s32 v1, v5;
	_ =	sdelay $0x1  }
0x39f: {  	v4 =	vadd.s32 v1, v4;
	_ =	sdelay $0x1  }
0x3a0: {  	s14 =	simm.s32 $0xBD00  }
0x3a1: {  	[tilespmem:s14], [sflag:$0x1] =	stream.indirect_vreg.gather [hbm4b:s8+s1], $0x80, v5, vm0, $0xb8;
	[tilespmem:$0x18100] =	vst v63  }
0x3a2: {  	s16 =	simm.s32 $0xDD00  }
0x3a3: {  	[tilespmem:s16], [sflag:$0x1] =	stream.indirect_vreg.gather [hbm4b:s8+s1], $0x80, v4, vm0, $0xb8;
	[tilespmem:$0x18100] =	vst v63  }
0x3a4: {  	v4 =	vld [tilespmem:s0+$0x88];
	_ =	sdelay $0x4  }
0x3a5: {  	v5 =	vshll.u32 v4, $0x3  }
0x3a6: {  	v4 =	vand.u32 $0x7, v4;
	v5 =	vand.u32 $0xFFFFFFC0, v5  }
0x3a7: {  	v4 =	vor.u32 v4, v5  }
0x3a8: {  	v5 =	vperm.xlane v4, v0;
	_ =	sdelay $0x1  }
0x3a9: {  	v4 =	vperm.xlane v4, v2;
	v5 =	vadd.s32 v1, v5;
	_ =	sdelay $0x1  }
0x3aa: {  	v4 =	vadd.s32 v1, v4;
	_ =	sdelay $0x1  }
0x3ab: {  	s18 =	simm.s32 $0xFD00  }
0x3ac: {  	[tilespmem:s18], [sflag:$0x1] =	stream.indirect_vreg.gather [hbm4b:s8+s1], $0x80, v5, vm0, $0xb8;
	[tilespmem:$0x18100] =	vst v63  }
0x3ad: {  	s22 =	simm.s32 $0x11D00  }
0x3ae: {  	[tilespmem:s22], [sflag:$0x1] =	stream.indirect_vreg.gather [hbm4b:s8+s1], $0x80, v4, vm0, $0xb8;
	[tilespmem:$0x18100] =	vst v63  }
0x3af: {  	v4 =	vld.msk [tilespmem:s0+$0x98], $0xff;
	_ =	sdelay $0x4  }
0x3b0: {  	v5 =	vshll.u32 v4, $0x3  }
0x3b1: {  	v4 =	vand.u32 $0x7, v4;
	v5 =	vand.u32 $0xFFFFFFC0, v5  }
0x3b2: {  	v4 =	vor.u32 v4, v5  }
0x3b3: {  	v4 =	vperm.xlane v4, v0;
	_ =	sdelay $0x1  }
0x3b4: {  	v4 =	vadd.s32 v1, v4;
	_ =	sdelay $0x3  }
0x3b5: {  	s23 =	simm.s32 $0x13D00  }
0x3b6: {  	[tilespmem:s23], [sflag:$0x1] =	stream.indirect_vreg.gather [hbm4b:s8+s1], $0x80, v4, vm0, $0xb8;
	[tilespmem:$0x18100] =	vst v63  }
0x3b7: {  	v4 =	vld [tilespmem:s0+$0x78];
	_ =	sdelay $0x4  }
0x3b8: {  	v5 =	vshll.u32 v4, $0x3  }
0x3b9: {  	v4 =	vand.u32 $0x7, v4;
	v5 =	vand.u32 $0xFFFFFFC0, v5  }
0x3ba: {  	v4 =	vor.u32 v4, v5  }
0x3bb: {  	v5 =	vperm.xlane v4, v0;
	_ =	sdelay $0x1  }
0x3bc: {  	v4 =	vperm.xlane v4, v2;
	v5 =	vadd.s32 v1, v5;
	_ =	sdelay $0x1  }
0x3bd: {  	v4 =	vadd.s32 v1, v4;
	_ =	sdelay $0x1  }
0x3be: {  	s14 =	simm.s32 $0xC100  }
0x3bf: {  	[tilespmem:s14], [sflag:$0x1] =	stream.indirect_vreg.gather [hbm4b:s9+s1], $0x80, v5, vm0, $0xb8;
	[tilespmem:$0x18100] =	vst v63  }
0x3c0: {  	s16 =	simm.s32 $0xE100  }
0x3c1: {  	[tilespmem:s16], [sflag:$0x1] =	stream.indirect_vreg.gather [hbm4b:s9+s1], $0x80, v4, vm0, $0xb8;
	[tilespmem:$0x18100] =	vst v63  }
0x3c2: {  	v4 =	vld [tilespmem:s0+$0x88];
	_ =	sdelay $0x4  }
0x3c3: {  	v5 =	vshll.u32 v4, $0x3  }
0x3c4: {  	v4 =	vand.u32 $0x7, v4;
	v5 =	vand.u32 $0xFFFFFFC0, v5  }
0x3c5: {  	v4 =	vor.u32 v4, v5  }
0x3c6: {  	v5 =	vperm.xlane v4, v0;
	_ =	sdelay $0x1  }
0x3c7: {  	v4 =	vperm.xlane v4, v2;
	v5 =	vadd.s32 v1, v5;
	_ =	sdelay $0x1  }
0x3c8: {  	v4 =	vadd.s32 v1, v4;
	_ =	sdelay $0x1  }
0x3c9: {  	s18 =	simm.s32 $0x10100  }
0x3ca: {  	[tilespmem:s18], [sflag:$0x1] =	stream.indirect_vreg.gather [hbm4b:s9+s1], $0x80, v5, vm0, $0xb8;
	[tilespmem:$0x18100] =	vst v63  }
0x3cb: {  	s22 =	simm.s32 $0x12100  }
0x3cc: {  	[tilespmem:s22], [sflag:$0x1] =	stream.indirect_vreg.gather [hbm4b:s9+s1], $0x80, v4, vm0, $0xb8;
	[tilespmem:$0x18100] =	vst v63  }
0x3cd: {  	v4 =	vld.msk [tilespmem:s0+$0x98], $0xff;
	_ =	sdelay $0x4  }
0x3ce: {  	v5 =	vshll.u32 v4, $0x3  }
0x3cf: {  	v4 =	vand.u32 $0x7, v4;
	v5 =	vand.u32 $0xFFFFFFC0, v5  }
0x3d0: {  	v4 =	vor.u32 v4, v5  }
0x3d1: {  	v4 =	vperm.xlane v4, v0;
	_ =	sdelay $0x1  }
0x3d2: {  	v4 =	vadd.s32 v1, v4;
	_ =	sdelay $0x3  }
0x3d3: {  	s23 =	simm.s32 $0x14100  }
0x3d4: {  	[tilespmem:s23], [sflag:$0x1] =	stream.indirect_vreg.gather [hbm4b:s9+s1], $0x80, v4, vm0, $0xb8;
	[tilespmem:$0x18100] =	vst v63  }
0x3d5: {  	v4 =	vld [tilespmem:s0+$0x78];
	_ =	sdelay $0x4  }
0x3d6: {  	v5 =	vshll.u32 v4, $0x3  }
0x3d7: {  	v4 =	vand.u32 $0x7, v4;
	v5 =	vand.u32 $0xFFFFFFC0, v5  }
0x3d8: {  	v4 =	vor.u32 v4, v5  }
0x3d9: {  	v5 =	vperm.xlane v4, v0;
	_ =	sdelay $0x1  }
0x3da: {  	v4 =	vperm.xlane v4, v2;
	v5 =	vadd.s32 v1, v5;
	_ =	sdelay $0x1  }
0x3db: {  	v4 =	vadd.s32 v1, v4;
	_ =	sdelay $0x1  }
0x3dc: {  	s14 =	simm.s32 $0xC500  }
0x3dd: {  	[tilespmem:s14], [sflag:$0x1] =	stream.indirect_vreg.gather [hbm4b:s10+s1], $0x80, v5, vm0, $0xb8;
	[tilespmem:$0x18100] =	vst v63  }
0x3de: {  	s16 =	simm.s32 $0xE500  }
0x3df: {  	[tilespmem:s16], [sflag:$0x1] =	stream.indirect_vreg.gather [hbm4b:s10+s1], $0x80, v4, vm0, $0xb8;
	[tilespmem:$0x18100] =	vst v63  }
0x3e0: {  	v4 =	vld [tilespmem:s0+$0x88];
	_ =	sdelay $0x4  }
0x3e1: {  	v5 =	vshll.u32 v4, $0x3  }
0x3e2: {  	v4 =	vand.u32 $0x7, v4;
	v5 =	vand.u32 $0xFFFFFFC0, v5  }
0x3e3: {  	v4 =	vor.u32 v4, v5  }
0x3e4: {  	v5 =	vperm.xlane v4, v0;
	_ =	sdelay $0x1  }
0x3e5: {  	v4 =	vperm.xlane v4, v2;
	v5 =	vadd.s32 v1, v5;
	_ =	sdelay $0x1  }
0x3e6: {  	v4 =	vadd.s32 v1, v4;
	_ =	sdelay $0x1  }
0x3e7: {  	s18 =	simm.s32 $0x10500  }
0x3e8: {  	[tilespmem:s18], [sflag:$0x1] =	stream.indirect_vreg.gather [hbm4b:s10+s1], $0x80, v5, vm0, $0xb8;
	[tilespmem:$0x18100] =	vst v63  }
0x3e9: {  	s22 =	simm.s32 $0x12500  }
0x3ea: {  	[tilespmem:s22], [sflag:$0x1] =	stream.indirect_vreg.gather [hbm4b:s10+s1], $0x80, v4, vm0, $0xb8;
	[tilespmem:$0x18100] =	vst v63  }
0x3eb: {  	v4 =	vld.msk [tilespmem:s0+$0x98], $0xff;
	_ =	sdelay $0x4  }
0x3ec: {  	v5 =	vshll.u32 v4, $0x3  }
0x3ed: {  	v4 =	vand.u32 $0x7, v4;
	v5 =	vand.u32 $0xFFFFFFC0, v5  }
0x3ee: {  	v4 =	vor.u32 v4, v5  }
0x3ef: {  	v4 =	vperm.xlane v4, v0;
	_ =	sdelay $0x1  }
0x3f0: {  	v4 =	vadd.s32 v1, v4;
	_ =	sdelay $0x3  }
0x3f1: {  	s23 =	simm.s32 $0x14500  }
0x3f2: {  	[tilespmem:s23], [sflag:$0x1] =	stream.indirect_vreg.gather [hbm4b:s10+s1], $0x80, v4, vm0, $0xb8;
	[tilespmem:$0x18100] =	vst v63  }
0x3f3: {  	v4 =	vld [tilespmem:s0+$0x78];
	_ =	sdelay $0x4  }
0x3f4: {  	v5 =	vshll.u32 v4, $0x3  }
0x3f5: {  	v4 =	vand.u32 $0x7, v4;
	v5 =	vand.u32 $0xFFFFFFC0, v5  }
0x3f6: {  	v4 =	vor.u32 v4, v5  }
0x3f7: {  	v5 =	vperm.xlane v4, v0;
	_ =	sdelay $0x1  }
0x3f8: {  	v4 =	vperm.xlane v4, v2;
	v5 =	vadd.s32 v1, v5;
	_ =	sdelay $0x1  }
0x3f9: {  	v4 =	vadd.s32 v1, v4;
	_ =	sdelay $0x1  }
0x3fa: {  	s14 =	simm.s32 $0xC900  }
0x3fb: {  	[tilespmem:s14], [sflag:$0x1] =	stream.indirect_vreg.gather [hbm4b:s11+s1], $0x80, v5, vm0, $0xb8;
	[tilespmem:$0x18100] =	vst v63  }
0x3fc: {  	s16 =	simm.s32 $0xE900  }
0x3fd: {  	[tilespmem:s16], [sflag:$0x1] =	stream.indirect_vreg.gather [hbm4b:s11+s1], $0x80, v4, vm0, $0xb8;
	[tilespmem:$0x18100] =	vst v63  }
0x3fe: {  	v4 =	vld [tilespmem:s0+$0x88];
	_ =	sdelay $0x4  }
0x3ff: {  	v5 =	vshll.u32 v4, $0x3  }
0x400: {  	v4 =	vand.u32 $0x7, v4;
	v5 =	vand.u32 $0xFFFFFFC0, v5  }
0x401: {  	v4 =	vor.u32 v4, v5  }
0x402: {  	v5 =	vperm.xlane v4, v0;
	_ =	sdelay $0x1  }
0x403: {  	v4 =	vperm.xlane v4, v2;
	v5 =	vadd.s32 v1, v5;
	_ =	sdelay $0x1  }
0x404: {  	v4 =	vadd.s32 v1, v4;
	_ =	sdelay $0x1  }
0x405: {  	s18 =	simm.s32 $0x10900  }
0x406: {  	[tilespmem:s18], [sflag:$0x1] =	stream.indirect_vreg.gather [hbm4b:s11+s1], $0x80, v5, vm0, $0xb8;
	[tilespmem:$0x18100] =	vst v63  }
0x407: {  	s22 =	simm.s32 $0x12900  }
0x408: {  	[tilespmem:s22], [sflag:$0x1] =	stream.indirect_vreg.gather [hbm4b:s11+s1], $0x80, v4, vm0, $0xb8;
	[tilespmem:$0x18100] =	vst v63  }
0x409: {  	v4 =	vld.msk [tilespmem:s0+$0x98], $0xff;
	_ =	sdelay $0x4  }
0x40a: {  	v5 =	vshll.u32 v4, $0x3  }
0x40b: {  	v4 =	vand.u32 $0x7, v4;
	v5 =	vand.u32 $0xFFFFFFC0, v5  }
0x40c: {  	v4 =	vor.u32 v4, v5  }
0x40d: {  	v4 =	vperm.xlane v4, v0;
	_ =	sdelay $0x1  }
0x40e: {  	v4 =	vadd.s32 v1, v4;
	_ =	sdelay $0x3  }
0x40f: {  	s23 =	simm.s32 $0x14900  }
0x410: {  	[tilespmem:s23], [sflag:$0x1] =	stream.indirect_vreg.gather [hbm4b:s11+s1], $0x80, v4, vm0, $0xb8;
	[tilespmem:$0x18100] =	vst v63  }
0x411: {  	v4 =	vld [tilespmem:s0+$0x78];
	_ =	sdelay $0x4  }
0x412: {  	v5 =	vshll.u32 v4, $0x3  }
0x413: {  	v4 =	vand.u32 $0x7, v4;
	v5 =	vand.u32 $0xFFFFFFC0, v5  }
0x414: {  	v4 =	vor.u32 v4, v5  }
0x415: {  	v5 =	vperm.xlane v4, v0;
	_ =	sdelay $0x1  }
0x416: {  	v4 =	vperm.xlane v4, v2;
	v5 =	vadd.s32 v1, v5;
	_ =	sdelay $0x1  }
0x417: {  	v4 =	vadd.s32 v1, v4;
	_ =	sdelay $0x1  }
0x418: {  	s14 =	simm.s32 $0xCD00  }
0x419: {  	[tilespmem:s14], [sflag:$0x1] =	stream.indirect_vreg.gather [hbm4b:s12+s1], $0x80, v5, vm0, $0xb8;
	[tilespmem:$0x18100] =	vst v63  }
0x41a: {  	s16 =	simm.s32 $0xED00  }
0x41b: {  	[tilespmem:s16], [sflag:$0x1] =	stream.indirect_vreg.gather [hbm4b:s12+s1], $0x80, v4, vm0, $0xb8;
	[tilespmem:$0x18100] =	vst v63  }
0x41c: {  	v4 =	vld [tilespmem:s0+$0x88];
	_ =	sdelay $0x4  }
0x41d: {  	v5 =	vshll.u32 v4, $0x3  }
0x41e: {  	v4 =	vand.u32 $0x7, v4;
	v5 =	vand.u32 $0xFFFFFFC0, v5  }
0x41f: {  	v4 =	vor.u32 v4, v5  }
0x420: {  	v5 =	vperm.xlane v4, v0;
	_ =	sdelay $0x1  }
0x421: {  	v4 =	vperm.xlane v4, v2;
	v5 =	vadd.s32 v1, v5;
	_ =	sdelay $0x1  }
0x422: {  	v4 =	vadd.s32 v1, v4;
	_ =	sdelay $0x1  }
0x423: {  	s18 =	simm.s32 $0x10D00  }
0x424: {  	[tilespmem:s18], [sflag:$0x1] =	stream.indirect_vreg.gather [hbm4b:s12+s1], $0x80, v5, vm0, $0xb8;
	[tilespmem:$0x18100] =	vst v63  }
0x425: {  	s22 =	simm.s32 $0x12D00  }
0x426: {  	[tilespmem:s22], [sflag:$0x1] =	stream.indirect_vreg.gather [hbm4b:s12+s1], $0x80, v4, vm0, $0xb8;
	[tilespmem:$0x18100] =	vst v63  }
0x427: {  	v4 =	vld.msk [tilespmem:s0+$0x98], $0xff;
	_ =	sdelay $0x4  }
0x428: {  	v5 =	vshll.u32 v4, $0x3  }
0x429: {  	v4 =	vand.u32 $0x7, v4;
	v5 =	vand.u32 $0xFFFFFFC0, v5  }
0x42a: {  	v4 =	vor.u32 v4, v5  }
0x42b: {  	v4 =	vperm.xlane v4, v0;
	_ =	sdelay $0x1  }
0x42c: {  	v4 =	vadd.s32 v1, v4;
	_ =	sdelay $0x3  }
0x42d: {  	s23 =	simm.s32 $0x14D00  }
0x42e: {  	[tilespmem:s23], [sflag:$0x1] =	stream.indirect_vreg.gather [hbm4b:s12+s1], $0x80, v4, vm0, $0xb8;
	[tilespmem:$0x18100] =	vst v63  }
0x42f: {  	v4 =	vld [tilespmem:s0+$0x78];
	_ =	sdelay $0x4  }
0x430: {  	v5 =	vshll.u32 v4, $0x3  }
0x431: {  	v4 =	vand.u32 $0x7, v4;
	v5 =	vand.u32 $0xFFFFFFC0, v5  }
0x432: {  	v4 =	vor.u32 v4, v5  }
0x433: {  	v5 =	vperm.xlane v4, v0;
	_ =	sdelay $0x1  }
0x434: {  	v4 =	vperm.xlane v4, v2;
	v5 =	vadd.s32 v1, v5;
	_ =	sdelay $0x1  }
0x435: {  	v4 =	vadd.s32 v1, v4;
	_ =	sdelay $0x1  }
0x436: {  	s14 =	simm.s32 $0xD100  }
0x437: {  	[tilespmem:s14], [sflag:$0x1] =	stream.indirect_vreg.gather [hbm4b:s13+s1], $0x80, v5, vm0, $0xb8;
	[tilespmem:$0x18100] =	vst v63  }
0x438: {  	s16 =	simm.s32 $0xF100  }
0x439: {  	[tilespmem:s16], [sflag:$0x1] =	stream.indirect_vreg.gather [hbm4b:s13+s1], $0x80, v4, vm0, $0xb8;
	[tilespmem:$0x18100] =	vst v63  }
0x43a: {  	v4 =	vld [tilespmem:s0+$0x88];
	_ =	sdelay $0x4  }
0x43b: {  	v5 =	vshll.u32 v4, $0x3  }
0x43c: {  	v4 =	vand.u32 $0x7, v4;
	v5 =	vand.u32 $0xFFFFFFC0, v5  }
0x43d: {  	v4 =	vor.u32 v4, v5  }
0x43e: {  	v5 =	vperm.xlane v4, v0;
	_ =	sdelay $0x1  }
0x43f: {  	v4 =	vperm.xlane v4, v2;
	v5 =	vadd.s32 v1, v5;
	_ =	sdelay $0x1  }
0x440: {  	v4 =	vadd.s32 v1, v4;
	_ =	sdelay $0x1  }
0x441: {  	s18 =	simm.s32 $0x11100  }
0x442: {  	[tilespmem:s18], [sflag:$0x1] =	stream.indirect_vreg.gather [hbm4b:s13+s1], $0x80, v5, vm0, $0xb8;
	[tilespmem:$0x18100] =	vst v63  }
0x443: {  	_ = 	snop  }
0x444: {  	[tilespmem:s24], [sflag:$0x1] =	stream.indirect_vreg.gather [hbm4b:s13+s1], $0x80, v4, vm0, $0xb8;
	[tilespmem:$0x18100] =	vst v63  }
0x445: {  	v4 =	vld.msk [tilespmem:s0+$0x98], $0xff;
	_ =	sdelay $0x4  }
0x446: {  	v5 =	vshll.u32 v4, $0x3  }
0x447: {  	v4 =	vand.u32 $0x7, v4;
	v5 =	vand.u32 $0xFFFFFFC0, v5  }
0x448: {  	v4 =	vor.u32 v4, v5  }
0x449: {  	v4 =	vperm.xlane v4, v0;
	_ =	sdelay $0x1  }
0x44a: {  	v4 =	vadd.s32 v1, v4;
	_ =	sdelay $0x4  }
0x44b: {  	[tilespmem:s25], [sflag:$0x1] =	stream.indirect_vreg.gather [hbm4b:s13+s1], $0x80, v4, vm0, $0xb8;
	[tilespmem:$0x18100] =	vst v63  }
0x44c: {  	s0 =	sadd.s32 $0x78, s0  }
0x44d: {  	[tilespmem:s26], [sflag:$0x1] =	stream.indirect.gather [hbm4b:s5+s17], $0x80, s0, s17, $0xb8;
	[tilespmem:$0x18100] =	vst v63  }
0x44e: {  	s0 =	simm.s32 $0x15938  }
0x44f: {  	v4 =	vld [tilespmem:s0+$0xFFFFFFE0]  }
0x450: {  	s22 =	sand.u32 $0x7, s1  }
0x451: {  	s7 =	sshll.u32 s22, $0x7  }
0x452: {  	s7 =	sadd.s32 $0x0, s7  }
0x453: {  	s23 =	sor.u32 $0x1C00, s7  }
0x454: {  	[tilespmem:s23+$0x1900] =	vst v4  }
0x455: {  	v4 =	vld [tilespmem:s0+$0xFFFFFFF0];
	_ =	sdelay $0x3  }
0x456: {  	s16 =	sor.u32 $0x1C10, s7  }
0x457: {  	[tilespmem:s16+$0x1900] =	vst v4  }
0x458: {  	v4 =	vld [tilespmem:s0+$0x0];
	_ =	sdelay $0x3  }
0x459: {  	s18 =	sor.u32 $0x1C20, s7  }
0x45a: {  	[tilespmem:s18+$0x1900] =	vst v4  }
0x45b: {  	v4 =	vld [tilespmem:s0+$0x10];
	_ =	sdelay $0x3  }
0x45c: {  	s22 =	sor.u32 $0x1C30, s7  }
0x45d: {  	[tilespmem:s22+$0x1900] =	vst v4  }
0x45e: {  	v4 =	vld [tilespmem:s0+$0x20];
	_ =	sdelay $0x3  }
0x45f: {  	s23 =	sor.u32 $0x1C40, s7  }
0x460: {  	[tilespmem:s23+$0x1900] =	vst v4  }
0x461: {  	v4 =	vld [tilespmem:s0+$0x30];
	_ =	sdelay $0x1  }
0x462: {  	v5 =	vmov s1  }
0x463: {  	v6 =	vshll.u32 v5, $0x7  }
0x464: {  	v5 =	vshll.u32 v5, $0xA;
	v6 =	vand.u32 $0x380, v6;
	s7 =	sor.u32 $0x1C50, s7  }
0x465: {  	[tilespmem:s7+$0x1900] =	vst v4;
	v4 =	vor.u32 v6, v5  }
0x466: {  	v5 =	vld [tilespmem:s0+$0x38];
	v4 =	vor.u32 v3, v4;
	_ =	sdelay $0x4  }
0x467: {  	s0 =	simm.s32 $0x159B8;
	[tilespmem:v4+s19+$0x0] =	vst.idx.msk $0xffff, v5  }
0x468: {  	s14 =	simm.s32 $0x1;
	s16 =	simm.s32 $0x2;
	s7 =	simm.s32 $0x1;
	v4 =	vld [tilespmem:s0+$0xFFFFFFE0]  }
.LBB2_7:
0x469: {  	p0 =	sne.s32 s16, $0x27;
	s18 =	sand.u32 $0x7, s14  }
0x46a: {  	s1 =	sadd.s32 $0x400, s1;
	s18 =	sshll.u32 s18, $0x7  }
0x46b: {  	s18 =	sadd.s32 s18, s1  }
0x46c: {  	s22 =	sor.u32 $0x1C00, s18  }
0x46d: {  	[tilespmem:s22+$0x1900] =	vst v4  }
0x46e: {  	v4 =	vld [tilespmem:s0+$0xFFFFFFF0];
	_ =	sdelay $0x3  }
0x46f: {  	s22 =	sor.u32 $0x1C10, s18  }
0x470: {  	[tilespmem:s22+$0x1900] =	vst v4  }
0x471: {  	v4 =	vld [tilespmem:s0+$0x0];
	_ =	sdelay $0x3  }
0x472: {  	s22 =	sor.u32 $0x1C20, s18  }
0x473: {  	[tilespmem:s22+$0x1900] =	vst v4  }
0x474: {  	v4 =	vld [tilespmem:s0+$0x10];
	_ =	sdelay $0x3  }
0x475: {  	s22 =	sor.u32 $0x1C30, s18  }
0x476: {  	[tilespmem:s22+$0x1900] =	vst v4  }
0x477: {  	v4 =	vld [tilespmem:s0+$0x20];
	_ =	sdelay $0x3  }
0x478: {  	s22 =	sor.u32 $0x1C40, s18  }
0x479: {  	[tilespmem:s22+$0x1900] =	vst v4  }
0x47a: {  	v4 =	vld [tilespmem:s0+$0x30];
	_ =	sdelay $0x1  }
0x47b: {  	v5 =	vmov s7;
	s7 =	smov.u32 s16  }
0x47c: {  	v6 =	vshll.u32 v5, $0x7  }
0x47d: {  	v5 =	vshll.u32 v5, $0xA;
	v6 =	vand.u32 $0x380, v6;
	s18 =	sor.u32 $0x1C50, s18  }
0x47e: {  	[tilespmem:s18+$0x1900] =	vst v4;
	v4 =	vor.u32 v6, v5  }
0x47f: {  	v5 =	vld [tilespmem:s0+$0x38];
	v4 =	vor.u32 v3, v4;
	_ =	sdelay $0x1  }
.Ltmp2:
0x480: {  	(pc) =	sbr.rel @p0 .LBB2_7-.Ltmp2, $3  }
0x481: {  	_ =	sdelay $0x1  }
0x482: {  	s0 =	sadd.s32 $0x80, s0;
	[tilespmem:v4+s19+$0x0] =	vst.idx.msk $0xffff, v5  }
0x483: {  	s16 =	sadd.s32 $0x1, s16;
	s14 =	sadd.s32 $0x1, s14;
	v4 =	vld [tilespmem:s0+$0xFFFFFFE0]  }
0x484: {  	s14 =	sand.u32 $0x7, s14  }
0x485: {  	s1 =	sadd.s32 $0x400, s1;
	s14 =	sshll.u32 s14, $0x7  }
0x486: {  	s1 =	sadd.s32 s14, s1  }
0x487: {  	s14 =	sor.u32 $0x1C00, s1  }
0x488: {  	[tilespmem:s14+$0x1900] =	vst v4  }
0x489: {  	v4 =	vld [tilespmem:s0+$0xFFFFFFF0];
	_ =	sdelay $0x3  }
0x48a: {  	s16 =	sor.u32 $0x1C10, s1  }
0x48b: {  	[tilespmem:s16+$0x1900] =	vst v4  }
0x48c: {  	v4 =	vld [tilespmem:s0+$0x0];
	_ =	sdelay $0x3  }
0x48d: {  	s18 =	sor.u32 $0x1C20, s1  }
0x48e: {  	[tilespmem:s18+$0x1900] =	vst v4  }
0x48f: {  	v4 =	vld [tilespmem:s0+$0x10];
	_ =	sdelay $0x3  }
0x490: {  	s22 =	sor.u32 $0x1C30, s1  }
0x491: {  	[tilespmem:s22+$0x1900] =	vst v4  }
0x492: {  	v4 =	vld [tilespmem:s0+$0x20];
	_ =	sdelay $0x3  }
0x493: {  	s23 =	sor.u32 $0x1C40, s1  }
0x494: {  	[tilespmem:s23+$0x1900] =	vst v4  }
0x495: {  	v4 =	vld [tilespmem:s0+$0x30];
	_ =	sdelay $0x1  }
0x496: {  	v5 =	vmov s7  }
0x497: {  	v6 =	vshll.u32 v5, $0x7  }
0x498: {  	v5 =	vshll.u32 v5, $0xA;
	v6 =	vand.u32 $0x380, v6;
	s1 =	sor.u32 $0x1C50, s1  }
0x499: {  	[tilespmem:s1+$0x1900] =	vst v4;
	v4 =	vor.u32 v6, v5  }
0x49a: {  	s30 =	sadd.s32 $0x1, s30;
	v5 =	vld [tilespmem:s0+$0x38];
	v4 =	vor.u32 v3, v4  }
0x49b: {  	p0 =	sne.s32 s30, $0x4F  }
.Ltmp3:
0x49c: {  	_ = 	snop;
	(pc) =	sbr.rel @p0 .LBB2_4-.Ltmp3, $4  }
0x49d: {  	s31 =	sadd.s32 s4, s31  }
0x49e: {  	s0 =	sshll.u32 s31, $0x7  }
0x49f: {  	s0 =	sadd.s32 s6, s0;
	[tilespmem:v4+s19+$0x0] =	vst.idx.msk $0xffff, v5  }
0x4a0: {  	[hbm4b:s0+s3] =	stream.linear.scatter [tilespmem:s19], [sflag:$0x2], $0xA000, $0x38;
	[tilespmem:$0x18100] =	vst v63  }
0x4a1: {  	_ =	swait.ge [sflag:s20], $0x1400  }
0x4a2: {  	[sflag:s20] =	ssyncset.done $0x0  }
0x4a3: {  	[sflag:s20] =	ssyncadd.s32 $0xFFFFEC00  }
0x4a4: {  	_ =	swait.ge [sflag:s20], $0x1400  }
0x4a5: {  	[sflag:s20] =	ssyncset.done $0x0  }
0x4a6: {  	[sflag:s20] =	ssyncadd.s32 $0xFFFFEC00  }
0x4a7: {  	_ =	swait.ge [sflag:s20], $0x1400  }
0x4a8: {  	[sflag:s20] =	ssyncset.done $0x0  }
0x4a9: {  	[sflag:s20] =	ssyncadd.s32 $0xFFFFEC00  }
0x4aa: {  	_ =	swait.ge [sflag:s20], $0x1400  }
0x4ab: {  	[sflag:s20] =	ssyncset.done $0x0  }
0x4ac: {  	[sflag:s20] =	ssyncadd.s32 $0xFFFFEC00  }
0x4ad: {  	_ =	swait.ge [sflag:s20], $0x1400  }
0x4ae: {  	[sflag:s20] =	ssyncset.done $0x0  }
0x4af: {  	[sflag:s20] =	ssyncadd.s32 $0xFFFFEC00  }
0x4b0: {  	_ =	swait.ge [sflag:s20], $0x1400  }
0x4b1: {  	[sflag:s20] =	ssyncset.done $0x0  }
0x4b2: {  	[sflag:s20] =	ssyncadd.s32 $0xFFFFEC00  }
0x4b3: {  	_ =	swait.ge [sflag:s20], $0x1400  }
0x4b4: {  	[sflag:s20] =	ssyncset.done $0x0  }
0x4b5: {  	[sflag:s20] =	ssyncadd.s32 $0xFFFFEC00  }
0x4b6: {  	_ =	swait.ge [sflag:s20], $0x1400  }
0x4b7: {  	[sflag:s20] =	ssyncset.done $0x0  }
0x4b8: {  	[sflag:s20] =	ssyncadd.s32 $0xFFFFEC00  }
0x4b9: {  	_ =	swait.ge [sflag:s28], $0xA000  }
0x4ba: {  	[sflag:s28] =	ssyncset.done $0x0  }
0x4bb: {  	s1 =	simm.s32 $0x16D38;
	[sflag:s28] =	ssyncadd.s32 $0xFFFF6000  }
0x4bc: {  	s0 =	simm.s32 $0x0;
	v4 =	vld [tilespmem:s1+$0xFFFFFFE0]  }
0x4bd: {  	s7 =	sand.u32 $0x7, s0  }
0x4be: {  	s7 =	sshll.u32 s7, $0x7  }
0x4bf: {  	s7 =	sadd.s32 $0x0, s7  }
0x4c0: {  	s14 =	sor.u32 $0x1C00, s7  }
0x4c1: {  	[tilespmem:s14+$0xB900] =	vst v4  }
0x4c2: {  	v4 =	vld [tilespmem:s1+$0xFFFFFFF0];
	_ =	sdelay $0x3  }
0x4c3: {  	s23 =	sor.u32 $0x1C10, s7  }
0x4c4: {  	[tilespmem:s23+$0xB900] =	vst v4  }
0x4c5: {  	v4 =	vld [tilespmem:s1+$0x0];
	_ =	sdelay $0x3  }
0x4c6: {  	s29 =	sor.u32 $0x1C20, s7  }
0x4c7: {  	[tilespmem:s29+$0xB900] =	vst v4  }
0x4c8: {  	v4 =	vld [tilespmem:s1+$0x10];
	_ =	sdelay $0x3  }
0x4c9: {  	s30 =	sor.u32 $0x1C30, s7  }
0x4ca: {  	[tilespmem:s30+$0xB900] =	vst v4  }
0x4cb: {  	v4 =	vld [tilespmem:s1+$0x20];
	_ =	sdelay $0x3  }
0x4cc: {  	s31 =	sor.u32 $0x1C40, s7  }
0x4cd: {  	[tilespmem:s31+$0xB900] =	vst v4  }
0x4ce: {  	v4 =	vld [tilespmem:s1+$0x30];
	_ =	sdelay $0x1  }
0x4cf: {  	v5 =	vmov s0  }
0x4d0: {  	v6 =	vshll.u32 v5, $0x7  }
0x4d1: {  	v5 =	vshll.u32 v5, $0xA;
	v6 =	vand.u32 $0x380, v6;
	s7 =	sor.u32 $0x1C50, s7  }
0x4d2: {  	[tilespmem:s7+$0xB900] =	vst v4;
	v4 =	vor.u32 v6, v5  }
0x4d3: {  	v5 =	vld [tilespmem:s1+$0x38];
	v4 =	vor.u32 v3, v4;
	_ =	sdelay $0x4  }
0x4d4: {  	s1 =	simm.s32 $0x16DB8;
	[tilespmem:v4+s21+$0x0] =	vst.idx.msk $0xffff, v5  }
0x4d5: {  	s16 =	simm.s32 $0x2;
	s14 =	simm.s32 $0x1;
	s7 =	simm.s32 $0x1;
	v4 =	vld [tilespmem:s1+$0xFFFFFFE0]  }
.LBB2_10:
0x4d6: {  	p0 =	sne.s32 s16, $0x27;
	s18 =	sand.u32 $0x7, s14  }
0x4d7: {  	s0 =	sadd.s32 $0x400, s0;
	s18 =	sshll.u32 s18, $0x7  }
0x4d8: {  	s18 =	sadd.s32 s18, s0  }
0x4d9: {  	s22 =	sor.u32 $0x1C00, s18  }
0x4da: {  	[tilespmem:s22+$0xB900] =	vst v4  }
0x4db: {  	v4 =	vld [tilespmem:s1+$0xFFFFFFF0];
	_ =	sdelay $0x3  }
0x4dc: {  	s22 =	sor.u32 $0x1C10, s18  }
0x4dd: {  	[tilespmem:s22+$0xB900] =	vst v4  }
0x4de: {  	v4 =	vld [tilespmem:s1+$0x0];
	_ =	sdelay $0x3  }
0x4df: {  	s22 =	sor.u32 $0x1C20, s18  }
0x4e0: {  	[tilespmem:s22+$0xB900] =	vst v4  }
0x4e1: {  	v4 =	vld [tilespmem:s1+$0x10];
	_ =	sdelay $0x3  }
0x4e2: {  	s22 =	sor.u32 $0x1C30, s18  }
0x4e3: {  	[tilespmem:s22+$0xB900] =	vst v4  }
0x4e4: {  	v4 =	vld [tilespmem:s1+$0x20];
	_ =	sdelay $0x3  }
0x4e5: {  	s22 =	sor.u32 $0x1C40, s18  }
0x4e6: {  	[tilespmem:s22+$0xB900] =	vst v4  }
0x4e7: {  	v4 =	vld [tilespmem:s1+$0x30];
	_ =	sdelay $0x1  }
0x4e8: {  	v5 =	vmov s7;
	s7 =	smov.u32 s16  }
0x4e9: {  	v6 =	vshll.u32 v5, $0x7  }
0x4ea: {  	v5 =	vshll.u32 v5, $0xA;
	v6 =	vand.u32 $0x380, v6;
	s18 =	sor.u32 $0x1C50, s18  }
0x4eb: {  	[tilespmem:s18+$0xB900] =	vst v4;
	v4 =	vor.u32 v6, v5  }
0x4ec: {  	v5 =	vld [tilespmem:s1+$0x38];
	v4 =	vor.u32 v3, v4;
	_ =	sdelay $0x1  }
.Ltmp4:
0x4ed: {  	(pc) =	sbr.rel @p0 .LBB2_10-.Ltmp4, $3  }
0x4ee: {  	_ =	sdelay $0x1  }
0x4ef: {  	s1 =	sadd.s32 $0x80, s1;
	[tilespmem:v4+s21+$0x0] =	vst.idx.msk $0xffff, v5  }
0x4f0: {  	s16 =	sadd.s32 $0x1, s16;
	s14 =	sadd.s32 $0x1, s14;
	v4 =	vld [tilespmem:s1+$0xFFFFFFE0]  }
0x4f1: {  	s14 =	sand.u32 $0x7, s14  }
0x4f2: {  	s0 =	sadd.s32 $0x400, s0;
	s14 =	sshll.u32 s14, $0x7  }
0x4f3: {  	s0 =	sadd.s32 s14, s0  }
0x4f4: {  	s14 =	sor.u32 $0x1C00, s0  }
0x4f5: {  	[tilespmem:s14+$0xB900] =	vst v4  }
0x4f6: {  	v4 =	vld [tilespmem:s1+$0xFFFFFFF0];
	_ =	sdelay $0x3  }
0x4f7: {  	s16 =	sor.u32 $0x1C10, s0  }
0x4f8: {  	[tilespmem:s16+$0xB900] =	vst v4  }
0x4f9: {  	v4 =	vld [tilespmem:s1+$0x0];
	_ =	sdelay $0x3  }
0x4fa: {  	s18 =	sor.u32 $0x1C20, s0  }
0x4fb: {  	[tilespmem:s18+$0xB900] =	vst v4  }
0x4fc: {  	v4 =	vld [tilespmem:s1+$0x10];
	_ =	sdelay $0x3  }
0x4fd: {  	s22 =	sor.u32 $0x1C30, s0  }
0x4fe: {  	[tilespmem:s22+$0xB900] =	vst v4  }
0x4ff: {  	v4 =	vld [tilespmem:s1+$0x20];
	_ =	sdelay $0x3  }
0x500: {  	s23 =	sor.u32 $0x1C40, s0  }
0x501: {  	[tilespmem:s23+$0xB900] =	vst v4  }
0x502: {  	v4 =	vld [tilespmem:s1+$0x30];
	_ =	sdelay $0x1  }
0x503: {  	v5 =	vmov s7  }
0x504: {  	v6 =	vshll.u32 v5, $0x7  }
0x505: {  	v5 =	vshll.u32 v5, $0xA;
	v6 =	vand.u32 $0x380, v6;
	s0 =	sor.u32 $0x1C50, s0  }
0x506: {  	[tilespmem:s0+$0xB900] =	vst v4;
	v4 =	vor.u32 v6, v5  }
0x507: {  	v5 =	vld [tilespmem:s1+$0x38];
	v4 =	vor.u32 v3, v4;
	_ =	sdelay $0x4  }
0x508: {  	s29 =	rddreg [dreg:$0x6];
	[tilespmem:v4+s21+$0x0] =	vst.idx.msk $0xffff, v5  }
0x509: {  	[hbm4b:s29+s3] =	stream.linear.scatter [tilespmem:s21], [sflag:$0x2], $0xA000, $0x38;
	[tilespmem:$0x18100] =	vst v63  }
0x50a: {  	_ =	swait.ge [sflag:s28], $0xA000  }
0x50b: {  	s30 =	rddreg [dreg:$0x8]  }
0x50c: {  	s31 =	rddreg [dreg:$0x7];
	s1 =	sadd.s32 $0x1, s30  }
0x50d: {  	p0 =	sne.s32 s1, s31  }
.Ltmp5:
0x50e: {  	_ = 	snop;
	(pc) =	sbr.rel @p0 .LBB2_1-.Ltmp5, $3  }
0x50f: {  	_ =	sdelay $0x1  }
0x510: {  	[sflag:s28] =	ssyncset.done $0x0  }
0x511: {  	[sflag:s28] =	ssyncadd.s32 $0xFFFF6000  }
0x512: {  	_ =	sfence.sel $0x180000  }
0x513: {  	[bflag:$0x0] =	sbarrier.arrive $0xFFFF  }
0x514: {  	_ =	strace $0x90000047  }
0x515: {  	s0 =	stileid.u32;
	[bflag:$0x2] =	sbarrier.arrive $0xFFFF  }
0x516: {  	p0 =	sne.s32 s0, $0x0;
	s0 =	rddreg [dreg:$0x3]  }
0x517: {  	s0 =	sadd.s32 @!p0 $0x100000, s0  }
0x518: {  	[sflag:s0] =	ssyncadd.tile.s32 @!p0 $0x1;
	_ =	shalt  }
.Lfunc_end2:
_tile_overlayer_lowered:
.L_overlay_start_2:
0x519: {  	(tag) =	ssettag $0x2  }
0x51a: {  	s0 =	rddreg [dreg:$0x0];
	s2 =	stileid.u32  }
0x51b: {  	s1 =	rddreg [dreg:$0x1];
	p0 =	sne.s32 s2, $0x0  }
0x51c: {  	s3 =	rddreg [dreg:$0x2];
	[bflag:$0x3] =	sbarrier.arrive $0xFFFF;
	s2 =	simm.s32 @!p0 $0x1C03  }
0x51d: {  	[timem:s3], [sflag:s2] =	dma.local @!p0 [hbm:s0], s1  }
0x51e: {  	s0 =	simm.s32 @!p0 $0x3  }
0x51f: {  	_ =	swait.ge @!p0 [sflag:s0], s1  }
0x520: {  	s1 =	ssub.s32 @!p0 $0x0, s1;
	[sflag:s0] =	ssyncset.done @!p0 $0x0  }
0x521: {  	[sflag:s0] =	ssyncadd.s32 @!p0 s1  }
0x522: {  	[bflag:$0x3] =	sbarrier.arrive $0xFFFF  }
0x523: {  	_ =	shalt  }

// kernel: sparse-core-data-format-call.cloned.1.call-start
scs
called_computation_lowered:
.L_overlay_start_0:
0x0: {  	s2 =	sld [smem:$0x3FD9]  }
0x1: {  	s3 =	sld [smem:$0x3FFE];
	_ =	sdelay $0x1  }
0x2: {  	s1 =	srdreg.scid  }
0x3: {  	s0 =	sand.u32 $0x1, s1  }
0x4: {  	s18 =	sshll.u32 s0, $0xA;
	s2 =	sadd.s32 s3, s2  }
0x5: {  	s2 =	sadd.s32 s2, s18  }
0x6: {  	[smem:$0x3FC6] =	sst s2  }
0x7: {  	_ = 	snop  }
0x8: {  	s2 =	sld [smem:$0x3FD0];
	(tm) =	ssettm $0x1  }
0x9: {  	s19 =	sld [smem:$0x3FFB];
	_ =	sdelay $0x3  }
0xa: {  	_ =	strace s19  }
0xb: {  	s3 =	sld [smem:$0x3FFC];
	_ =	sdelay $0x3  }
0xc: {  	_ =	strace s3  }
0xd: {  	s3 =	sld [smem:$0x3FFD];
	_ =	sdelay $0x3  }
0xe: {  	_ =	strace s3  }
0xf: {  	_ =	strace $0x8FFFFFFF  }
0x10: {  	s20 =	sld [smem:$0x3FDB];
	_ =	sdelay $0x1  }
0x11: {  	s4 =	simm.s32 $_scs_section_size  }
0x12: {  	s5 =	simm.s32 $_size__tile_overlayer_lowered;
	s6 =	simm.s32 $_tile_overlayer_lowered  }
0x13: {  	s23 =	simm.s32 $0x1BFF;
	s22 =	sshll.u32 s6, $0x1;
	s3 =	sadd.s32 s4, s20  }
0x14: {  	s7 =	simm.s32 $0x0;
	s21 =	sshll.u32 s5, $0x1;
	s5 =	sadd.s32 s22, s3  }
0x15: {  	[timem:s7], [sflag:s23] =	dma.local [hbm:s5], s21  }
0x16: {  	_ =	swait.ge [sflag:s23], s21  }
0x17: {  	s4 =	ssub.s32 $0x0, s21;
	[sflag:s23] =	ssyncset.done $0x0  }
0x18: {  	[sflag:s23] =	ssyncadd.s32 s4;
	_ =	sdelay $0x1  }
0x19: {  	s24 =	simm.s32 $0x1B8B  }
0x1a: {  	_ =	swait.ge [sflag:s24], $0x1  }
0x1b: {  	[sflag:s24] =	ssyncset.done $0x0  }
0x1c: {  	s26 =	simm.s32 $0x1B8E;
	s25 =	sld [smem:$0x3FFE];
	[sflag:s24] =	ssyncadd.s32 $0xFFFFFFFF  }
0x1d: {  	s27 =	simm.s32 $execute0_lowered;
	[smem:$0x3FD2] =	sst s26  }
0x1e: {  	s5 =	sshll.u32 s27, $0x1;
	_ =	strace $0x80000049;
	[dreg:$0x1] =	wrdreg $0xFFFFFFFF  }
0x1f: {  	s28 =	simm.s32 $_size_execute0_lowered;
	s3 =	sadd.s32 s3, s5;
	[dreg:$0x0] =	wrdreg $0x0  }
0x20: {  	s5 =	sshll.u32 s28, $0x1;
	[dreg:$0x2] =	wrdreg s3  }
0x21: {  	[dreg:$0x3] =	wrdreg s5  }
0x22: {  	[dreg:$0x4] =	wrdreg $0xC0  }
0x23: {  	_ =	task [dreg:s7], $0x5FFFF  }
0x24: {  	[dreg:$0x1] =	wrdreg $0xFFFFFFFF  }
0x25: {  	[dreg:$0x0] =	wrdreg $0x60  }
0x26: {  	[dreg:$0x2] =	wrdreg s25  }
0x27: {  	[dreg:$0x3] =	wrdreg s2  }
0x28: {  	[dreg:$0x4] =	wrdreg $0x9  }
0x29: {  	_ =	task.clear_ibuf [dreg:s7], $0x5FFFF;
	_ =	strace $0x90000049  }
0x2a: {  	s29 =	simm.s32 $0x9;
	_ =	strace $0x8000004B  }
0x2b: {  	_ =	swait.ge [sflag:s29], $0x1  }
0x2c: {  	[sflag:s29] =	ssyncadd.s32 $0xFFFFFFFF  }
0x2d: {  	_ =	strace $0x9000004B  }
0x2e: {  	_ =	sfence  }
0x2f: {  	s30 =	sld [smem:$0x0];
	_ =	sdelay $0x2  }
0x30: {  	s31 =	sshll.u32 s1, $0xD;
	s1 =	sshrl.u32 s1, $0x2  }
0x31: {  	s3 =	sand.u32 $0x4000, s31;
	s1 =	sadd.s32 s1, s30  }
0x32: {  	s0 =	sor.u32 s3, s0;
	s1 =	sshll.u32 s1, $0x11  }
0x33: {  	s0 =	sor.u32 s1, s0  }
0x34: {  	s0 =	sadd.s32 $0x8F2B, s0  }
0x35: {  	[sflag:s0] =	ssyncadd.remote.s32 $0x1  }
0x36: {  	_ =	sfence.sel $0xFFFF  }
0x37: {  	[dreg:$0x0] =	wrdreg $0xFFFFFFFF;
	(pc) =	sbr.abs _section_cstart, $3  }
0x38: {  	[dreg:$0x1] =	wrdreg $0xFFFFFFFF  }
0x39: {  	_ =	task.clear_ibuf [dreg:s7], $0x2FFFF;
	_ =	strace $0x9FFFFFFF  }
0x3a: {  	(tm) =	ssettm $0x7FFFFFFF  }
0x3b: {  	_ =	shalt  }
tec
execute0_lowered:
.L_overlay_start_1:
0x0: {  	(tag) =	ssettag $0x1  }
0x1: {  	s4 =	rddreg [dreg:$0x0]  }
0x2: {  	s0 =	stileid.u32;
	s2 =	rddreg [dreg:$0x1]  }
0x3: {  	s7 =	srdreg.scid;
	s31 =	simm.s32 $0x2;
	s17 =	simm.s32 $0x0  }
0x4: {  	s9 =	simm.s32 $0x2000;
	s19 =	simm.s32 $0x0;
	s18 =	simm.s32 $0x0  }
0x5: {  	s10 =	simm.s32 $0x0;
	s11 =	simm.s32 $0x0;
	s1 =	sshll.u32 s0, $0x7  }
0x6: {  	s12 =	simm.s32 $0x0;
	s14 =	simm.s32 $0x0;
	s3 =	sand.u32 $0x380, s1  }
0x7: {  	s16 =	simm.s32 $0x0;
	s4 =	sadd.s32 $0x4800, s4;
	s5 =	ssub.s32 $0x400, s3  }
0x8: {  	s8 =	sshll.u32 s0, $0x4;
	s7 =	sshll.u32 s7, $0x8;
	s6 =	sand.u32 $0x380, s5  }
0x9: {  	s1 =	rddreg [dreg:$0x2];
	p0 =	sne.s32 s6, $0x0;
	s6 =	simm.s32 $0x1  }
.Ltmp0:
0xa: {  	s5 =	sshrl.u32 s5, $0xA;
	s6 =	simm.s32 @!p0 $0x0;
	(pc) =	sbr.rel .LBB1_1-.Ltmp0, $4  }
0xb: {  	_ =	strace $0x8000004A;
	s7 =	sor.u32 s8, s7;
	s6 =	sadd.s32 s6, s5  }
0xc: {  	s7 =	sand.u32 $0x180, s7;
	s5 =	simm.s32 $0x1;
	s6 =	smul.u32 $0x190, s6  }
0xd: {  	s15 =	smov.u32 s3;
	s13 =	smov.u32 s7;
	[sflag:s5] =	ssyncpa.u1 $0x0  }
0xe: {  	p0 =	por $0x0, $0x0;
	[sflag:s31] =	ssyncpa.u1 $0x0;
	s8 =	sor.u32 $0x1, s6  }
.LBB1_4:
0xf: {  	s25 =	sshll.u32 s10, $0xA;
	s24 =	sshra.s32 s24, $0x2;
	s26 =	sshll.u32 s12, $0x3  }
0x10: {  	p1 =	sgt.s32 s11, $0xC7;
	s27 =	smov.u32 s11;
	s28 =	sshra.s32 s11, $0x1F  }
0x11: {  	p2 =	sgt.s32 s12, $0x380;
	s31 =	sshra.s32 s12, $0x1F;
	s25 =	sand.u32 $0xFFFFE000, s25  }
0x12: {  	s26 =	sand.u32 $0xFFFFFC00, s26;
	s27 =	simm.s32 @!p1 $0xC7;
	s28 =	sand.u32 s28, s11  }
0x13: {  	[tilespmem:s22+$0x2040 ss:$0x81] =	vst.msk $0xffff, v4;
	s23 =	sadd.s32 s24, s23;
	s29 =	sadd.s32 s26, s25;
	s25 =	ssub.s32 s27, s28  }
0x14: {  	[tilespmem:s22+$0x2850 ss:$0x81] =	vst.msk $0xffff, v3;
	s27 =	smov.u32 s12;
	s28 =	smov.u32 s10;
	s26 =	sand.u32 s31, s12  }
0x15: {  	[tilespmem:s22+$0x3060 ss:$0x81] =	vst.msk $0xffff, v2;
	s24 =	sshrl.u32 s29, $0xA;
	s30 =	sadd.s32 $0xFFFFFF39, s25;
	s27 =	simm.s32 @!p2 $0x380  }
0x16: {  	v5 =	vld [tilespmem:s21+$0xFFFFFFD0];
	[tilespmem:s22+$0x0 ss:$0x81] =	vst.msk $0xffff, v1;
	p2 =	sgt.s32 s10, $0x368;
	s29 =	sshra.s32 s10, $0x1F;
	s22 =	ssub.s32 $0xC8, s25  }
0x17: {  	v58 =	vld [tilespmem:s21+$0xFFFFFFE0];
	p1 =	sgt.s32 s30, $0x0;
	s28 =	simm.s32 @!p2 $0x368;
	s29 =	sand.u32 s29, s10  }
0x18: {  	v59 =	vld [tilespmem:s21+$0xFFFFFFF0];
	s26 =	ssub.s32 s27, s26;
	s27 =	smulhi.u32 $0x418938, s24;
	s28 =	ssub.s32 s28, s29  }
0x19: {  	v60 =	vld [tilespmem:s21+$0x0];
	s30 =	sadd.s32 $0xFFFFFC80, s26;
	s25 =	ssub.s32 $0x400, s26;
	s22 =	simm.s32 @p1 $0x0  }
0x1a: {  	v61 =	vld [tilespmem:s21+$0x10];
	[tilespmem:s23+$0x3870 ss:$0x81] =	vst.msk $0xffff, v0;
	s29 =	sand.u32 $0x78, s12;
	p2 =	sgt.s32 s30, $0x7F;
	s31 =	sadd.s32 $0xFFFFFC98, s28  }
0x1b: {  	v62 =	vld [tilespmem:s21+$0x20];
	[tilespmem:s23+$0x810 ss:$0x81] =	vst.msk $0xffff, v5;
	s27 =	smul.u32 $0x3E8, s27;
	s30 =	sshll.u32 s10, $0x7;
	s28 =	ssub.s32 $0x3E8, s28  }
0x1c: {  	v63 =	vld [tilespmem:s21+$0xFFFFFFC0];
	[tilespmem:s23+$0x1020 ss:$0x81] =	vst.msk $0xffff, v58;
	s25 =	simm.s32 @p2 $0x0;
	p1 =	sgt.s32 s31, $0x7F;
	s31 =	smul.u32 $0x1F400, s11  }
0x1d: {  	[tilespmem:s23+$0x1830 ss:$0x81] =	vst.msk $0xffff, v59;
	s21 =	sand.u32 $0x380, s30;
	s22 =	smul.u32 s25, s22;
	s28 =	simm.s32 @p1 $0x0  }
0x1e: {  	[tilespmem:s23+$0x2040 ss:$0x81] =	vst.msk $0xffff, v60;
	s21 =	sor.u32 s29, s21;
	s24 =	ssub.s32 s24, s27;
	s29 =	sand.u32 $0x7, s12  }
0x1f: {  	[tilespmem:s23+$0x2850 ss:$0x81] =	vst.msk $0xffff, v61;
	s21 =	sshrl.u32 s21, $0x3;
	s25 =	sadd.s32 s2, s31;
	s22 =	smul.u32 s28, s22  }
0x20: {  	[tilespmem:s23+$0x3060 ss:$0x81] =	vst.msk $0xffff, v62;
	s24 =	sshll.u32 s24, $0x7;
	s30 =	sshll.u32 s29, $0x12;
	s21 =	sadd.s32 s21, s25  }
0x21: {  	[tilespmem:s23+$0x0 ss:$0x81] =	vst.msk $0xffff, v63;
	s31 =	sor.u32 $0x400, s30;
	s21 =	sadd.s32 s24, s21;
	s22 =	sand.u32 $0x3FFFFFFF, s22  }
0x22: {  	[hbm4b:s21+s31] =	stream.strided.scatter [tilespmem:s20], [sflag:$0x2], s22, s9, s31, $0x20;
	[tilespmem:$0x10100] =	vst v63  }
.LBB1_5:
0x23: {  	p1 =	slt.u32 s16, $0x2  }
0x24: {  	p2 =	sgt.s32 @!p1 s19, $0xC7  }
0x25: {  	s20 =	smov.u32 s19;
	s21 =	sshra.s32 @!p1 s19, $0x1F;
	p2 =	por !p2, p1  }
0x26: {  	s19 =	sand.u32 @!p1 s21, s19;
	s20 =	simm.s32 @p2 $0xC7  }
0x27: {  	p3 =	sgt.s32 @!p1 s17, $0x368;
	s19 =	ssub.s32 @!p1 s20, s19  }
0x28: {  	p4 =	sgt.s32 @!p1 s18, $0x380;
	s22 =	sshra.s32 @!p1 s18, $0x1F;
	s20 =	sadd.s32 @!p1 $0xFFFFFF39, s19  }
0x29: {  	s21 =	smov.u32 s17;
	p2 =	sgt.s32 @!p1 s20, $0x0;
	s20 =	sshra.s32 @!p1 s17, $0x1F  }
0x2a: {  	p4 =	por !p4, p1;
	s17 =	sand.u32 @!p1 s20, s17;
	s20 =	smov.u32 s18  }
0x2b: {  	p3 =	por !p3, p1;
	s18 =	sand.u32 @!p1 s22, s18;
	s20 =	simm.s32 @p4 $0x380  }
0x2c: {  	s21 =	simm.s32 @p3 $0x368;
	s19 =	ssub.s32 @!p1 $0xC8, s19;
	s18 =	ssub.s32 @!p1 s20, s18  }
0x2d: {  	p2 =	por !p2, p1;
	s17 =	ssub.s32 @!p1 s21, s17;
	s21 =	sadd.s32 @!p1 $0xFFFFFC80, s18  }
0x2e: {  	s19 =	simm.s32 @!p2 $0x0;
	p3 =	sgt.s32 @!p1 s21, $0x7F  }
0x2f: {  	s20 =	sadd.s32 @!p1 $0xFFFFFC98, s17;
	s18 =	ssub.s32 @!p1 $0x400, s18;
	p3 =	por !p3, p1  }
0x30: {  	p2 =	sgt.s32 @!p1 s20, $0x7F;
	s20 =	sadd.s32 $0x200, s13;
	s18 =	simm.s32 @!p3 $0x0  }
0x31: {  	p3 =	sgt.s32 s20, $0x3E7;
	s18 =	smul.u32 @!p1 s18, s19;
	s19 =	simm.s32 $0x1  }
0x32: {  	s17 =	ssub.s32 @!p1 $0x3E8, s17;
	p2 =	por !p2, p1;
	s19 =	simm.s32 @!p3 $0x0  }
0x33: {  	s22 =	smov.u32 s15;
	s17 =	simm.s32 @!p2 $0x0;
	s21 =	sadd.s32 s19, s14  }
0x34: {  	s17 =	smul.u32 @!p1 s17, s18;
	s18 =	sadd.s32 $0x400, s15;
	p2 =	sgt.s32 s21, $0xC7  }
0x35: {  	p0 =	por !p0, !p0;
	s23 =	simm.s32 @!p1 $0x2;
	s22 =	smov.u32 @p2 s18  }
0x36: {  	s20 =	smov.u32 @p3 s7;
	s21 =	simm.s32 @p2 $0x0;
	p2 =	sgt.s32 s22, $0x3FF  }
0x37: {  	s19 =	smov.u32 s11;
	s22 =	smov.u32 @p2 s3;
	p2 =	sne.s32 s16, s8  }
.Ltmp1:
0x38: {  	s11 =	smov.u32 s14;
	s17 =	sand.u32 @!p1 $0x3FFFFFFF, s17;
	(pc) =	sbr.rel @!p2 .LBB1_6-.Ltmp1, $4  }
0x39: {  	s18 =	smov.u32 s12;
	s12 =	smov.u32 s15;
	_ =	swait.ge @!p1 [sflag:s23], s17  }
0x3a: {  	s24 =	ssub.s32 @!p1 $0x0, s17;
	s17 =	smov.u32 s10;
	s10 =	smov.u32 s13  }
0x3b: {  	s13 =	smov.u32 s20;
	s14 =	smov.u32 s21;
	[sflag:s23] =	ssyncset.done @!p1 $0x0  }
0x3c: {  	s16 =	sadd.s32 $0x1, s16;
	[sflag:s23] =	ssyncadd.s32 @!p1 s24;
	s15 =	smov.u32 s22  }
.LBB1_1:
0x3d: {  	p1 =	sge.u32 s16, s6  }
0x3e: {  	s20 =	sshll.u32 @!p1 s14, $0xA  }
0x3f: {  	s21 =	sshll.u32 @!p1 s13, $0x3;
	s20 =	sand.u32 @!p1 $0xFFFFE000, s20  }
0x40: {  	s20 =	sadd.s32 @!p1 s20, s21  }
0x41: {  	s20 =	sshrl.u32 @!p1 s20, $0xA  }
0x42: {  	s21 =	smulhi.u32 @!p1 $0x147AE15, s20  }
0x43: {  	s22 =	sshll.u32 @!p1 s14, $0x7;
	s24 =	smul.u32 @!p1 $0x6400, s15  }
0x44: {  	s23 =	sand.u32 @!p1 $0x78, s13;
	s22 =	sand.u32 @!p1 $0x380, s22;
	s21 =	smul.u32 @!p1 $0xC8, s21  }
0x45: {  	s31 =	sadd.s32 $0xFFFFFFFF, s16;
	s22 =	sor.u32 @!p1 s23, s22;
	s23 =	sadd.s32 @!p1 s4, s24  }
0x46: {  	s22 =	sshrl.u32 @!p1 s22, $0x3;
	s20 =	ssub.s32 @!p1 s20, s21;
	s21 =	sxor.u32 @!p1 $0xFFFFFFFF, s16  }
0x47: {  	s22 =	sadd.s32 @!p1 s22, s23;
	s23 =	sand.u32 @!p1 $0x7, s13;
	s21 =	sshll.u32 @!p1 s21, $0xE  }
0x48: {  	s23 =	sshll.u32 @!p1 s23, $0x12;
	s20 =	sshll.u32 @!p1 s20, $0x7;
	s21 =	sand.u32 @!p1 $0x4000, s21  }
0x49: {  	s20 =	sadd.s32 @!p1 s20, s22;
	s22 =	sor.u32 @!p1 $0x80, s23;
	s23 =	simm.s32 @!p1 $0x32000  }
0x4a: {  	[tilespmem:s21], [sflag:$0x1] =	stream.strided.gather @!p1 [hbm4b:s20+s22], $0x4000, s23, s22, $0x38;
	[tilespmem:$0x10100] =	vst v63  }
0x4b: {  	p1 =	sge.u32 s31, s6  }
.Ltmp2:
0x4c: {  	_ = 	snop;
	(pc) =	sbr.rel @p1 .LBB1_5-.Ltmp2, $1  }
0x4d: {  	_ =	sdelay $0x3  }
0x4e: {  	s20 =	simm.s32 $0x1  }
0x4f: {  	_ =	swait.ge [sflag:s5], $0x4000;
	s20 =	simm.s32 @!p0 $0x0  }
0x50: {  	[sflag:s5] =	ssyncset.done $0x0;
	s21 =	sshll.u32 s20, $0xE  }
0x51: {  	[sflag:s5] =	ssyncadd.s32 $0xFFFFC000;
	s21 =	sor.u32 $0x40, s21  }
0x52: {  	s20 =	smul.u32 $0x10200, s20;
	v0 =	vld [tilespmem:s21+$0x30]  }
0x53: {  	v1 =	vld [tilespmem:s21+$0xFFFFFFD0]  }
0x54: {  	s20 =	sshrl.u32 s20, $0x2;
	v5 =	vld [tilespmem:s21+$0xFFFFFFE0]  }
0x55: {  	v6 =	vld [tilespmem:s21+$0xFFFFFFF0];
	s23 =	sor.u32 $0x8000, s20  }
0x56: {  	s31 =	sand.u32 $0x1, s16;
	v4 =	vld [tilespmem:s21+$0x0];
	s22 =	sadd.s32 $0x0, s23  }
0x57: {  	v3 =	vld [tilespmem:s21+$0x10];
	s20 =	smul.u32 $0x10200, s31;
	[tilespmem:s22+$0x3870 ss:$0x81] =	vst.msk $0xffff, v0  }
0x58: {  	v2 =	vld [tilespmem:s21+$0x20];
	[tilespmem:s22+$0x810 ss:$0x81] =	vst.msk $0xffff, v1  }
0x59: {  	s20 =	sshrl.u32 s20, $0x2;
	v1 =	vld [tilespmem:s21+$0xFFFFFFC0];
	[tilespmem:s22+$0x1020 ss:$0x81] =	vst.msk $0xffff, v5;
	s21 =	sadd.s32 $0x80, s21  }
0x5a: {  	s24 =	simm.s32 $0x4;
	s25 =	simm.s32 $0x8;
	s20 =	sor.u32 $0x8000, s20;
	[tilespmem:s22+$0x1830 ss:$0x81] =	vst.msk $0xffff, v6;
	v0 =	vld [tilespmem:s21+$0x30]  }
.LBB1_3:
0x5b: {  	p1 =	sne.s32 s25, $0x1FC;
	v5 =	vld [tilespmem:s21+$0xFFFFFFD0];
	[tilespmem:s22+$0x2040 ss:$0x81] =	vst.msk $0xffff, v4  }
0x5c: {  	v6 =	vld [tilespmem:s21+$0xFFFFFFE0];
	[tilespmem:s22+$0x2850 ss:$0x81] =	vst.msk $0xffff, v3  }
0x5d: {  	s26 =	sshra.s32 s24, $0x2;
	s24 =	smov.u32 s25;
	v7 =	vld [tilespmem:s21+$0xFFFFFFF0];
	[tilespmem:s22+$0x3060 ss:$0x81] =	vst.msk $0xffff, v2  }
.Ltmp3:
0x5e: {  	v4 =	vld [tilespmem:s21+$0x0];
	[tilespmem:s22+$0x0 ss:$0x81] =	vst.msk $0xffff, v1;
	s22 =	sadd.s32 s26, s23;
	(pc) =	sbr.rel @p1 .LBB1_3-.Ltmp3, $4  }
0x5f: {  	v3 =	vld [tilespmem:s21+$0x10];
	[tilespmem:s22+$0x3870 ss:$0x81] =	vst.msk $0xffff, v0  }
0x60: {  	[tilespmem:s22+$0x810 ss:$0x81] =	vst.msk $0xffff, v5;
	v2 =	vld [tilespmem:s21+$0x20]  }
0x61: {  	v1 =	vld [tilespmem:s21+$0xFFFFFFC0];
	[tilespmem:s22+$0x1020 ss:$0x81] =	vst.msk $0xffff, v6;
	s21 =	sadd.s32 $0x80, s21  }
0x62: {  	s25 =	sadd.s32 $0x4, s25;
	v0 =	vld [tilespmem:s21+$0x30];
	[tilespmem:s22+$0x1830 ss:$0x81] =	vst.msk $0xffff, v7  }
.Ltmp4:
0x63: {  	_ = 	snop;
	(pc) =	sbr.rel .LBB1_4-.Ltmp4, $1  }
0x64: {  	_ =	sdelay $0x3  }
.LBB1_6:
0x65: {  	_ =	sfence.sel $0x180000  }
0x66: {  	s2 =	simm.s32 $0x1;
	[bflag:$0x0] =	sbarrier.arrive $0xFFFF  }
0x67: {  	s31 =	simm.s32 $0x2;
	[sflag:s2] =	ssyncpa.u1 $0x1  }
0x68: {  	[sflag:s31] =	ssyncpa.u1 $0x1  }
0x69: {  	p0 =	sne.s32 s0, $0x0;
	_ =	strace $0x9000004A  }
0x6a: {  	s0 =	sadd.s32 @!p0 $0x100000, s1;
	[bflag:$0x2] =	sbarrier.arrive $0xFFFF  }
0x6b: {  	[sflag:s0] =	ssyncadd.tile.s32 @!p0 $0x1;
	_ =	shalt  }
.Lfunc_end1:
_tile_overlayer_lowered:
.L_overlay_start_2:
0x6c: {  	(tag) =	ssettag $0x2  }
0x6d: {  	s0 =	rddreg [dreg:$0x0];
	s2 =	stileid.u32  }
0x6e: {  	s1 =	rddreg [dreg:$0x1];
	p0 =	sne.s32 s2, $0x0  }
0x6f: {  	s3 =	rddreg [dreg:$0x2];
	[bflag:$0x3] =	sbarrier.arrive $0xFFFF;
	s2 =	simm.s32 @!p0 $0x1C01  }
0x70: {  	[timem:s3], [sflag:s2] =	dma.local @!p0 [hbm:s0], s1  }
0x71: {  	s0 =	simm.s32 @!p0 $0x1  }
0x72: {  	_ =	swait.ge @!p0 [sflag:s0], s1  }
0x73: {  	s1 =	ssub.s32 @!p0 $0x0, s1;
	[sflag:s0] =	ssyncset.done @!p0 $0x0  }
0x74: {  	[sflag:s0] =	ssyncadd.s32 @!p0 s1  }
0x75: {  	[bflag:$0x3] =	sbarrier.arrive $0xFFFF  }
0x76: {  	_ =	shalt  }

</sc_bundles>
